<compile_context>
chip_gen: v7x
topology: tpu7x:2x2x1
jax: 0.10.2.dev20260603
libtpu: 0.0.44.dev20260713+nightly
codegen_flags: <defaults>
</compile_context>

<pallas_src>
import functools

import jax
import jax.numpy as jnp
from jax import lax
from jax.experimental import pallas as pl
from jax.experimental.pallas import tpu as pltpu
from jax.experimental.pallas import tpu_sc as plsc

_N = 10000
_E = 320000
_D = 128
_H = 64
_H2 = 32
_WA = 128
_NC = 2
_NS = 16
_CH = 128
_RCH = _E // _CH
_CPW = 80
_G = 24
_CHPAD = _NC * _NS * _CPW + _G
_ZROWS = 79
_NPAD = 10112
_ZPT = _NPAD // _NS
_BM = 1000


def _sc_segsum(width, name):
    mesh = plsc.VectorSubcoreMesh(core_axis_name="c", subcore_axis_name="s")

    @functools.partial(
        pl.kernel,
        mesh=mesh,
        name=name,
        out_type=jax.ShapeDtypeStruct((_NC, _NPAD, width), jnp.float32),
        scratch_types=[
            pltpu.VMEM((_G, _CH), jnp.int32),
            pltpu.VMEM((_G, _CH), jnp.int32),
            pltpu.VMEM((_CH, _WA), jnp.float32),
            pltpu.VMEM((_CH, _WA), jnp.float32),
            pltpu.VMEM((_ZROWS, _CH), jnp.float32),
            pltpu.VMEM_SHARED((_NPAD, _WA), jnp.float32),
            pltpu.SemaphoreType.DMA,
            pltpu.SemaphoreType.DMA,
        ],
    )
    def k(feat_hbm, src_hbm, dst_hbm, out_hbm,
          src_v, dst_v, rows0_v, rows1_v, zero_v, acc_sh, sem0, sem1):
        c = lax.axis_index("c")
        s = lax.axis_index("s")
        wid = c * _NS + s
        base = wid * _CPW
        nch = jnp.clip(_RCH - base, 0, _CPW)

        def zfill(i, carry):
            zero_v[i >> 3, pl.ds((i & 7) * 16, 16)] = jnp.zeros(
                (16,), jnp.float32)
            return carry

        lax.fori_loop(0, _ZROWS * 8, zfill, 0)
        for q in range(_ZPT // _ZROWS):
            pltpu.sync_copy(zero_v,
                            acc_sh.at[pl.ds(s * _ZPT + q * _ZROWS, _ZROWS)])
        plsc.subcore_barrier()

        rows = (rows0_v, rows1_v)
        sems = (sem0, sem1)

        def group_body(gi, carry):
            gbase = base + gi * _G
            pltpu.sync_copy(src_hbm.at[pl.ds(gbase, _G)], src_v)
            pltpu.sync_copy(dst_hbm.at[pl.ds(gbase, _G)], dst_v)
            nc = jnp.clip(nch - gi * _G, 0, _G)
            pltpu.async_copy(feat_hbm.at[src_v.at[0]], rows0_v, sem0)
            pltpu.async_copy(feat_hbm.at[src_v.at[1]], rows1_v, sem1)

            def pair_body(g, carry2):
                for b in range(2):
                    kc = 2 * g + b
                    pltpu.make_async_copy(
                        feat_hbm.at[src_v.at[kc]], rows[b], sems[b]).wait()
                    pltpu.sync_copy(rows[b], acc_sh.at[dst_v.at[kc]],
                                    add=True)
                    pltpu.async_copy(
                        feat_hbm.at[src_v.at[kc + 2]], rows[b], sems[b])
                return carry2

            lax.fori_loop(0, (nc - 2) // 2, pair_body, carry)
            for b in range(2):
                kc = nc - 2 + b
                pltpu.make_async_copy(
                    feat_hbm.at[src_v.at[kc]], rows[b], sems[b]).wait()
                pltpu.sync_copy(rows[b], acc_sh.at[dst_v.at[kc]], add=True)
            return carry

        lax.fori_loop(0, (nch + _G - 1) // _G, group_body, 0)
        plsc.subcore_barrier()
        pltpu.sync_copy(acc_sh.at[pl.ds(s * _ZPT, _ZPT)],
                        out_hbm.at[c, pl.ds(s * _ZPT, _ZPT)])

    return k


def _tc1_body(x_ref, wl_ref, wr_ref, b_ref, aug_ref, r1_ref):
    xb = x_ref[...]
    p = jnp.dot(xb, wl_ref[...], preferred_element_type=jnp.float32)
    ones = jnp.ones((_BM, 1), jnp.float32)
    zpad = jnp.zeros((_BM, _WA - _H - 1), jnp.float32)
    aug_ref[...] = jnp.concatenate([p, ones, zpad], axis=1)
    r1_ref[...] = (jnp.dot(xb, wr_ref[...], preferred_element_type=jnp.float32)
                   + b_ref[...])


def _tc2_body(aa_ref, ab_ref, r1_ref, wl_ref, wr_ref, b_ref,
              p2_ref, r2_ref, inv_ref):
    agg = aa_ref[0] + ab_ref[0]
    inv = 1.0 / jnp.maximum(agg[:, _H:_H + 1], 1.0)
    h = jnp.maximum(agg[:, :_H] * inv + r1_ref[...], 0.0)
    p2 = jnp.dot(h, wl_ref[...], preferred_element_type=jnp.float32)
    p2_ref[...] = jnp.concatenate(
        [p2, jnp.zeros((_BM, _WA - _H2), jnp.float32)], axis=1)
    r2_ref[...] = (jnp.dot(h, wr_ref[...], preferred_element_type=jnp.float32)
                   + b_ref[...])
    inv_ref[...] = inv


def _tc3_body(aa_ref, ab_ref, inv_ref, r2_ref, wh_ref, bh_ref, out_ref):
    agg = aa_ref[0, :, :_H2] + ab_ref[0, :, :_H2]
    h2 = jnp.maximum(agg * inv_ref[...] + r2_ref[...], 0.0)
    out_ref[...] = (jnp.dot(h2, wh_ref[...], preferred_element_type=jnp.float32)
                    + bh_ref[...])


def _rows(i):
    return (i, 0)


def _rep(i):
    return (0, 0)


def kernel(x, edge_index, W1l, b1, W1r, W2l, b2, W2r, Wh, bh):
    grid = (_N // _BM,)
    padch = jnp.zeros((_CHPAD - _RCH, _CH), jnp.int32)
    src = jnp.concatenate([edge_index[0].reshape(_RCH, _CH), padch])
    dst = jnp.concatenate([edge_index[1].reshape(_RCH, _CH), padch])

    aug, r1 = pl.pallas_call(
        _tc1_body,
        grid=grid,
        in_specs=[
            pl.BlockSpec((_BM, _D), _rows),
            pl.BlockSpec((_D, _H), _rep),
            pl.BlockSpec((_D, _H), _rep),
            pl.BlockSpec((1, _H), _rep),
        ],
        out_specs=[
            pl.BlockSpec((_BM, _WA), _rows),
            pl.BlockSpec((_BM, _H), _rows),
        ],
        out_shape=[
            jax.ShapeDtypeStruct((_N, _WA), jnp.float32),
            jax.ShapeDtypeStruct((_N, _H), jnp.float32),
        ],
    )(x, W1l, W1r, b1.reshape(1, _H))

    agg1 = _sc_segsum(_WA, "sc_agg1")(aug, src, dst)

    p2, r2, inv = pl.pallas_call(
        _tc2_body,
        grid=grid,
        in_specs=[
            pl.BlockSpec((1, _BM, _WA), lambda i: (0, i, 0)),
            pl.BlockSpec((1, _BM, _WA), lambda i: (1, i, 0)),
            pl.BlockSpec((_BM, _H), _rows),
            pl.BlockSpec((_H, _H2), _rep),
            pl.BlockSpec((_H, _H2), _rep),
            pl.BlockSpec((1, _H2), _rep),
        ],
        out_specs=[
            pl.BlockSpec((_BM, _WA), _rows),
            pl.BlockSpec((_BM, _H2), _rows),
            pl.BlockSpec((_BM, 1), _rows),
        ],
        out_shape=[
            jax.ShapeDtypeStruct((_N, _WA), jnp.float32),
            jax.ShapeDtypeStruct((_N, _H2), jnp.float32),
            jax.ShapeDtypeStruct((_N, 1), jnp.float32),
        ],
    )(agg1, agg1, r1, W2l, W2r, b2.reshape(1, _H2))

    agg2 = _sc_segsum(_WA, "sc_agg2")(p2, src, dst)

    out = pl.pallas_call(
        _tc3_body,
        grid=grid,
        in_specs=[
            pl.BlockSpec((1, _BM, _WA), lambda i: (0, i, 0)),
            pl.BlockSpec((1, _BM, _WA), lambda i: (1, i, 0)),
            pl.BlockSpec((_BM, 1), _rows),
            pl.BlockSpec((_BM, _H2), _rows),
            pl.BlockSpec((_H2, 1), _rep),
            pl.BlockSpec((1, 1), _rep),
        ],
        out_specs=pl.BlockSpec((_BM, 1), _rows),
        out_shape=jax.ShapeDtypeStruct((_N, 1), jnp.float32),
    )(agg2, agg2, inv, r2, Wh, bh.reshape(1, 1))

    return out[:, 0]

# --- scband reference (transcript-rebuilt; emitter-appended) ---
"""Pipeline reference for scband-graph-sageregressor-22531398435179 (READ-ONLY COPY).

The authoritative reference and input builder live on the scoring server;
editing this copy changes nothing except your own understanding.
"""

import jax, jax.numpy as jnp
import numpy as np

N = 10000
E = 320000
D = 128
H = 64
H2 = H // 2

def setup_inputs(seed: int = 0) -> dict:
    key = jax.random.key(seed)
    ks = jax.random.split(key, 12)
    x = jax.random.normal(ks[0], (N, D), dtype=jnp.float32)
    edge_index = jax.random.randint(ks[1], (2, E), 0, N, dtype=jnp.int32)
    W1l = jax.random.normal(ks[2], (D, H), dtype=jnp.float32) / np.sqrt(D)
    b1 = jnp.zeros((H,), dtype=jnp.float32)
    W1r = jax.random.normal(ks[3], (D, H), dtype=jnp.float32) / np.sqrt(D)
    W2l = jax.random.normal(ks[4], (H, H2), dtype=jnp.float32) / np.sqrt(H)
    b2 = jnp.zeros((H2,), dtype=jnp.float32)
    W2r = jax.random.normal(ks[5], (H, H2), dtype=jnp.float32) / np.sqrt(H)
    Wh = jax.random.normal(ks[6], (H2, 1), dtype=jnp.float32) / np.sqrt(H2)
    bh = jnp.zeros((1,), dtype=jnp.float32)
    return {"x": x, "edge_index": edge_index, "W1l": W1l, "b1": b1, "W1r": W1r,
            "W2l": W2l, "b2": b2, "W2r": W2r, "Wh": Wh, "bh": bh}

def _sage_conv(x, src, dst, Wl, b, Wr):
    # PyG-style SAGEConv with mean aggregation:
    # out = lin_l(mean_j x_j) + lin_r(x)
    msg = jnp.take(x, src, axis=0)
    summed = jax.ops.segment_sum(msg, dst, num_segments=N)
    cnt = jax.ops.segment_sum(jnp.ones((src.shape[0],), dtype=x.dtype), dst, num_segments=N)
    mean = summed / jnp.clip(cnt, 1.0, None)[:, None]
    return mean @ Wl + b + x @ Wr

def reference(x, edge_index, W1l, b1, W1r, W2l, b2, W2r, Wh, bh):
    src = edge_index[0]
    dst = edge_index[1]
    h = jax.nn.relu(_sage_conv(x, src, dst, W1l, b1, W1r))
    # dropout p=0.1 is identity in eval mode
    h = jax.nn.relu(_sage_conv(h, src, dst, W2l, b2, W2r))
    out = h @ Wh + bh
    return out[:, 0]

if __name__ == "__main__":
    import jax
    _d = setup_inputs()
    print(jax.jit(kernel)(*tuple(_d.values())))

</pallas_src>

<mosaic_0001>
#map = affine_map<(d0, d1) -> (0, 0)>
#map1 = affine_map<(d0, d1) -> (0, 0, 0)>
module attributes {stable_mosaic.version = 14 : i64} {
  func.func @sc_agg1(%arg0: i32, %arg1: i32, %arg2: memref<10000x128xf32, #tpu.memory_space<hbm>>, %arg3: memref<2584x128xi32, #tpu.memory_space<hbm>>, %arg4: memref<2584x128xi32, #tpu.memory_space<hbm>>, %arg5: memref<2x10112x128xf32, #tpu.memory_space<hbm>>, %arg6: memref<24x128xi32, #tpu.memory_space<vmem>>, %arg7: memref<24x128xi32, #tpu.memory_space<vmem>>, %arg8: memref<128x128xf32, #tpu.memory_space<vmem>>, %arg9: memref<128x128xf32, #tpu.memory_space<vmem>>, %arg10: memref<79x128xf32, #tpu.memory_space<vmem>>, %arg11: memref<10112x128xf32, #tpu.memory_space<vmem_shared>>, %arg12: memref<!tpu.dma_semaphore, #tpu.memory_space<semaphore_mem>>, %arg13: memref<!tpu.dma_semaphore, #tpu.memory_space<semaphore_mem>>) attributes {dimension_semantics = [#tpu.dimension_semantics<core_parallel>, #tpu.dimension_semantics<subcore_parallel>], iteration_bounds = array<i64: 2, 16>, scalar_prefetch = 0 : i64, scratch_operands = 8 : i64, tpu.core_type = #tpu.core_type<sc_vector_subcore>, window_params = [{transform_indices = #map}, {transform_indices = #map}, {transform_indices = #map}, {transform_indices = #map1}]} {
    %mul3A = arith.constant 16 : i32
    %mul3A_0 = arith.muli %arg0, %mul3A : i32
    %add3A = arith.addi %mul3A_0, %arg1 : i32
    %mul3A_1 = arith.constant 80 : i32
    %mul3A_2 = arith.muli %add3A, %mul3A_1 : i32
    %sub3A = arith.constant 2500 : i32
    %sub3A_3 = arith.subi %sub3A, %mul3A_2 : i32
    %jit3A = arith.constant 0 : i32
    %jit3A_4 = arith.constant 80 : i32
    %max3A = arith.maxsi %jit3A, %sub3A_3 : i32
    %min3A = arith.minsi %jit3A_4, %max3A : i32
    %scan3A = arith.constant 0 : i32
    %scan3A_5 = arith.constant 0 : i32
    %scan3A_6 = arith.constant 632 : i32
    %scan3A_7 = arith.addi %scan3A_5, %scan3A_6 : i32
    %scan3A_8 = arith.constant 1 : i32
    scf.for %scan3A_78 = %scan3A_5 to %scan3A_7 step %scan3A_8  : i32 {
      %broadcast_in_dim3A = arith.constant 0.000000e+00 : f32
      %broadcast_in_dim3A_79 = vector.broadcast %broadcast_in_dim3A : f32 to vector<16xf32>
      %shift_right_arithmetic3A = arith.constant 3 : i32
      %shift_right_arithmetic3A_80 = arith.shrsi %scan3A_78, %shift_right_arithmetic3A : i32
      %and3A_81 = arith.constant 7 : i32
      %and3A_82 = arith.andi %scan3A_78, %and3A_81 : i32
      %mul3A_83 = arith.constant 16 : i32
      %mul3A_84 = arith.muli %and3A_82, %mul3A_83 : i32
      %swap3A = arith.index_cast %shift_right_arithmetic3A_80 : i32 to index
      %swap3A_85 = arith.index_cast %mul3A_84 : i32 to index
      %swap3A_86 = tpu.vector_load %arg10[%swap3A, %swap3A_85] {strides = array<i32>} : memref<79x128xf32, #tpu.memory_space<vmem>>, vector<1x16xf32>,
      %swap3A_87 = vector.shape_cast %swap3A_86 : vector<1x16xf32> to vector<16xf32>
      %swap3A_88 = vector.shape_cast %broadcast_in_dim3A_79 : vector<16xf32> to vector<1x16xf32>
      tpu.vector_store %arg10[%swap3A, %swap3A_85], %swap3A_88 {strides = array<i32>} : memref<79x128xf32, #tpu.memory_space<vmem>>, vector<1x16xf32>,
    }
    %scan3A_9 = arith.constant 632 : i32
    %mul3A_10 = arith.constant 632 : i32
    %mul3A_11 = arith.muli %arg1, %mul3A_10 : i32
    %add3A_12 = arith.constant 0 : i32
    %add3A_13 = arith.addi %mul3A_11, %add3A_12 : i32
    "tpu.region"() ({
      %run_scoped3A = tpu.sem_alloc : memref<!tpu.dma_semaphore, #tpu.memory_space<semaphore_mem>>
      %dma_start3A = arith.constant 0 : i32
      %dma_start3A_78 = tpu.memref_slice %arg11[%add3A_13, %dma_start3A] : memref<10112x128xf32, #tpu.memory_space<vmem_shared>> -> memref<79x128xf32, #tpu.memory_space<vmem_shared>>
      %dma_start3A_79 = arith.constant 0 : i32
      %dma_start3A_80 = tpu.memref_slice %arg11[%add3A_13, %dma_start3A_79] : memref<10112x128xf32, #tpu.memory_space<vmem_shared>> -> memref<79x128xf32, #tpu.memory_space<vmem_shared>>
      tpu.enqueue_dma source(%arg10 : memref<79x128xf32, #tpu.memory_space<vmem>>) target(%dma_start3A_80 : memref<79x128xf32, #tpu.memory_space<vmem_shared>>) target_semaphore(%run_scoped3A : memref<!tpu.dma_semaphore, #tpu.memory_space<semaphore_mem>>)
      %dma_wait3A = arith.constant 0 : i32
      %dma_wait3A_81 = tpu.memref_slice %arg11[%add3A_13, %dma_wait3A] : memref<10112x128xf32, #tpu.memory_space<vmem_shared>> -> memref<79x128xf32, #tpu.memory_space<vmem_shared>>
      %dma_wait3A_82 = arith.constant 0 : i32
      %dma_wait3A_83 = tpu.memref_slice %arg11[%add3A_13, %dma_wait3A_82] : memref<10112x128xf32, #tpu.memory_space<vmem_shared>> -> memref<79x128xf32, #tpu.memory_space<vmem_shared>>
      tpu.wait_dma2 semaphore(%run_scoped3A : memref<!tpu.dma_semaphore, #tpu.memory_space<semaphore_mem>>) src(%arg10 : memref<79x128xf32, #tpu.memory_space<vmem>>) dst(%dma_wait3A_83 : memref<79x128xf32, #tpu.memory_space<vmem_shared>>)
      tpu.yield
    }) : () -> ()
    %mul3A_14 = arith.constant 632 : i32
    %mul3A_15 = arith.muli %arg1, %mul3A_14 : i32
    %add3A_16 = arith.constant 79 : i32
    %add3A_17 = arith.addi %mul3A_15, %add3A_16 : i32
    "tpu.region"() ({
      %run_scoped3A = tpu.sem_alloc : memref<!tpu.dma_semaphore, #tpu.memory_space<semaphore_mem>>
      %dma_start3A = arith.constant 0 : i32
      %dma_start3A_78 = tpu.memref_slice %arg11[%add3A_17, %dma_start3A] : memref<10112x128xf32, #tpu.memory_space<vmem_shared>> -> memref<79x128xf32, #tpu.memory_space<vmem_shared>>
      %dma_start3A_79 = arith.constant 0 : i32
      %dma_start3A_80 = tpu.memref_slice %arg11[%add3A_17, %dma_start3A_79] : memref<10112x128xf32, #tpu.memory_space<vmem_shared>> -> memref<79x128xf32, #tpu.memory_space<vmem_shared>>
      tpu.enqueue_dma source(%arg10 : memref<79x128xf32, #tpu.memory_space<vmem>>) target(%dma_start3A_80 : memref<79x128xf32, #tpu.memory_space<vmem_shared>>) target_semaphore(%run_scoped3A : memref<!tpu.dma_semaphore, #tpu.memory_space<semaphore_mem>>)
      %dma_wait3A = arith.constant 0 : i32
      %dma_wait3A_81 = tpu.memref_slice %arg11[%add3A_17, %dma_wait3A] : memref<10112x128xf32, #tpu.memory_space<vmem_shared>> -> memref<79x128xf32, #tpu.memory_space<vmem_shared>>
      %dma_wait3A_82 = arith.constant 0 : i32
      %dma_wait3A_83 = tpu.memref_slice %arg11[%add3A_17, %dma_wait3A_82] : memref<10112x128xf32, #tpu.memory_space<vmem_shared>> -> memref<79x128xf32, #tpu.memory_space<vmem_shared>>
      tpu.wait_dma2 semaphore(%run_scoped3A : memref<!tpu.dma_semaphore, #tpu.memory_space<semaphore_mem>>) src(%arg10 : memref<79x128xf32, #tpu.memory_space<vmem>>) dst(%dma_wait3A_83 : memref<79x128xf32, #tpu.memory_space<vmem_shared>>)
      tpu.yield
    }) : () -> ()
    %mul3A_18 = arith.constant 632 : i32
    %mul3A_19 = arith.muli %arg1, %mul3A_18 : i32
    %add3A_20 = arith.constant 158 : i32
    %add3A_21 = arith.addi %mul3A_19, %add3A_20 : i32
    "tpu.region"() ({
      %run_scoped3A = tpu.sem_alloc : memref<!tpu.dma_semaphore, #tpu.memory_space<semaphore_mem>>
      %dma_start3A = arith.constant 0 : i32
      %dma_start3A_78 = tpu.memref_slice %arg11[%add3A_21, %dma_start3A] : memref<10112x128xf32, #tpu.memory_space<vmem_shared>> -> memref<79x128xf32, #tpu.memory_space<vmem_shared>>
      %dma_start3A_79 = arith.constant 0 : i32
      %dma_start3A_80 = tpu.memref_slice %arg11[%add3A_21, %dma_start3A_79] : memref<10112x128xf32, #tpu.memory_space<vmem_shared>> -> memref<79x128xf32, #tpu.memory_space<vmem_shared>>
      tpu.enqueue_dma source(%arg10 : memref<79x128xf32, #tpu.memory_space<vmem>>) target(%dma_start3A_80 : memref<79x128xf32, #tpu.memory_space<vmem_shared>>) target_semaphore(%run_scoped3A : memref<!tpu.dma_semaphore, #tpu.memory_space<semaphore_mem>>)
      %dma_wait3A = arith.constant 0 : i32
      %dma_wait3A_81 = tpu.memref_slice %arg11[%add3A_21, %dma_wait3A] : memref<10112x128xf32, #tpu.memory_space<vmem_shared>> -> memref<79x128xf32, #tpu.memory_space<vmem_shared>>
      %dma_wait3A_82 = arith.constant 0 : i32
      %dma_wait3A_83 = tpu.memref_slice %arg11[%add3A_21, %dma_wait3A_82] : memref<10112x128xf32, #tpu.memory_space<vmem_shared>> -> memref<79x128xf32, #tpu.memory_space<vmem_shared>>
      tpu.wait_dma2 semaphore(%run_scoped3A : memref<!tpu.dma_semaphore, #tpu.memory_space<semaphore_mem>>) src(%arg10 : memref<79x128xf32, #tpu.memory_space<vmem>>) dst(%dma_wait3A_83 : memref<79x128xf32, #tpu.memory_space<vmem_shared>>)
      tpu.yield
    }) : () -> ()
    %mul3A_22 = arith.constant 632 : i32
    %mul3A_23 = arith.muli %arg1, %mul3A_22 : i32
    %add3A_24 = arith.constant 237 : i32
    %add3A_25 = arith.addi %mul3A_23, %add3A_24 : i32
    "tpu.region"() ({
      %run_scoped3A = tpu.sem_alloc : memref<!tpu.dma_semaphore, #tpu.memory_space<semaphore_mem>>
      %dma_start3A = arith.constant 0 : i32
      %dma_start3A_78 = tpu.memref_slice %arg11[%add3A_25, %dma_start3A] : memref<10112x128xf32, #tpu.memory_space<vmem_shared>> -> memref<79x128xf32, #tpu.memory_space<vmem_shared>>
      %dma_start3A_79 = arith.constant 0 : i32
      %dma_start3A_80 = tpu.memref_slice %arg11[%add3A_25, %dma_start3A_79] : memref<10112x128xf32, #tpu.memory_space<vmem_shared>> -> memref<79x128xf32, #tpu.memory_space<vmem_shared>>
      tpu.enqueue_dma source(%arg10 : memref<79x128xf32, #tpu.memory_space<vmem>>) target(%dma_start3A_80 : memref<79x128xf32, #tpu.memory_space<vmem_shared>>) target_semaphore(%run_scoped3A : memref<!tpu.dma_semaphore, #tpu.memory_space<semaphore_mem>>)
      %dma_wait3A = arith.constant 0 : i32
      %dma_wait3A_81 = tpu.memref_slice %arg11[%add3A_25, %dma_wait3A] : memref<10112x128xf32, #tpu.memory_space<vmem_shared>> -> memref<79x128xf32, #tpu.memory_space<vmem_shared>>
      %dma_wait3A_82 = arith.constant 0 : i32
      %dma_wait3A_83 = tpu.memref_slice %arg11[%add3A_25, %dma_wait3A_82] : memref<10112x128xf32, #tpu.memory_space<vmem_shared>> -> memref<79x128xf32, #tpu.memory_space<vmem_shared>>
      tpu.wait_dma2 semaphore(%run_scoped3A : memref<!tpu.dma_semaphore, #tpu.memory_space<semaphore_mem>>) src(%arg10 : memref<79x128xf32, #tpu.memory_space<vmem>>) dst(%dma_wait3A_83 : memref<79x128xf32, #tpu.memory_space<vmem_shared>>)
      tpu.yield
    }) : () -> ()
    %mul3A_26 = arith.constant 632 : i32
    %mul3A_27 = arith.muli %arg1, %mul3A_26 : i32
    %add3A_28 = arith.constant 316 : i32
    %add3A_29 = arith.addi %mul3A_27, %add3A_28 : i32
    "tpu.region"() ({
      %run_scoped3A = tpu.sem_alloc : memref<!tpu.dma_semaphore, #tpu.memory_space<semaphore_mem>>
      %dma_start3A = arith.constant 0 : i32
      %dma_start3A_78 = tpu.memref_slice %arg11[%add3A_29, %dma_start3A] : memref<10112x128xf32, #tpu.memory_space<vmem_shared>> -> memref<79x128xf32, #tpu.memory_space<vmem_shared>>
      %dma_start3A_79 = arith.constant 0 : i32
      %dma_start3A_80 = tpu.memref_slice %arg11[%add3A_29, %dma_start3A_79] : memref<10112x128xf32, #tpu.memory_space<vmem_shared>> -> memref<79x128xf32, #tpu.memory_space<vmem_shared>>
      tpu.enqueue_dma source(%arg10 : memref<79x128xf32, #tpu.memory_space<vmem>>) target(%dma_start3A_80 : memref<79x128xf32, #tpu.memory_space<vmem_shared>>) target_semaphore(%run_scoped3A : memref<!tpu.dma_semaphore, #tpu.memory_space<semaphore_mem>>)
      %dma_wait3A = arith.constant 0 : i32
      %dma_wait3A_81 = tpu.memref_slice %arg11[%add3A_29, %dma_wait3A] : memref<10112x128xf32, #tpu.memory_space<vmem_shared>> -> memref<79x128xf32, #tpu.memory_space<vmem_shared>>
      %dma_wait3A_82 = arith.constant 0 : i32
      %dma_wait3A_83 = tpu.memref_slice %arg11[%add3A_29, %dma_wait3A_82] : memref<10112x128xf32, #tpu.memory_space<vmem_shared>> -> memref<79x128xf32, #tpu.memory_space<vmem_shared>>
      tpu.wait_dma2 semaphore(%run_scoped3A : memref<!tpu.dma_semaphore, #tpu.memory_space<semaphore_mem>>) src(%arg10 : memref<79x128xf32, #tpu.memory_space<vmem>>) dst(%dma_wait3A_83 : memref<79x128xf32, #tpu.memory_space<vmem_shared>>)
      tpu.yield
    }) : () -> ()
    %mul3A_30 = arith.constant 632 : i32
    %mul3A_31 = arith.muli %arg1, %mul3A_30 : i32
    %add3A_32 = arith.constant 395 : i32
    %add3A_33 = arith.addi %mul3A_31, %add3A_32 : i32
    "tpu.region"() ({
      %run_scoped3A = tpu.sem_alloc : memref<!tpu.dma_semaphore, #tpu.memory_space<semaphore_mem>>
      %dma_start3A = arith.constant 0 : i32
      %dma_start3A_78 = tpu.memref_slice %arg11[%add3A_33, %dma_start3A] : memref<10112x128xf32, #tpu.memory_space<vmem_shared>> -> memref<79x128xf32, #tpu.memory_space<vmem_shared>>
      %dma_start3A_79 = arith.constant 0 : i32
      %dma_start3A_80 = tpu.memref_slice %arg11[%add3A_33, %dma_start3A_79] : memref<10112x128xf32, #tpu.memory_space<vmem_shared>> -> memref<79x128xf32, #tpu.memory_space<vmem_shared>>
      tpu.enqueue_dma source(%arg10 : memref<79x128xf32, #tpu.memory_space<vmem>>) target(%dma_start3A_80 : memref<79x128xf32, #tpu.memory_space<vmem_shared>>) target_semaphore(%run_scoped3A : memref<!tpu.dma_semaphore, #tpu.memory_space<semaphore_mem>>)
      %dma_wait3A = arith.constant 0 : i32
      %dma_wait3A_81 = tpu.memref_slice %arg11[%add3A_33, %dma_wait3A] : memref<10112x128xf32, #tpu.memory_space<vmem_shared>> -> memref<79x128xf32, #tpu.memory_space<vmem_shared>>
      %dma_wait3A_82 = arith.constant 0 : i32
      %dma_wait3A_83 = tpu.memref_slice %arg11[%add3A_33, %dma_wait3A_82] : memref<10112x128xf32, #tpu.memory_space<vmem_shared>> -> memref<79x128xf32, #tpu.memory_space<vmem_shared>>
      tpu.wait_dma2 semaphore(%run_scoped3A : memref<!tpu.dma_semaphore, #tpu.memory_space<semaphore_mem>>) src(%arg10 : memref<79x128xf32, #tpu.memory_space<vmem>>) dst(%dma_wait3A_83 : memref<79x128xf32, #tpu.memory_space<vmem_shared>>)
      tpu.yield
    }) : () -> ()
    %mul3A_34 = arith.constant 632 : i32
    %mul3A_35 = arith.muli %arg1, %mul3A_34 : i32
    %add3A_36 = arith.constant 474 : i32
    %add3A_37 = arith.addi %mul3A_35, %add3A_36 : i32
    "tpu.region"() ({
      %run_scoped3A = tpu.sem_alloc : memref<!tpu.dma_semaphore, #tpu.memory_space<semaphore_mem>>
      %dma_start3A = arith.constant 0 : i32
      %dma_start3A_78 = tpu.memref_slice %arg11[%add3A_37, %dma_start3A] : memref<10112x128xf32, #tpu.memory_space<vmem_shared>> -> memref<79x128xf32, #tpu.memory_space<vmem_shared>>
      %dma_start3A_79 = arith.constant 0 : i32
      %dma_start3A_80 = tpu.memref_slice %arg11[%add3A_37, %dma_start3A_79] : memref<10112x128xf32, #tpu.memory_space<vmem_shared>> -> memref<79x128xf32, #tpu.memory_space<vmem_shared>>
      tpu.enqueue_dma source(%arg10 : memref<79x128xf32, #tpu.memory_space<vmem>>) target(%dma_start3A_80 : memref<79x128xf32, #tpu.memory_space<vmem_shared>>) target_semaphore(%run_scoped3A : memref<!tpu.dma_semaphore, #tpu.memory_space<semaphore_mem>>)
      %dma_wait3A = arith.constant 0 : i32
      %dma_wait3A_81 = tpu.memref_slice %arg11[%add3A_37, %dma_wait3A] : memref<10112x128xf32, #tpu.memory_space<vmem_shared>> -> memref<79x128xf32, #tpu.memory_space<vmem_shared>>
      %dma_wait3A_82 = arith.constant 0 : i32
      %dma_wait3A_83 = tpu.memref_slice %arg11[%add3A_37, %dma_wait3A_82] : memref<10112x128xf32, #tpu.memory_space<vmem_shared>> -> memref<79x128xf32, #tpu.memory_space<vmem_shared>>
      tpu.wait_dma2 semaphore(%run_scoped3A : memref<!tpu.dma_semaphore, #tpu.memory_space<semaphore_mem>>) src(%arg10 : memref<79x128xf32, #tpu.memory_space<vmem>>) dst(%dma_wait3A_83 : memref<79x128xf32, #tpu.memory_space<vmem_shared>>)
      tpu.yield
    }) : () -> ()
    %mul3A_38 = arith.constant 632 : i32
    %mul3A_39 = arith.muli %arg1, %mul3A_38 : i32
    %add3A_40 = arith.constant 553 : i32
    %add3A_41 = arith.addi %mul3A_39, %add3A_40 : i32
    "tpu.region"() ({
      %run_scoped3A = tpu.sem_alloc : memref<!tpu.dma_semaphore, #tpu.memory_space<semaphore_mem>>
      %dma_start3A = arith.constant 0 : i32
      %dma_start3A_78 = tpu.memref_slice %arg11[%add3A_41, %dma_start3A] : memref<10112x128xf32, #tpu.memory_space<vmem_shared>> -> memref<79x128xf32, #tpu.memory_space<vmem_shared>>
      %dma_start3A_79 = arith.constant 0 : i32
      %dma_start3A_80 = tpu.memref_slice %arg11[%add3A_41, %dma_start3A_79] : memref<10112x128xf32, #tpu.memory_space<vmem_shared>> -> memref<79x128xf32, #tpu.memory_space<vmem_shared>>
      tpu.enqueue_dma source(%arg10 : memref<79x128xf32, #tpu.memory_space<vmem>>) target(%dma_start3A_80 : memref<79x128xf32, #tpu.memory_space<vmem_shared>>) target_semaphore(%run_scoped3A : memref<!tpu.dma_semaphore, #tpu.memory_space<semaphore_mem>>)
      %dma_wait3A = arith.constant 0 : i32
      %dma_wait3A_81 = tpu.memref_slice %arg11[%add3A_41, %dma_wait3A] : memref<10112x128xf32, #tpu.memory_space<vmem_shared>> -> memref<79x128xf32, #tpu.memory_space<vmem_shared>>
      %dma_wait3A_82 = arith.constant 0 : i32
      %dma_wait3A_83 = tpu.memref_slice %arg11[%add3A_41, %dma_wait3A_82] : memref<10112x128xf32, #tpu.memory_space<vmem_shared>> -> memref<79x128xf32, #tpu.memory_space<vmem_shared>>
      tpu.wait_dma2 semaphore(%run_scoped3A : memref<!tpu.dma_semaphore, #tpu.memory_space<semaphore_mem>>) src(%arg10 : memref<79x128xf32, #tpu.memory_space<vmem>>) dst(%dma_wait3A_83 : memref<79x128xf32, #tpu.memory_space<vmem_shared>>)
      tpu.yield
    }) : () -> ()
    %barrier3A = arith.constant 0 : index
    tpu.barrier barrier_id(%barrier3A)
    %add3A_42 = arith.constant 24 : i32
    %add3A_43 = arith.addi %min3A, %add3A_42 : i32
    %sub3A_44 = arith.constant 1 : i32
    %sub3A_45 = arith.subi %add3A_43, %sub3A_44 : i32
    %jit3A_46 = arith.constant 24 : i32
    %div3A = arith.divsi %sub3A_45, %jit3A_46 : i32
    %sign3A = arith.constant 0 : i32
    %sign3A_47 = arith.cmpi sgt, %sub3A_45, %sign3A : i32
    %sign3A_48 = arith.extui %sign3A_47 : i1 to i32
    %sign3A_49 = arith.constant 0 : i32
    %sign3A_50 = arith.cmpi slt, %sub3A_45, %sign3A_49 : i32
    %sign3A_51 = arith.extui %sign3A_50 : i1 to i32
    %sign3A_52 = arith.subi %sign3A_48, %sign3A_51 : i32
    %sign3A_53 = arith.constant 0 : i32
    %sign3A_54 = arith.cmpi sgt, %jit3A_46, %sign3A_53 : i32
    %sign3A_55 = arith.extui %sign3A_54 : i1 to i32
    %sign3A_56 = arith.constant 0 : i32
    %sign3A_57 = arith.cmpi slt, %jit3A_46, %sign3A_56 : i32
    %sign3A_58 = arith.extui %sign3A_57 : i1 to i32
    %sign3A_59 = arith.subi %sign3A_55, %sign3A_58 : i32
    %ne3A = arith.cmpi ne, %sign3A_52, %sign3A_59 : i32
    %rem3A = arith.remsi %sub3A_45, %jit3A_46 : i32
    %ne3A_60 = arith.constant 0 : i32
    %ne3A_61 = arith.cmpi ne, %rem3A, %ne3A_60 : i32
    %and3A = arith.andi %ne3A, %ne3A_61 : i1
    %sub3A_62 = arith.constant 1 : i32
    %sub3A_63 = arith.subi %div3A, %sub3A_62 : i32
    %select_n3A = arith.select %and3A, %sub3A_63, %div3A : i32
    %while3A = arith.constant 0 : i32
    %while3A_64 = arith.constant 0 : i32
    %while3A_65 = arith.subi %select_n3A, %while3A_64 : i32
    %while3A_66 = arith.addi %while3A_64, %while3A_65 : i32
    %while3A_67 = arith.constant 1 : i32
    %while3A_68 = arith.divsi %while3A_65, %while3A_67 : i32
    %while3A_69 = arith.muli %while3A_68, %while3A_67 : i32
    %while3A_70 = arith.addi %while3A_64, %while3A_69 : i32
    %while3A_71 = arith.constant 1 : i32
    scf.for %while3A_78 = %while3A_64 to %while3A_70 step %while3A_71  : i32 {
      %mul3A_79 = arith.constant 24 : i32
      %mul3A_80 = arith.muli %while3A_78, %mul3A_79 : i32
      %add3A_81 = arith.addi %mul3A_2, %mul3A_80 : i32
      "tpu.region"() ({
        %run_scoped3A = tpu.sem_alloc : memref<!tpu.dma_semaphore, #tpu.memory_space<semaphore_mem>>
        %dma_start3A_156 = arith.constant 0 : i32
        %dma_start3A_157 = tpu.memref_slice %arg3[%add3A_81, %dma_start3A_156] : memref<2584x128xi32, #tpu.memory_space<hbm>> -> memref<24x128xi32, #tpu.memory_space<hbm>>
        %dma_start3A_158 = arith.constant 0 : i32
        %dma_start3A_159 = tpu.memref_slice %arg3[%add3A_81, %dma_start3A_158] : memref<2584x128xi32, #tpu.memory_space<hbm>> -> memref<24x128xi32, #tpu.memory_space<hbm>>
        tpu.enqueue_dma source(%dma_start3A_159 : memref<24x128xi32, #tpu.memory_space<hbm>>) target(%arg6 : memref<24x128xi32, #tpu.memory_space<vmem>>) target_semaphore(%run_scoped3A : memref<!tpu.dma_semaphore, #tpu.memory_space<semaphore_mem>>)
        %dma_wait3A_160 = arith.constant 0 : i32
        %dma_wait3A_161 = tpu.memref_slice %arg3[%add3A_81, %dma_wait3A_160] : memref<2584x128xi32, #tpu.memory_space<hbm>> -> memref<24x128xi32, #tpu.memory_space<hbm>>
        %dma_wait3A_162 = arith.constant 0 : i32
        %dma_wait3A_163 = tpu.memref_slice %arg3[%add3A_81, %dma_wait3A_162] : memref<2584x128xi32, #tpu.memory_space<hbm>> -> memref<24x128xi32, #tpu.memory_space<hbm>>
        tpu.wait_dma2 semaphore(%run_scoped3A : memref<!tpu.dma_semaphore, #tpu.memory_space<semaphore_mem>>) src(%dma_wait3A_163 : memref<24x128xi32, #tpu.memory_space<hbm>>) dst(%arg6 : memref<24x128xi32, #tpu.memory_space<vmem>>)
        tpu.yield
      }) : () -> ()
      "tpu.region"() ({
        %run_scoped3A = tpu.sem_alloc : memref<!tpu.dma_semaphore, #tpu.memory_space<semaphore_mem>>
        %dma_start3A_156 = arith.constant 0 : i32
        %dma_start3A_157 = tpu.memref_slice %arg4[%add3A_81, %dma_start3A_156] : memref<2584x128xi32, #tpu.memory_space<hbm>> -> memref<24x128xi32, #tpu.memory_space<hbm>>
        %dma_start3A_158 = arith.constant 0 : i32
        %dma_start3A_159 = tpu.memref_slice %arg4[%add3A_81, %dma_start3A_158] : memref<2584x128xi32, #tpu.memory_space<hbm>> -> memref<24x128xi32, #tpu.memory_space<hbm>>
        tpu.enqueue_dma source(%dma_start3A_159 : memref<24x128xi32, #tpu.memory_space<hbm>>) target(%arg7 : memref<24x128xi32, #tpu.memory_space<vmem>>) target_semaphore(%run_scoped3A : memref<!tpu.dma_semaphore, #tpu.memory_space<semaphore_mem>>)
        %dma_wait3A_160 = arith.constant 0 : i32
        %dma_wait3A_161 = tpu.memref_slice %arg4[%add3A_81, %dma_wait3A_160] : memref<2584x128xi32, #tpu.memory_space<hbm>> -> memref<24x128xi32, #tpu.memory_space<hbm>>
        %dma_wait3A_162 = arith.constant 0 : i32
        %dma_wait3A_163 = tpu.memref_slice %arg4[%add3A_81, %dma_wait3A_162] : memref<2584x128xi32, #tpu.memory_space<hbm>> -> memref<24x128xi32, #tpu.memory_space<hbm>>
        tpu.wait_dma2 semaphore(%run_scoped3A : memref<!tpu.dma_semaphore, #tpu.memory_space<semaphore_mem>>) src(%dma_wait3A_163 : memref<24x128xi32, #tpu.memory_space<hbm>>) dst(%arg7 : memref<24x128xi32, #tpu.memory_space<vmem>>)
        tpu.yield
      }) : () -> ()
      %mul3A_82 = arith.constant 24 : i32
      %mul3A_83 = arith.muli %while3A_78, %mul3A_82 : i32
      %sub3A_84 = arith.subi %min3A, %mul3A_83 : i32
      %jit3A_85 = arith.constant 0 : i32
      %jit3A_86 = arith.constant 24 : i32
      %max3A_87 = arith.maxsi %jit3A_85, %sub3A_84 : i32
      %min3A_88 = arith.minsi %jit3A_86, %max3A_87 : i32
      %dma_start3A = arith.constant 0 : i32
      %dma_start3A_89 = arith.constant 0 : i32
      %dma_start3A_90 = tpu.memref_slice %arg6[%dma_start3A, %dma_start3A_89] : memref<24x128xi32, #tpu.memory_space<vmem>> -> memref<1x128xi32, #tpu.memory_space<vmem>>
      %dma_start3A_91 = tpu.memref_squeeze %dma_start3A_90 : memref<1x128xi32, #tpu.memory_space<vmem>> -> memref<128xi32, #tpu.memory_space<vmem>>
      %dma_start3A_92 = arith.constant 0 : i32
      %dma_start3A_93 = arith.constant 0 : i32
      %dma_start3A_94 = tpu.memref_slice %arg2[%dma_start3A_92, %dma_start3A_93] : memref<10000x128xf32, #tpu.memory_space<hbm>> -> memref<10000x128xf32, #tpu.memory_space<hbm>>
      tpu.enqueue_indirect_dma source(%dma_start3A_94 : memref<10000x128xf32, #tpu.memory_space<hbm>>) target(%arg8 : memref<128x128xf32, #tpu.memory_space<vmem>>) offsets(%dma_start3A_91 : memref<128xi32, #tpu.memory_space<vmem>>) semaphore(%arg12 : memref<!tpu.dma_semaphore, #tpu.memory_space<semaphore_mem>>)
      %dma_start3A_95 = arith.constant 1 : i32
      %dma_start3A_96 = arith.constant 0 : i32
      %dma_start3A_97 = tpu.memref_slice %arg6[%dma_start3A_95, %dma_start3A_96] : memref<24x128xi32, #tpu.memory_space<vmem>> -> memref<1x128xi32, #tpu.memory_space<vmem>>
      %dma_start3A_98 = tpu.memref_squeeze %dma_start3A_97 : memref<1x128xi32, #tpu.memory_space<vmem>> -> memref<128xi32, #tpu.memory_space<vmem>>
      %dma_start3A_99 = arith.constant 0 : i32
      %dma_start3A_100 = arith.constant 0 : i32
      %dma_start3A_101 = tpu.memref_slice %arg2[%dma_start3A_99, %dma_start3A_100] : memref<10000x128xf32, #tpu.memory_space<hbm>> -> memref<10000x128xf32, #tpu.memory_space<hbm>>
      tpu.enqueue_indirect_dma source(%dma_start3A_101 : memref<10000x128xf32, #tpu.memory_space<hbm>>) target(%arg9 : memref<128x128xf32, #tpu.memory_space<vmem>>) offsets(%dma_start3A_98 : memref<128xi32, #tpu.memory_space<vmem>>) semaphore(%arg13 : memref<!tpu.dma_semaphore, #tpu.memory_space<semaphore_mem>>)
      %sub3A_102 = arith.constant 2 : i32
      %sub3A_103 = arith.subi %min3A_88, %sub3A_102 : i32
      %jit3A_104 = arith.constant 2 : i32
      %div3A_105 = arith.divsi %sub3A_103, %jit3A_104 : i32
      %sign3A_106 = arith.constant 0 : i32
      %sign3A_107 = arith.cmpi sgt, %sub3A_103, %sign3A_106 : i32
      %sign3A_108 = arith.extui %sign3A_107 : i1 to i32
      %sign3A_109 = arith.constant 0 : i32
      %sign3A_110 = arith.cmpi slt, %sub3A_103, %sign3A_109 : i32
      %sign3A_111 = arith.extui %sign3A_110 : i1 to i32
      %sign3A_112 = arith.subi %sign3A_108, %sign3A_111 : i32
      %sign3A_113 = arith.constant 0 : i32
      %sign3A_114 = arith.cmpi sgt, %jit3A_104, %sign3A_113 : i32
      %sign3A_115 = arith.extui %sign3A_114 : i1 to i32
      %sign3A_116 = arith.constant 0 : i32
      %sign3A_117 = arith.cmpi slt, %jit3A_104, %sign3A_116 : i32
      %sign3A_118 = arith.extui %sign3A_117 : i1 to i32
      %sign3A_119 = arith.subi %sign3A_115, %sign3A_118 : i32
      %ne3A_120 = arith.cmpi ne, %sign3A_112, %sign3A_119 : i32
      %rem3A_121 = arith.remsi %sub3A_103, %jit3A_104 : i32
      %ne3A_122 = arith.constant 0 : i32
      %ne3A_123 = arith.cmpi ne, %rem3A_121, %ne3A_122 : i32
      %and3A_124 = arith.andi %ne3A_120, %ne3A_123 : i1
      %sub3A_125 = arith.constant 1 : i32
      %sub3A_126 = arith.subi %div3A_105, %sub3A_125 : i32
      %select_n3A_127 = arith.select %and3A_124, %sub3A_126, %div3A_105 : i32
      %while3A_128 = arith.constant 0 : i32
      %while3A_129 = arith.subi %select_n3A_127, %while3A_128 : i32
      %while3A_130 = arith.addi %while3A_128, %while3A_129 : i32
      %while3A_131 = arith.constant 1 : i32
      %while3A_132 = arith.divsi %while3A_129, %while3A_131 : i32
      %while3A_133 = arith.muli %while3A_132, %while3A_131 : i32
      %while3A_134 = arith.addi %while3A_128, %while3A_133 : i32
      %while3A_135 = arith.constant 1 : i32
      scf.for %while3A_156 = %while3A_128 to %while3A_134 step %while3A_135  : i32 {
        %mul3A_157 = arith.constant 2 : i32
        %mul3A_158 = arith.muli %mul3A_157, %while3A_156 : i32
        %add3A_159 = arith.constant 0 : i32
        %add3A_160 = arith.addi %mul3A_158, %add3A_159 : i32
        %dma_wait3A_161 = arith.constant 0 : i32
        %dma_wait3A_162 = tpu.memref_slice %arg6[%add3A_160, %dma_wait3A_161] : memref<24x128xi32, #tpu.memory_space<vmem>> -> memref<1x128xi32, #tpu.memory_space<vmem>>
        %dma_wait3A_163 = tpu.memref_squeeze %dma_wait3A_162 : memref<1x128xi32, #tpu.memory_space<vmem>> -> memref<128xi32, #tpu.memory_space<vmem>>
        %dma_wait3A_164 = arith.constant 0 : i32
        %dma_wait3A_165 = arith.constant 0 : i32
        %dma_wait3A_166 = tpu.memref_slice %arg2[%dma_wait3A_164, %dma_wait3A_165] : memref<10000x128xf32, #tpu.memory_space<hbm>> -> memref<10000x128xf32, #tpu.memory_space<hbm>>
        tpu.wait_indirect_dma semaphore(%arg12 : memref<!tpu.dma_semaphore, #tpu.memory_space<semaphore_mem>>) src(%dma_wait3A_166 : memref<10000x128xf32, #tpu.memory_space<hbm>>) dst(%arg8 : memref<128x128xf32, #tpu.memory_space<vmem>>)
        "tpu.region"() ({
          %run_scoped3A = tpu.sem_alloc : memref<!tpu.dma_semaphore, #tpu.memory_space<semaphore_mem>>
          %dma_start3A_193 = arith.constant 0 : i32
          %dma_start3A_194 = tpu.memref_slice %arg7[%add3A_160, %dma_start3A_193] : memref<24x128xi32, #tpu.memory_space<vmem>> -> memref<1x128xi32, #tpu.memory_space<vmem>>
          %dma_start3A_195 = tpu.memref_squeeze %dma_start3A_194 : memref<1x128xi32, #tpu.memory_space<vmem>> -> memref<128xi32, #tpu.memory_space<vmem>>
          %dma_start3A_196 = arith.constant 0 : i32
          %dma_start3A_197 = arith.constant 0 : i32
          %dma_start3A_198 = tpu.memref_slice %arg11[%dma_start3A_196, %dma_start3A_197] : memref<10112x128xf32, #tpu.memory_space<vmem_shared>> -> memref<10112x128xf32, #tpu.memory_space<vmem_shared>>
          tpu.enqueue_indirect_dma source(%arg8 : memref<128x128xf32, #tpu.memory_space<vmem>>) target(%dma_start3A_198 : memref<10112x128xf32, #tpu.memory_space<vmem_shared>>) offsets(%dma_start3A_195 : memref<128xi32, #tpu.memory_space<vmem>>) semaphore(%run_scoped3A : memref<!tpu.dma_semaphore, #tpu.memory_space<semaphore_mem>>) {add = true}
          %dma_wait3A_199 = arith.constant 0 : i32
          %dma_wait3A_200 = tpu.memref_slice %arg7[%add3A_160, %dma_wait3A_199] : memref<24x128xi32, #tpu.memory_space<vmem>> -> memref<1x128xi32, #tpu.memory_space<vmem>>
          %dma_wait3A_201 = tpu.memref_squeeze %dma_wait3A_200 : memref<1x128xi32, #tpu.memory_space<vmem>> -> memref<128xi32, #tpu.memory_space<vmem>>
          %dma_wait3A_202 = arith.constant 0 : i32
          %dma_wait3A_203 = arith.constant 0 : i32
          %dma_wait3A_204 = tpu.memref_slice %arg11[%dma_wait3A_202, %dma_wait3A_203] : memref<10112x128xf32, #tpu.memory_space<vmem_shared>> -> memref<10112x128xf32, #tpu.memory_space<vmem_shared>>
          tpu.wait_indirect_dma semaphore(%run_scoped3A : memref<!tpu.dma_semaphore, #tpu.memory_space<semaphore_mem>>) src(%arg8 : memref<128x128xf32, #tpu.memory_space<vmem>>) dst(%dma_wait3A_204 : memref<10112x128xf32, #tpu.memory_space<vmem_shared>>)
          tpu.yield
        }) : () -> ()
        %add3A_167 = arith.constant 2 : i32
        %add3A_168 = arith.addi %add3A_160, %add3A_167 : i32
        %dma_start3A_169 = arith.constant 0 : i32
        %dma_start3A_170 = tpu.memref_slice %arg6[%add3A_168, %dma_start3A_169] : memref<24x128xi32, #tpu.memory_space<vmem>> -> memref<1x128xi32, #tpu.memory_space<vmem>>
        %dma_start3A_171 = tpu.memref_squeeze %dma_start3A_170 : memref<1x128xi32, #tpu.memory_space<vmem>> -> memref<128xi32, #tpu.memory_space<vmem>>
        %dma_start3A_172 = arith.constant 0 : i32
        %dma_start3A_173 = arith.constant 0 : i32
        %dma_start3A_174 = tpu.memref_slice %arg2[%dma_start3A_172, %dma_start3A_173] : memref<10000x128xf32, #tpu.memory_space<hbm>> -> memref<10000x128xf32, #tpu.memory_space<hbm>>
        tpu.enqueue_indirect_dma source(%dma_start3A_174 : memref<10000x128xf32, #tpu.memory_space<hbm>>) target(%arg8 : memref<128x128xf32, #tpu.memory_space<vmem>>) offsets(%dma_start3A_171 : memref<128xi32, #tpu.memory_space<vmem>>) semaphore(%arg12 : memref<!tpu.dma_semaphore, #tpu.memory_space<semaphore_mem>>)
        %mul3A_175 = arith.constant 2 : i32
        %mul3A_176 = arith.muli %mul3A_175, %while3A_156 : i32
        %add3A_177 = arith.constant 1 : i32
        %add3A_178 = arith.addi %mul3A_176, %add3A_177 : i32
        %dma_wait3A_179 = arith.constant 0 : i32
        %dma_wait3A_180 = tpu.memref_slice %arg6[%add3A_178, %dma_wait3A_179] : memref<24x128xi32, #tpu.memory_space<vmem>> -> memref<1x128xi32, #tpu.memory_space<vmem>>
        %dma_wait3A_181 = tpu.memref_squeeze %dma_wait3A_180 : memref<1x128xi32, #tpu.memory_space<vmem>> -> memref<128xi32, #tpu.memory_space<vmem>>
        %dma_wait3A_182 = arith.constant 0 : i32
        %dma_wait3A_183 = arith.constant 0 : i32
        %dma_wait3A_184 = tpu.memref_slice %arg2[%dma_wait3A_182, %dma_wait3A_183] : memref<10000x128xf32, #tpu.memory_space<hbm>> -> memref<10000x128xf32, #tpu.memory_space<hbm>>
        tpu.wait_indirect_dma semaphore(%arg13 : memref<!tpu.dma_semaphore, #tpu.memory_space<semaphore_mem>>) src(%dma_wait3A_184 : memref<10000x128xf32, #tpu.memory_space<hbm>>) dst(%arg9 : memref<128x128xf32, #tpu.memory_space<vmem>>)
        "tpu.region"() ({
          %run_scoped3A = tpu.sem_alloc : memref<!tpu.dma_semaphore, #tpu.memory_space<semaphore_mem>>
          %dma_start3A_193 = arith.constant 0 : i32
          %dma_start3A_194 = tpu.memref_slice %arg7[%add3A_178, %dma_start3A_193] : memref<24x128xi32, #tpu.memory_space<vmem>> -> memref<1x128xi32, #tpu.memory_space<vmem>>
          %dma_start3A_195 = tpu.memref_squeeze %dma_start3A_194 : memref<1x128xi32, #tpu.memory_space<vmem>> -> memref<128xi32, #tpu.memory_space<vmem>>
          %dma_start3A_196 = arith.constant 0 : i32
          %dma_start3A_197 = arith.constant 0 : i32
          %dma_start3A_198 = tpu.memref_slice %arg11[%dma_start3A_196, %dma_start3A_197] : memref<10112x128xf32, #tpu.memory_space<vmem_shared>> -> memref<10112x128xf32, #tpu.memory_space<vmem_shared>>
          tpu.enqueue_indirect_dma source(%arg9 : memref<128x128xf32, #tpu.memory_space<vmem>>) target(%dma_start3A_198 : memref<10112x128xf32, #tpu.memory_space<vmem_shared>>) offsets(%dma_start3A_195 : memref<128xi32, #tpu.memory_space<vmem>>) semaphore(%run_scoped3A : memref<!tpu.dma_semaphore, #tpu.memory_space<semaphore_mem>>) {add = true}
          %dma_wait3A_199 = arith.constant 0 : i32
          %dma_wait3A_200 = tpu.memref_slice %arg7[%add3A_178, %dma_wait3A_199] : memref<24x128xi32, #tpu.memory_space<vmem>> -> memref<1x128xi32, #tpu.memory_space<vmem>>
          %dma_wait3A_201 = tpu.memref_squeeze %dma_wait3A_200 : memref<1x128xi32, #tpu.memory_space<vmem>> -> memref<128xi32, #tpu.memory_space<vmem>>
          %dma_wait3A_202 = arith.constant 0 : i32
          %dma_wait3A_203 = arith.constant 0 : i32
          %dma_wait3A_204 = tpu.memref_slice %arg11[%dma_wait3A_202, %dma_wait3A_203] : memref<10112x128xf32, #tpu.memory_space<vmem_shared>> -> memref<10112x128xf32, #tpu.memory_space<vmem_shared>>
          tpu.wait_indirect_dma semaphore(%run_scoped3A : memref<!tpu.dma_semaphore, #tpu.memory_space<semaphore_mem>>) src(%arg9 : memref<128x128xf32, #tpu.memory_space<vmem>>) dst(%dma_wait3A_204 : memref<10112x128xf32, #tpu.memory_space<vmem_shared>>)
          tpu.yield
        }) : () -> ()
        %add3A_185 = arith.constant 2 : i32
        %add3A_186 = arith.addi %add3A_178, %add3A_185 : i32
        %dma_start3A_187 = arith.constant 0 : i32
        %dma_start3A_188 = tpu.memref_slice %arg6[%add3A_186, %dma_start3A_187] : memref<24x128xi32, #tpu.memory_space<vmem>> -> memref<1x128xi32, #tpu.memory_space<vmem>>
        %dma_start3A_189 = tpu.memref_squeeze %dma_start3A_188 : memref<1x128xi32, #tpu.memory_space<vmem>> -> memref<128xi32, #tpu.memory_space<vmem>>
        %dma_start3A_190 = arith.constant 0 : i32
        %dma_start3A_191 = arith.constant 0 : i32
        %dma_start3A_192 = tpu.memref_slice %arg2[%dma_start3A_190, %dma_start3A_191] : memref<10000x128xf32, #tpu.memory_space<hbm>> -> memref<10000x128xf32, #tpu.memory_space<hbm>>
        tpu.enqueue_indirect_dma source(%dma_start3A_192 : memref<10000x128xf32, #tpu.memory_space<hbm>>) target(%arg9 : memref<128x128xf32, #tpu.memory_space<vmem>>) offsets(%dma_start3A_189 : memref<128xi32, #tpu.memory_space<vmem>>) semaphore(%arg13 : memref<!tpu.dma_semaphore, #tpu.memory_space<semaphore_mem>>)
      }
      %while3A_136 = arith.constant 1 : i32
      scf.for %while3A_156 = %while3A_134 to %while3A_130 step %while3A_136  : i32 {
        %mul3A_157 = arith.constant 2 : i32
        %mul3A_158 = arith.muli %mul3A_157, %while3A_156 : i32
        %add3A_159 = arith.constant 0 : i32
        %add3A_160 = arith.addi %mul3A_158, %add3A_159 : i32
        %dma_wait3A_161 = arith.constant 0 : i32
        %dma_wait3A_162 = tpu.memref_slice %arg6[%add3A_160, %dma_wait3A_161] : memref<24x128xi32, #tpu.memory_space<vmem>> -> memref<1x128xi32, #tpu.memory_space<vmem>>
        %dma_wait3A_163 = tpu.memref_squeeze %dma_wait3A_162 : memref<1x128xi32, #tpu.memory_space<vmem>> -> memref<128xi32, #tpu.memory_space<vmem>>
        %dma_wait3A_164 = arith.constant 0 : i32
        %dma_wait3A_165 = arith.constant 0 : i32
        %dma_wait3A_166 = tpu.memref_slice %arg2[%dma_wait3A_164, %dma_wait3A_165] : memref<10000x128xf32, #tpu.memory_space<hbm>> -> memref<10000x128xf32, #tpu.memory_space<hbm>>
        tpu.wait_indirect_dma semaphore(%arg12 : memref<!tpu.dma_semaphore, #tpu.memory_space<semaphore_mem>>) src(%dma_wait3A_166 : memref<10000x128xf32, #tpu.memory_space<hbm>>) dst(%arg8 : memref<128x128xf32, #tpu.memory_space<vmem>>)
        "tpu.region"() ({
          %run_scoped3A = tpu.sem_alloc : memref<!tpu.dma_semaphore, #tpu.memory_space<semaphore_mem>>
          %dma_start3A_193 = arith.constant 0 : i32
          %dma_start3A_194 = tpu.memref_slice %arg7[%add3A_160, %dma_start3A_193] : memref<24x128xi32, #tpu.memory_space<vmem>> -> memref<1x128xi32, #tpu.memory_space<vmem>>
          %dma_start3A_195 = tpu.memref_squeeze %dma_start3A_194 : memref<1x128xi32, #tpu.memory_space<vmem>> -> memref<128xi32, #tpu.memory_space<vmem>>
          %dma_start3A_196 = arith.constant 0 : i32
          %dma_start3A_197 = arith.constant 0 : i32
          %dma_start3A_198 = tpu.memref_slice %arg11[%dma_start3A_196, %dma_start3A_197] : memref<10112x128xf32, #tpu.memory_space<vmem_shared>> -> memref<10112x128xf32, #tpu.memory_space<vmem_shared>>
          tpu.enqueue_indirect_dma source(%arg8 : memref<128x128xf32, #tpu.memory_space<vmem>>) target(%dma_start3A_198 : memref<10112x128xf32, #tpu.memory_space<vmem_shared>>) offsets(%dma_start3A_195 : memref<128xi32, #tpu.memory_space<vmem>>) semaphore(%run_scoped3A : memref<!tpu.dma_semaphore, #tpu.memory_space<semaphore_mem>>) {add = true}
          %dma_wait3A_199 = arith.constant 0 : i32
          %dma_wait3A_200 = tpu.memref_slice %arg7[%add3A_160, %dma_wait3A_199] : memref<24x128xi32, #tpu.memory_space<vmem>> -> memref<1x128xi32, #tpu.memory_space<vmem>>
          %dma_wait3A_201 = tpu.memref_squeeze %dma_wait3A_200 : memref<1x128xi32, #tpu.memory_space<vmem>> -> memref<128xi32, #tpu.memory_space<vmem>>
          %dma_wait3A_202 = arith.constant 0 : i32
          %dma_wait3A_203 = arith.constant 0 : i32
          %dma_wait3A_204 = tpu.memref_slice %arg11[%dma_wait3A_202, %dma_wait3A_203] : memref<10112x128xf32, #tpu.memory_space<vmem_shared>> -> memref<10112x128xf32, #tpu.memory_space<vmem_shared>>
          tpu.wait_indirect_dma semaphore(%run_scoped3A : memref<!tpu.dma_semaphore, #tpu.memory_space<semaphore_mem>>) src(%arg8 : memref<128x128xf32, #tpu.memory_space<vmem>>) dst(%dma_wait3A_204 : memref<10112x128xf32, #tpu.memory_space<vmem_shared>>)
          tpu.yield
        }) : () -> ()
        %add3A_167 = arith.constant 2 : i32
        %add3A_168 = arith.addi %add3A_160, %add3A_167 : i32
        %dma_start3A_169 = arith.constant 0 : i32
        %dma_start3A_170 = tpu.memref_slice %arg6[%add3A_168, %dma_start3A_169] : memref<24x128xi32, #tpu.memory_space<vmem>> -> memref<1x128xi32, #tpu.memory_space<vmem>>
        %dma_start3A_171 = tpu.memref_squeeze %dma_start3A_170 : memref<1x128xi32, #tpu.memory_space<vmem>> -> memref<128xi32, #tpu.memory_space<vmem>>
        %dma_start3A_172 = arith.constant 0 : i32
        %dma_start3A_173 = arith.constant 0 : i32
        %dma_start3A_174 = tpu.memref_slice %arg2[%dma_start3A_172, %dma_start3A_173] : memref<10000x128xf32, #tpu.memory_space<hbm>> -> memref<10000x128xf32, #tpu.memory_space<hbm>>
        tpu.enqueue_indirect_dma source(%dma_start3A_174 : memref<10000x128xf32, #tpu.memory_space<hbm>>) target(%arg8 : memref<128x128xf32, #tpu.memory_space<vmem>>) offsets(%dma_start3A_171 : memref<128xi32, #tpu.memory_space<vmem>>) semaphore(%arg12 : memref<!tpu.dma_semaphore, #tpu.memory_space<semaphore_mem>>)
        %mul3A_175 = arith.constant 2 : i32
        %mul3A_176 = arith.muli %mul3A_175, %while3A_156 : i32
        %add3A_177 = arith.constant 1 : i32
        %add3A_178 = arith.addi %mul3A_176, %add3A_177 : i32
        %dma_wait3A_179 = arith.constant 0 : i32
        %dma_wait3A_180 = tpu.memref_slice %arg6[%add3A_178, %dma_wait3A_179] : memref<24x128xi32, #tpu.memory_space<vmem>> -> memref<1x128xi32, #tpu.memory_space<vmem>>
        %dma_wait3A_181 = tpu.memref_squeeze %dma_wait3A_180 : memref<1x128xi32, #tpu.memory_space<vmem>> -> memref<128xi32, #tpu.memory_space<vmem>>
        %dma_wait3A_182 = arith.constant 0 : i32
        %dma_wait3A_183 = arith.constant 0 : i32
        %dma_wait3A_184 = tpu.memref_slice %arg2[%dma_wait3A_182, %dma_wait3A_183] : memref<10000x128xf32, #tpu.memory_space<hbm>> -> memref<10000x128xf32, #tpu.memory_space<hbm>>
        tpu.wait_indirect_dma semaphore(%arg13 : memref<!tpu.dma_semaphore, #tpu.memory_space<semaphore_mem>>) src(%dma_wait3A_184 : memref<10000x128xf32, #tpu.memory_space<hbm>>) dst(%arg9 : memref<128x128xf32, #tpu.memory_space<vmem>>)
        "tpu.region"() ({
          %run_scoped3A = tpu.sem_alloc : memref<!tpu.dma_semaphore, #tpu.memory_space<semaphore_mem>>
          %dma_start3A_193 = arith.constant 0 : i32
          %dma_start3A_194 = tpu.memref_slice %arg7[%add3A_178, %dma_start3A_193] : memref<24x128xi32, #tpu.memory_space<vmem>> -> memref<1x128xi32, #tpu.memory_space<vmem>>
          %dma_start3A_195 = tpu.memref_squeeze %dma_start3A_194 : memref<1x128xi32, #tpu.memory_space<vmem>> -> memref<128xi32, #tpu.memory_space<vmem>>
          %dma_start3A_196 = arith.constant 0 : i32
          %dma_start3A_197 = arith.constant 0 : i32
          %dma_start3A_198 = tpu.memref_slice %arg11[%dma_start3A_196, %dma_start3A_197] : memref<10112x128xf32, #tpu.memory_space<vmem_shared>> -> memref<10112x128xf32, #tpu.memory_space<vmem_shared>>
          tpu.enqueue_indirect_dma source(%arg9 : memref<128x128xf32, #tpu.memory_space<vmem>>) target(%dma_start3A_198 : memref<10112x128xf32, #tpu.memory_space<vmem_shared>>) offsets(%dma_start3A_195 : memref<128xi32, #tpu.memory_space<vmem>>) semaphore(%run_scoped3A : memref<!tpu.dma_semaphore, #tpu.memory_space<semaphore_mem>>) {add = true}
          %dma_wait3A_199 = arith.constant 0 : i32
          %dma_wait3A_200 = tpu.memref_slice %arg7[%add3A_178, %dma_wait3A_199] : memref<24x128xi32, #tpu.memory_space<vmem>> -> memref<1x128xi32, #tpu.memory_space<vmem>>
          %dma_wait3A_201 = tpu.memref_squeeze %dma_wait3A_200 : memref<1x128xi32, #tpu.memory_space<vmem>> -> memref<128xi32, #tpu.memory_space<vmem>>
          %dma_wait3A_202 = arith.constant 0 : i32
          %dma_wait3A_203 = arith.constant 0 : i32
          %dma_wait3A_204 = tpu.memref_slice %arg11[%dma_wait3A_202, %dma_wait3A_203] : memref<10112x128xf32, #tpu.memory_space<vmem_shared>> -> memref<10112x128xf32, #tpu.memory_space<vmem_shared>>
          tpu.wait_indirect_dma semaphore(%run_scoped3A : memref<!tpu.dma_semaphore, #tpu.memory_space<semaphore_mem>>) src(%arg9 : memref<128x128xf32, #tpu.memory_space<vmem>>) dst(%dma_wait3A_204 : memref<10112x128xf32, #tpu.memory_space<vmem_shared>>)
          tpu.yield
        }) : () -> ()
        %add3A_185 = arith.constant 2 : i32
        %add3A_186 = arith.addi %add3A_178, %add3A_185 : i32
        %dma_start3A_187 = arith.constant 0 : i32
        %dma_start3A_188 = tpu.memref_slice %arg6[%add3A_186, %dma_start3A_187] : memref<24x128xi32, #tpu.memory_space<vmem>> -> memref<1x128xi32, #tpu.memory_space<vmem>>
        %dma_start3A_189 = tpu.memref_squeeze %dma_start3A_188 : memref<1x128xi32, #tpu.memory_space<vmem>> -> memref<128xi32, #tpu.memory_space<vmem>>
        %dma_start3A_190 = arith.constant 0 : i32
        %dma_start3A_191 = arith.constant 0 : i32
        %dma_start3A_192 = tpu.memref_slice %arg2[%dma_start3A_190, %dma_start3A_191] : memref<10000x128xf32, #tpu.memory_space<hbm>> -> memref<10000x128xf32, #tpu.memory_space<hbm>>
        tpu.enqueue_indirect_dma source(%dma_start3A_192 : memref<10000x128xf32, #tpu.memory_space<hbm>>) target(%arg9 : memref<128x128xf32, #tpu.memory_space<vmem>>) offsets(%dma_start3A_189 : memref<128xi32, #tpu.memory_space<vmem>>) semaphore(%arg13 : memref<!tpu.dma_semaphore, #tpu.memory_space<semaphore_mem>>)
      }
      %sub3A_137 = arith.constant 2 : i32
      %sub3A_138 = arith.subi %min3A_88, %sub3A_137 : i32
      %add3A_139 = arith.constant 0 : i32
      %add3A_140 = arith.addi %sub3A_138, %add3A_139 : i32
      %dma_wait3A = arith.constant 0 : i32
      %dma_wait3A_141 = tpu.memref_slice %arg6[%add3A_140, %dma_wait3A] : memref<24x128xi32, #tpu.memory_space<vmem>> -> memref<1x128xi32, #tpu.memory_space<vmem>>
      %dma_wait3A_142 = tpu.memref_squeeze %dma_wait3A_141 : memref<1x128xi32, #tpu.memory_space<vmem>> -> memref<128xi32, #tpu.memory_space<vmem>>
      %dma_wait3A_143 = arith.constant 0 : i32
      %dma_wait3A_144 = arith.constant 0 : i32
      %dma_wait3A_145 = tpu.memref_slice %arg2[%dma_wait3A_143, %dma_wait3A_144] : memref<10000x128xf32, #tpu.memory_space<hbm>> -> memref<10000x128xf32, #tpu.memory_space<hbm>>
      tpu.wait_indirect_dma semaphore(%arg12 : memref<!tpu.dma_semaphore, #tpu.memory_space<semaphore_mem>>) src(%dma_wait3A_145 : memref<10000x128xf32, #tpu.memory_space<hbm>>) dst(%arg8 : memref<128x128xf32, #tpu.memory_space<vmem>>)
      "tpu.region"() ({
        %run_scoped3A = tpu.sem_alloc : memref<!tpu.dma_semaphore, #tpu.memory_space<semaphore_mem>>
        %dma_start3A_156 = arith.constant 0 : i32
        %dma_start3A_157 = tpu.memref_slice %arg7[%add3A_140, %dma_start3A_156] : memref<24x128xi32, #tpu.memory_space<vmem>> -> memref<1x128xi32, #tpu.memory_space<vmem>>
        %dma_start3A_158 = tpu.memref_squeeze %dma_start3A_157 : memref<1x128xi32, #tpu.memory_space<vmem>> -> memref<128xi32, #tpu.memory_space<vmem>>
        %dma_start3A_159 = arith.constant 0 : i32
        %dma_start3A_160 = arith.constant 0 : i32
        %dma_start3A_161 = tpu.memref_slice %arg11[%dma_start3A_159, %dma_start3A_160] : memref<10112x128xf32, #tpu.memory_space<vmem_shared>> -> memref<10112x128xf32, #tpu.memory_space<vmem_shared>>
        tpu.enqueue_indirect_dma source(%arg8 : memref<128x128xf32, #tpu.memory_space<vmem>>) target(%dma_start3A_161 : memref<10112x128xf32, #tpu.memory_space<vmem_shared>>) offsets(%dma_start3A_158 : memref<128xi32, #tpu.memory_space<vmem>>) semaphore(%run_scoped3A : memref<!tpu.dma_semaphore, #tpu.memory_space<semaphore_mem>>) {add = true}
        %dma_wait3A_162 = arith.constant 0 : i32
        %dma_wait3A_163 = tpu.memref_slice %arg7[%add3A_140, %dma_wait3A_162] : memref<24x128xi32, #tpu.memory_space<vmem>> -> memref<1x128xi32, #tpu.memory_space<vmem>>
        %dma_wait3A_164 = tpu.memref_squeeze %dma_wait3A_163 : memref<1x128xi32, #tpu.memory_space<vmem>> -> memref<128xi32, #tpu.memory_space<vmem>>
        %dma_wait3A_165 = arith.constant 0 : i32
        %dma_wait3A_166 = arith.constant 0 : i32
        %dma_wait3A_167 = tpu.memref_slice %arg11[%dma_wait3A_165, %dma_wait3A_166] : memref<10112x128xf32, #tpu.memory_space<vmem_shared>> -> memref<10112x128xf32, #tpu.memory_space<vmem_shared>>
        tpu.wait_indirect_dma semaphore(%run_scoped3A : memref<!tpu.dma_semaphore, #tpu.memory_space<semaphore_mem>>) src(%arg8 : memref<128x128xf32, #tpu.memory_space<vmem>>) dst(%dma_wait3A_167 : memref<10112x128xf32, #tpu.memory_space<vmem_shared>>)
        tpu.yield
      }) : () -> ()
      %sub3A_146 = arith.constant 2 : i32
      %sub3A_147 = arith.subi %min3A_88, %sub3A_146 : i32
      %add3A_148 = arith.constant 1 : i32
      %add3A_149 = arith.addi %sub3A_147, %add3A_148 : i32
      %dma_wait3A_150 = arith.constant 0 : i32
      %dma_wait3A_151 = tpu.memref_slice %arg6[%add3A_149, %dma_wait3A_150] : memref<24x128xi32, #tpu.memory_space<vmem>> -> memref<1x128xi32, #tpu.memory_space<vmem>>
      %dma_wait3A_152 = tpu.memref_squeeze %dma_wait3A_151 : memref<1x128xi32, #tpu.memory_space<vmem>> -> memref<128xi32, #tpu.memory_space<vmem>>
      %dma_wait3A_153 = arith.constant 0 : i32
      %dma_wait3A_154 = arith.constant 0 : i32
      %dma_wait3A_155 = tpu.memref_slice %arg2[%dma_wait3A_153, %dma_wait3A_154] : memref<10000x128xf32, #tpu.memory_space<hbm>> -> memref<10000x128xf32, #tpu.memory_space<hbm>>
      tpu.wait_indirect_dma semaphore(%arg13 : memref<!tpu.dma_semaphore, #tpu.memory_space<semaphore_mem>>) src(%dma_wait3A_155 : memref<10000x128xf32, #tpu.memory_space<hbm>>) dst(%arg9 : memref<128x128xf32, #tpu.memory_space<vmem>>)
      "tpu.region"() ({
        %run_scoped3A = tpu.sem_alloc : memref<!tpu.dma_semaphore, #tpu.memory_space<semaphore_mem>>
        %dma_start3A_156 = arith.constant 0 : i32
        %dma_start3A_157 = tpu.memref_slice %arg7[%add3A_149, %dma_start3A_156] : memref<24x128xi32, #tpu.memory_space<vmem>> -> memref<1x128xi32, #tpu.memory_space<vmem>>
        %dma_start3A_158 = tpu.memref_squeeze %dma_start3A_157 : memref<1x128xi32, #tpu.memory_space<vmem>> -> memref<128xi32, #tpu.memory_space<vmem>>
        %dma_start3A_159 = arith.constant 0 : i32
        %dma_start3A_160 = arith.constant 0 : i32
        %dma_start3A_161 = tpu.memref_slice %arg11[%dma_start3A_159, %dma_start3A_160] : memref<10112x128xf32, #tpu.memory_space<vmem_shared>> -> memref<10112x128xf32, #tpu.memory_space<vmem_shared>>
        tpu.enqueue_indirect_dma source(%arg9 : memref<128x128xf32, #tpu.memory_space<vmem>>) target(%dma_start3A_161 : memref<10112x128xf32, #tpu.memory_space<vmem_shared>>) offsets(%dma_start3A_158 : memref<128xi32, #tpu.memory_space<vmem>>) semaphore(%run_scoped3A : memref<!tpu.dma_semaphore, #tpu.memory_space<semaphore_mem>>) {add = true}
        %dma_wait3A_162 = arith.constant 0 : i32
        %dma_wait3A_163 = tpu.memref_slice %arg7[%add3A_149, %dma_wait3A_162] : memref<24x128xi32, #tpu.memory_space<vmem>> -> memref<1x128xi32, #tpu.memory_space<vmem>>
        %dma_wait3A_164 = tpu.memref_squeeze %dma_wait3A_163 : memref<1x128xi32, #tpu.memory_space<vmem>> -> memref<128xi32, #tpu.memory_space<vmem>>
        %dma_wait3A_165 = arith.constant 0 : i32
        %dma_wait3A_166 = arith.constant 0 : i32
        %dma_wait3A_167 = tpu.memref_slice %arg11[%dma_wait3A_165, %dma_wait3A_166] : memref<10112x128xf32, #tpu.memory_space<vmem_shared>> -> memref<10112x128xf32, #tpu.memory_space<vmem_shared>>
        tpu.wait_indirect_dma semaphore(%run_scoped3A : memref<!tpu.dma_semaphore, #tpu.memory_space<semaphore_mem>>) src(%arg9 : memref<128x128xf32, #tpu.memory_space<vmem>>) dst(%dma_wait3A_167 : memref<10112x128xf32, #tpu.memory_space<vmem_shared>>)
        tpu.yield
      }) : () -> ()
    }
    %while3A_72 = arith.constant 1 : i32
    scf.for %while3A_78 = %while3A_70 to %while3A_66 step %while3A_72  : i32 {
      %mul3A_79 = arith.constant 24 : i32
      %mul3A_80 = arith.muli %while3A_78, %mul3A_79 : i32
      %add3A_81 = arith.addi %mul3A_2, %mul3A_80 : i32
      "tpu.region"() ({
        %run_scoped3A = tpu.sem_alloc : memref<!tpu.dma_semaphore, #tpu.memory_space<semaphore_mem>>
        %dma_start3A_156 = arith.constant 0 : i32
        %dma_start3A_157 = tpu.memref_slice %arg3[%add3A_81, %dma_start3A_156] : memref<2584x128xi32, #tpu.memory_space<hbm>> -> memref<24x128xi32, #tpu.memory_space<hbm>>
        %dma_start3A_158 = arith.constant 0 : i32
        %dma_start3A_159 = tpu.memref_slice %arg3[%add3A_81, %dma_start3A_158] : memref<2584x128xi32, #tpu.memory_space<hbm>> -> memref<24x128xi32, #tpu.memory_space<hbm>>
        tpu.enqueue_dma source(%dma_start3A_159 : memref<24x128xi32, #tpu.memory_space<hbm>>) target(%arg6 : memref<24x128xi32, #tpu.memory_space<vmem>>) target_semaphore(%run_scoped3A : memref<!tpu.dma_semaphore, #tpu.memory_space<semaphore_mem>>)
        %dma_wait3A_160 = arith.constant 0 : i32
        %dma_wait3A_161 = tpu.memref_slice %arg3[%add3A_81, %dma_wait3A_160] : memref<2584x128xi32, #tpu.memory_space<hbm>> -> memref<24x128xi32, #tpu.memory_space<hbm>>
        %dma_wait3A_162 = arith.constant 0 : i32
        %dma_wait3A_163 = tpu.memref_slice %arg3[%add3A_81, %dma_wait3A_162] : memref<2584x128xi32, #tpu.memory_space<hbm>> -> memref<24x128xi32, #tpu.memory_space<hbm>>
        tpu.wait_dma2 semaphore(%run_scoped3A : memref<!tpu.dma_semaphore, #tpu.memory_space<semaphore_mem>>) src(%dma_wait3A_163 : memref<24x128xi32, #tpu.memory_space<hbm>>) dst(%arg6 : memref<24x128xi32, #tpu.memory_space<vmem>>)
        tpu.yield
      }) : () -> ()
      "tpu.region"() ({
        %run_scoped3A = tpu.sem_alloc : memref<!tpu.dma_semaphore, #tpu.memory_space<semaphore_mem>>
        %dma_start3A_156 = arith.constant 0 : i32
        %dma_start3A_157 = tpu.memref_slice %arg4[%add3A_81, %dma_start3A_156] : memref<2584x128xi32, #tpu.memory_space<hbm>> -> memref<24x128xi32, #tpu.memory_space<hbm>>
        %dma_start3A_158 = arith.constant 0 : i32
        %dma_start3A_159 = tpu.memref_slice %arg4[%add3A_81, %dma_start3A_158] : memref<2584x128xi32, #tpu.memory_space<hbm>> -> memref<24x128xi32, #tpu.memory_space<hbm>>
        tpu.enqueue_dma source(%dma_start3A_159 : memref<24x128xi32, #tpu.memory_space<hbm>>) target(%arg7 : memref<24x128xi32, #tpu.memory_space<vmem>>) target_semaphore(%run_scoped3A : memref<!tpu.dma_semaphore, #tpu.memory_space<semaphore_mem>>)
        %dma_wait3A_160 = arith.constant 0 : i32
        %dma_wait3A_161 = tpu.memref_slice %arg4[%add3A_81, %dma_wait3A_160] : memref<2584x128xi32, #tpu.memory_space<hbm>> -> memref<24x128xi32, #tpu.memory_space<hbm>>
        %dma_wait3A_162 = arith.constant 0 : i32
        %dma_wait3A_163 = tpu.memref_slice %arg4[%add3A_81, %dma_wait3A_162] : memref<2584x128xi32, #tpu.memory_space<hbm>> -> memref<24x128xi32, #tpu.memory_space<hbm>>
        tpu.wait_dma2 semaphore(%run_scoped3A : memref<!tpu.dma_semaphore, #tpu.memory_space<semaphore_mem>>) src(%dma_wait3A_163 : memref<24x128xi32, #tpu.memory_space<hbm>>) dst(%arg7 : memref<24x128xi32, #tpu.memory_space<vmem>>)
        tpu.yield
      }) : () -> ()
      %mul3A_82 = arith.constant 24 : i32
      %mul3A_83 = arith.muli %while3A_78, %mul3A_82 : i32
      %sub3A_84 = arith.subi %min3A, %mul3A_83 : i32
      %jit3A_85 = arith.constant 0 : i32
      %jit3A_86 = arith.constant 24 : i32
      %max3A_87 = arith.maxsi %jit3A_85, %sub3A_84 : i32
      %min3A_88 = arith.minsi %jit3A_86, %max3A_87 : i32
      %dma_start3A = arith.constant 0 : i32
      %dma_start3A_89 = arith.constant 0 : i32
      %dma_start3A_90 = tpu.memref_slice %arg6[%dma_start3A, %dma_start3A_89] : memref<24x128xi32, #tpu.memory_space<vmem>> -> memref<1x128xi32, #tpu.memory_space<vmem>>
      %dma_start3A_91 = tpu.memref_squeeze %dma_start3A_90 : memref<1x128xi32, #tpu.memory_space<vmem>> -> memref<128xi32, #tpu.memory_space<vmem>>
      %dma_start3A_92 = arith.constant 0 : i32
      %dma_start3A_93 = arith.constant 0 : i32
      %dma_start3A_94 = tpu.memref_slice %arg2[%dma_start3A_92, %dma_start3A_93] : memref<10000x128xf32, #tpu.memory_space<hbm>> -> memref<10000x128xf32, #tpu.memory_space<hbm>>
      tpu.enqueue_indirect_dma source(%dma_start3A_94 : memref<10000x128xf32, #tpu.memory_space<hbm>>) target(%arg8 : memref<128x128xf32, #tpu.memory_space<vmem>>) offsets(%dma_start3A_91 : memref<128xi32, #tpu.memory_space<vmem>>) semaphore(%arg12 : memref<!tpu.dma_semaphore, #tpu.memory_space<semaphore_mem>>)
      %dma_start3A_95 = arith.constant 1 : i32
      %dma_start3A_96 = arith.constant 0 : i32
      %dma_start3A_97 = tpu.memref_slice %arg6[%dma_start3A_95, %dma_start3A_96] : memref<24x128xi32, #tpu.memory_space<vmem>> -> memref<1x128xi32, #tpu.memory_space<vmem>>
      %dma_start3A_98 = tpu.memref_squeeze %dma_start3A_97 : memref<1x128xi32, #tpu.memory_space<vmem>> -> memref<128xi32, #tpu.memory_space<vmem>>
      %dma_start3A_99 = arith.constant 0 : i32
      %dma_start3A_100 = arith.constant 0 : i32
      %dma_start3A_101 = tpu.memref_slice %arg2[%dma_start3A_99, %dma_start3A_100] : memref<10000x128xf32, #tpu.memory_space<hbm>> -> memref<10000x128xf32, #tpu.memory_space<hbm>>
      tpu.enqueue_indirect_dma source(%dma_start3A_101 : memref<10000x128xf32, #tpu.memory_space<hbm>>) target(%arg9 : memref<128x128xf32, #tpu.memory_space<vmem>>) offsets(%dma_start3A_98 : memref<128xi32, #tpu.memory_space<vmem>>) semaphore(%arg13 : memref<!tpu.dma_semaphore, #tpu.memory_space<semaphore_mem>>)
      %sub3A_102 = arith.constant 2 : i32
      %sub3A_103 = arith.subi %min3A_88, %sub3A_102 : i32
      %jit3A_104 = arith.constant 2 : i32
      %div3A_105 = arith.divsi %sub3A_103, %jit3A_104 : i32
      %sign3A_106 = arith.constant 0 : i32
      %sign3A_107 = arith.cmpi sgt, %sub3A_103, %sign3A_106 : i32
      %sign3A_108 = arith.extui %sign3A_107 : i1 to i32
      %sign3A_109 = arith.constant 0 : i32
      %sign3A_110 = arith.cmpi slt, %sub3A_103, %sign3A_109 : i32
      %sign3A_111 = arith.extui %sign3A_110 : i1 to i32
      %sign3A_112 = arith.subi %sign3A_108, %sign3A_111 : i32
      %sign3A_113 = arith.constant 0 : i32
      %sign3A_114 = arith.cmpi sgt, %jit3A_104, %sign3A_113 : i32
      %sign3A_115 = arith.extui %sign3A_114 : i1 to i32
      %sign3A_116 = arith.constant 0 : i32
      %sign3A_117 = arith.cmpi slt, %jit3A_104, %sign3A_116 : i32
      %sign3A_118 = arith.extui %sign3A_117 : i1 to i32
      %sign3A_119 = arith.subi %sign3A_115, %sign3A_118 : i32
      %ne3A_120 = arith.cmpi ne, %sign3A_112, %sign3A_119 : i32
      %rem3A_121 = arith.remsi %sub3A_103, %jit3A_104 : i32
      %ne3A_122 = arith.constant 0 : i32
      %ne3A_123 = arith.cmpi ne, %rem3A_121, %ne3A_122 : i32
      %and3A_124 = arith.andi %ne3A_120, %ne3A_123 : i1
      %sub3A_125 = arith.constant 1 : i32
      %sub3A_126 = arith.subi %div3A_105, %sub3A_125 : i32
      %select_n3A_127 = arith.select %and3A_124, %sub3A_126, %div3A_105 : i32
      %while3A_128 = arith.constant 0 : i32
      %while3A_129 = arith.subi %select_n3A_127, %while3A_128 : i32
      %while3A_130 = arith.addi %while3A_128, %while3A_129 : i32
      %while3A_131 = arith.constant 1 : i32
      %while3A_132 = arith.divsi %while3A_129, %while3A_131 : i32
      %while3A_133 = arith.muli %while3A_132, %while3A_131 : i32
      %while3A_134 = arith.addi %while3A_128, %while3A_133 : i32
      %while3A_135 = arith.constant 1 : i32
      scf.for %while3A_156 = %while3A_128 to %while3A_134 step %while3A_135  : i32 {
        %mul3A_157 = arith.constant 2 : i32
        %mul3A_158 = arith.muli %mul3A_157, %while3A_156 : i32
        %add3A_159 = arith.constant 0 : i32
        %add3A_160 = arith.addi %mul3A_158, %add3A_159 : i32
        %dma_wait3A_161 = arith.constant 0 : i32
        %dma_wait3A_162 = tpu.memref_slice %arg6[%add3A_160, %dma_wait3A_161] : memref<24x128xi32, #tpu.memory_space<vmem>> -> memref<1x128xi32, #tpu.memory_space<vmem>>
        %dma_wait3A_163 = tpu.memref_squeeze %dma_wait3A_162 : memref<1x128xi32, #tpu.memory_space<vmem>> -> memref<128xi32, #tpu.memory_space<vmem>>
        %dma_wait3A_164 = arith.constant 0 : i32
        %dma_wait3A_165 = arith.constant 0 : i32
        %dma_wait3A_166 = tpu.memref_slice %arg2[%dma_wait3A_164, %dma_wait3A_165] : memref<10000x128xf32, #tpu.memory_space<hbm>> -> memref<10000x128xf32, #tpu.memory_space<hbm>>
        tpu.wait_indirect_dma semaphore(%arg12 : memref<!tpu.dma_semaphore, #tpu.memory_space<semaphore_mem>>) src(%dma_wait3A_166 : memref<10000x128xf32, #tpu.memory_space<hbm>>) dst(%arg8 : memref<128x128xf32, #tpu.memory_space<vmem>>)
        "tpu.region"() ({
          %run_scoped3A = tpu.sem_alloc : memref<!tpu.dma_semaphore, #tpu.memory_space<semaphore_mem>>
          %dma_start3A_193 = arith.constant 0 : i32
          %dma_start3A_194 = tpu.memref_slice %arg7[%add3A_160, %dma_start3A_193] : memref<24x128xi32, #tpu.memory_space<vmem>> -> memref<1x128xi32, #tpu.memory_space<vmem>>
          %dma_start3A_195 = tpu.memref_squeeze %dma_start3A_194 : memref<1x128xi32, #tpu.memory_space<vmem>> -> memref<128xi32, #tpu.memory_space<vmem>>
          %dma_start3A_196 = arith.constant 0 : i32
          %dma_start3A_197 = arith.constant 0 : i32
          %dma_start3A_198 = tpu.memref_slice %arg11[%dma_start3A_196, %dma_start3A_197] : memref<10112x128xf32, #tpu.memory_space<vmem_shared>> -> memref<10112x128xf32, #tpu.memory_space<vmem_shared>>
          tpu.enqueue_indirect_dma source(%arg8 : memref<128x128xf32, #tpu.memory_space<vmem>>) target(%dma_start3A_198 : memref<10112x128xf32, #tpu.memory_space<vmem_shared>>) offsets(%dma_start3A_195 : memref<128xi32, #tpu.memory_space<vmem>>) semaphore(%run_scoped3A : memref<!tpu.dma_semaphore, #tpu.memory_space<semaphore_mem>>) {add = true}
          %dma_wait3A_199 = arith.constant 0 : i32
          %dma_wait3A_200 = tpu.memref_slice %arg7[%add3A_160, %dma_wait3A_199] : memref<24x128xi32, #tpu.memory_space<vmem>> -> memref<1x128xi32, #tpu.memory_space<vmem>>
          %dma_wait3A_201 = tpu.memref_squeeze %dma_wait3A_200 : memref<1x128xi32, #tpu.memory_space<vmem>> -> memref<128xi32, #tpu.memory_space<vmem>>
          %dma_wait3A_202 = arith.constant 0 : i32
          %dma_wait3A_203 = arith.constant 0 : i32
          %dma_wait3A_204 = tpu.memref_slice %arg11[%dma_wait3A_202, %dma_wait3A_203] : memref<10112x128xf32, #tpu.memory_space<vmem_shared>> -> memref<10112x128xf32, #tpu.memory_space<vmem_shared>>
          tpu.wait_indirect_dma semaphore(%run_scoped3A : memref<!tpu.dma_semaphore, #tpu.memory_space<semaphore_mem>>) src(%arg8 : memref<128x128xf32, #tpu.memory_space<vmem>>) dst(%dma_wait3A_204 : memref<10112x128xf32, #tpu.memory_space<vmem_shared>>)
          tpu.yield
        }) : () -> ()
        %add3A_167 = arith.constant 2 : i32
        %add3A_168 = arith.addi %add3A_160, %add3A_167 : i32
        %dma_start3A_169 = arith.constant 0 : i32
        %dma_start3A_170 = tpu.memref_slice %arg6[%add3A_168, %dma_start3A_169] : memref<24x128xi32, #tpu.memory_space<vmem>> -> memref<1x128xi32, #tpu.memory_space<vmem>>
        %dma_start3A_171 = tpu.memref_squeeze %dma_start3A_170 : memref<1x128xi32, #tpu.memory_space<vmem>> -> memref<128xi32, #tpu.memory_space<vmem>>
        %dma_start3A_172 = arith.constant 0 : i32
        %dma_start3A_173 = arith.constant 0 : i32
        %dma_start3A_174 = tpu.memref_slice %arg2[%dma_start3A_172, %dma_start3A_173] : memref<10000x128xf32, #tpu.memory_space<hbm>> -> memref<10000x128xf32, #tpu.memory_space<hbm>>
        tpu.enqueue_indirect_dma source(%dma_start3A_174 : memref<10000x128xf32, #tpu.memory_space<hbm>>) target(%arg8 : memref<128x128xf32, #tpu.memory_space<vmem>>) offsets(%dma_start3A_171 : memref<128xi32, #tpu.memory_space<vmem>>) semaphore(%arg12 : memref<!tpu.dma_semaphore, #tpu.memory_space<semaphore_mem>>)
        %mul3A_175 = arith.constant 2 : i32
        %mul3A_176 = arith.muli %mul3A_175, %while3A_156 : i32
        %add3A_177 = arith.constant 1 : i32
        %add3A_178 = arith.addi %mul3A_176, %add3A_177 : i32
        %dma_wait3A_179 = arith.constant 0 : i32
        %dma_wait3A_180 = tpu.memref_slice %arg6[%add3A_178, %dma_wait3A_179] : memref<24x128xi32, #tpu.memory_space<vmem>> -> memref<1x128xi32, #tpu.memory_space<vmem>>
        %dma_wait3A_181 = tpu.memref_squeeze %dma_wait3A_180 : memref<1x128xi32, #tpu.memory_space<vmem>> -> memref<128xi32, #tpu.memory_space<vmem>>
        %dma_wait3A_182 = arith.constant 0 : i32
        %dma_wait3A_183 = arith.constant 0 : i32
        %dma_wait3A_184 = tpu.memref_slice %arg2[%dma_wait3A_182, %dma_wait3A_183] : memref<10000x128xf32, #tpu.memory_space<hbm>> -> memref<10000x128xf32, #tpu.memory_space<hbm>>
        tpu.wait_indirect_dma semaphore(%arg13 : memref<!tpu.dma_semaphore, #tpu.memory_space<semaphore_mem>>) src(%dma_wait3A_184 : memref<10000x128xf32, #tpu.memory_space<hbm>>) dst(%arg9 : memref<128x128xf32, #tpu.memory_space<vmem>>)
        "tpu.region"() ({
          %run_scoped3A = tpu.sem_alloc : memref<!tpu.dma_semaphore, #tpu.memory_space<semaphore_mem>>
          %dma_start3A_193 = arith.constant 0 : i32
          %dma_start3A_194 = tpu.memref_slice %arg7[%add3A_178, %dma_start3A_193] : memref<24x128xi32, #tpu.memory_space<vmem>> -> memref<1x128xi32, #tpu.memory_space<vmem>>
          %dma_start3A_195 = tpu.memref_squeeze %dma_start3A_194 : memref<1x128xi32, #tpu.memory_space<vmem>> -> memref<128xi32, #tpu.memory_space<vmem>>
          %dma_start3A_196 = arith.constant 0 : i32
          %dma_start3A_197 = arith.constant 0 : i32
          %dma_start3A_198 = tpu.memref_slice %arg11[%dma_start3A_196, %dma_start3A_197] : memref<10112x128xf32, #tpu.memory_space<vmem_shared>> -> memref<10112x128xf32, #tpu.memory_space<vmem_shared>>
          tpu.enqueue_indirect_dma source(%arg9 : memref<128x128xf32, #tpu.memory_space<vmem>>) target(%dma_start3A_198 : memref<10112x128xf32, #tpu.memory_space<vmem_shared>>) offsets(%dma_start3A_195 : memref<128xi32, #tpu.memory_space<vmem>>) semaphore(%run_scoped3A : memref<!tpu.dma_semaphore, #tpu.memory_space<semaphore_mem>>) {add = true}
          %dma_wait3A_199 = arith.constant 0 : i32
          %dma_wait3A_200 = tpu.memref_slice %arg7[%add3A_178, %dma_wait3A_199] : memref<24x128xi32, #tpu.memory_space<vmem>> -> memref<1x128xi32, #tpu.memory_space<vmem>>
          %dma_wait3A_201 = tpu.memref_squeeze %dma_wait3A_200 : memref<1x128xi32, #tpu.memory_space<vmem>> -> memref<128xi32, #tpu.memory_space<vmem>>
          %dma_wait3A_202 = arith.constant 0 : i32
          %dma_wait3A_203 = arith.constant 0 : i32
          %dma_wait3A_204 = tpu.memref_slice %arg11[%dma_wait3A_202, %dma_wait3A_203] : memref<10112x128xf32, #tpu.memory_space<vmem_shared>> -> memref<10112x128xf32, #tpu.memory_space<vmem_shared>>
          tpu.wait_indirect_dma semaphore(%run_scoped3A : memref<!tpu.dma_semaphore, #tpu.memory_space<semaphore_mem>>) src(%arg9 : memref<128x128xf32, #tpu.memory_space<vmem>>) dst(%dma_wait3A_204 : memref<10112x128xf32, #tpu.memory_space<vmem_shared>>)
          tpu.yield
        }) : () -> ()
        %add3A_185 = arith.constant 2 : i32
        %add3A_186 = arith.addi %add3A_178, %add3A_185 : i32
        %dma_start3A_187 = arith.constant 0 : i32
        %dma_start3A_188 = tpu.memref_slice %arg6[%add3A_186, %dma_start3A_187] : memref<24x128xi32, #tpu.memory_space<vmem>> -> memref<1x128xi32, #tpu.memory_space<vmem>>
        %dma_start3A_189 = tpu.memref_squeeze %dma_start3A_188 : memref<1x128xi32, #tpu.memory_space<vmem>> -> memref<128xi32, #tpu.memory_space<vmem>>
        %dma_start3A_190 = arith.constant 0 : i32
        %dma_start3A_191 = arith.constant 0 : i32
        %dma_start3A_192 = tpu.memref_slice %arg2[%dma_start3A_190, %dma_start3A_191] : memref<10000x128xf32, #tpu.memory_space<hbm>> -> memref<10000x128xf32, #tpu.memory_space<hbm>>
        tpu.enqueue_indirect_dma source(%dma_start3A_192 : memref<10000x128xf32, #tpu.memory_space<hbm>>) target(%arg9 : memref<128x128xf32, #tpu.memory_space<vmem>>) offsets(%dma_start3A_189 : memref<128xi32, #tpu.memory_space<vmem>>) semaphore(%arg13 : memref<!tpu.dma_semaphore, #tpu.memory_space<semaphore_mem>>)
      }
      %while3A_136 = arith.constant 1 : i32
      scf.for %while3A_156 = %while3A_134 to %while3A_130 step %while3A_136  : i32 {
        %mul3A_157 = arith.constant 2 : i32
        %mul3A_158 = arith.muli %mul3A_157, %while3A_156 : i32
        %add3A_159 = arith.constant 0 : i32
        %add3A_160 = arith.addi %mul3A_158, %add3A_159 : i32
        %dma_wait3A_161 = arith.constant 0 : i32
        %dma_wait3A_162 = tpu.memref_slice %arg6[%add3A_160, %dma_wait3A_161] : memref<24x128xi32, #tpu.memory_space<vmem>> -> memref<1x128xi32, #tpu.memory_space<vmem>>
        %dma_wait3A_163 = tpu.memref_squeeze %dma_wait3A_162 : memref<1x128xi32, #tpu.memory_space<vmem>> -> memref<128xi32, #tpu.memory_space<vmem>>
        %dma_wait3A_164 = arith.constant 0 : i32
        %dma_wait3A_165 = arith.constant 0 : i32
        %dma_wait3A_166 = tpu.memref_slice %arg2[%dma_wait3A_164, %dma_wait3A_165] : memref<10000x128xf32, #tpu.memory_space<hbm>> -> memref<10000x128xf32, #tpu.memory_space<hbm>>
        tpu.wait_indirect_dma semaphore(%arg12 : memref<!tpu.dma_semaphore, #tpu.memory_space<semaphore_mem>>) src(%dma_wait3A_166 : memref<10000x128xf32, #tpu.memory_space<hbm>>) dst(%arg8 : memref<128x128xf32, #tpu.memory_space<vmem>>)
        "tpu.region"() ({
          %run_scoped3A = tpu.sem_alloc : memref<!tpu.dma_semaphore, #tpu.memory_space<semaphore_mem>>
          %dma_start3A_193 = arith.constant 0 : i32
          %dma_start3A_194 = tpu.memref_slice %arg7[%add3A_160, %dma_start3A_193] : memref<24x128xi32, #tpu.memory_space<vmem>> -> memref<1x128xi32, #tpu.memory_space<vmem>>
          %dma_start3A_195 = tpu.memref_squeeze %dma_start3A_194 : memref<1x128xi32, #tpu.memory_space<vmem>> -> memref<128xi32, #tpu.memory_space<vmem>>
          %dma_start3A_196 = arith.constant 0 : i32
          %dma_start3A_197 = arith.constant 0 : i32
          %dma_start3A_198 = tpu.memref_slice %arg11[%dma_start3A_196, %dma_start3A_197] : memref<10112x128xf32, #tpu.memory_space<vmem_shared>> -> memref<10112x128xf32, #tpu.memory_space<vmem_shared>>
          tpu.enqueue_indirect_dma source(%arg8 : memref<128x128xf32, #tpu.memory_space<vmem>>) target(%dma_start3A_198 : memref<10112x128xf32, #tpu.memory_space<vmem_shared>>) offsets(%dma_start3A_195 : memref<128xi32, #tpu.memory_space<vmem>>) semaphore(%run_scoped3A : memref<!tpu.dma_semaphore, #tpu.memory_space<semaphore_mem>>) {add = true}
          %dma_wait3A_199 = arith.constant 0 : i32
          %dma_wait3A_200 = tpu.memref_slice %arg7[%add3A_160, %dma_wait3A_199] : memref<24x128xi32, #tpu.memory_space<vmem>> -> memref<1x128xi32, #tpu.memory_space<vmem>>
          %dma_wait3A_201 = tpu.memref_squeeze %dma_wait3A_200 : memref<1x128xi32, #tpu.memory_space<vmem>> -> memref<128xi32, #tpu.memory_space<vmem>>
          %dma_wait3A_202 = arith.constant 0 : i32
          %dma_wait3A_203 = arith.constant 0 : i32
          %dma_wait3A_204 = tpu.memref_slice %arg11[%dma_wait3A_202, %dma_wait3A_203] : memref<10112x128xf32, #tpu.memory_space<vmem_shared>> -> memref<10112x128xf32, #tpu.memory_space<vmem_shared>>
          tpu.wait_indirect_dma semaphore(%run_scoped3A : memref<!tpu.dma_semaphore, #tpu.memory_space<semaphore_mem>>) src(%arg8 : memref<128x128xf32, #tpu.memory_space<vmem>>) dst(%dma_wait3A_204 : memref<10112x128xf32, #tpu.memory_space<vmem_shared>>)
          tpu.yield
        }) : () -> ()
        %add3A_167 = arith.constant 2 : i32
        %add3A_168 = arith.addi %add3A_160, %add3A_167 : i32
        %dma_start3A_169 = arith.constant 0 : i32
        %dma_start3A_170 = tpu.memref_slice %arg6[%add3A_168, %dma_start3A_169] : memref<24x128xi32, #tpu.memory_space<vmem>> -> memref<1x128xi32, #tpu.memory_space<vmem>>
        %dma_start3A_171 = tpu.memref_squeeze %dma_start3A_170 : memref<1x128xi32, #tpu.memory_space<vmem>> -> memref<128xi32, #tpu.memory_space<vmem>>
        %dma_start3A_172 = arith.constant 0 : i32
        %dma_start3A_173 = arith.constant 0 : i32
        %dma_start3A_174 = tpu.memref_slice %arg2[%dma_start3A_172, %dma_start3A_173] : memref<10000x128xf32, #tpu.memory_space<hbm>> -> memref<10000x128xf32, #tpu.memory_space<hbm>>
        tpu.enqueue_indirect_dma source(%dma_start3A_174 : memref<10000x128xf32, #tpu.memory_space<hbm>>) target(%arg8 : memref<128x128xf32, #tpu.memory_space<vmem>>) offsets(%dma_start3A_171 : memref<128xi32, #tpu.memory_space<vmem>>) semaphore(%arg12 : memref<!tpu.dma_semaphore, #tpu.memory_space<semaphore_mem>>)
        %mul3A_175 = arith.constant 2 : i32
        %mul3A_176 = arith.muli %mul3A_175, %while3A_156 : i32
        %add3A_177 = arith.constant 1 : i32
        %add3A_178 = arith.addi %mul3A_176, %add3A_177 : i32
        %dma_wait3A_179 = arith.constant 0 : i32
        %dma_wait3A_180 = tpu.memref_slice %arg6[%add3A_178, %dma_wait3A_179] : memref<24x128xi32, #tpu.memory_space<vmem>> -> memref<1x128xi32, #tpu.memory_space<vmem>>
        %dma_wait3A_181 = tpu.memref_squeeze %dma_wait3A_180 : memref<1x128xi32, #tpu.memory_space<vmem>> -> memref<128xi32, #tpu.memory_space<vmem>>
        %dma_wait3A_182 = arith.constant 0 : i32
        %dma_wait3A_183 = arith.constant 0 : i32
        %dma_wait3A_184 = tpu.memref_slice %arg2[%dma_wait3A_182, %dma_wait3A_183] : memref<10000x128xf32, #tpu.memory_space<hbm>> -> memref<10000x128xf32, #tpu.memory_space<hbm>>
        tpu.wait_indirect_dma semaphore(%arg13 : memref<!tpu.dma_semaphore, #tpu.memory_space<semaphore_mem>>) src(%dma_wait3A_184 : memref<10000x128xf32, #tpu.memory_space<hbm>>) dst(%arg9 : memref<128x128xf32, #tpu.memory_space<vmem>>)
        "tpu.region"() ({
          %run_scoped3A = tpu.sem_alloc : memref<!tpu.dma_semaphore, #tpu.memory_space<semaphore_mem>>
          %dma_start3A_193 = arith.constant 0 : i32
          %dma_start3A_194 = tpu.memref_slice %arg7[%add3A_178, %dma_start3A_193] : memref<24x128xi32, #tpu.memory_space<vmem>> -> memref<1x128xi32, #tpu.memory_space<vmem>>
          %dma_start3A_195 = tpu.memref_squeeze %dma_start3A_194 : memref<1x128xi32, #tpu.memory_space<vmem>> -> memref<128xi32, #tpu.memory_space<vmem>>
          %dma_start3A_196 = arith.constant 0 : i32
          %dma_start3A_197 = arith.constant 0 : i32
          %dma_start3A_198 = tpu.memref_slice %arg11[%dma_start3A_196, %dma_start3A_197] : memref<10112x128xf32, #tpu.memory_space<vmem_shared>> -> memref<10112x128xf32, #tpu.memory_space<vmem_shared>>
          tpu.enqueue_indirect_dma source(%arg9 : memref<128x128xf32, #tpu.memory_space<vmem>>) target(%dma_start3A_198 : memref<10112x128xf32, #tpu.memory_space<vmem_shared>>) offsets(%dma_start3A_195 : memref<128xi32, #tpu.memory_space<vmem>>) semaphore(%run_scoped3A : memref<!tpu.dma_semaphore, #tpu.memory_space<semaphore_mem>>) {add = true}
          %dma_wait3A_199 = arith.constant 0 : i32
          %dma_wait3A_200 = tpu.memref_slice %arg7[%add3A_178, %dma_wait3A_199] : memref<24x128xi32, #tpu.memory_space<vmem>> -> memref<1x128xi32, #tpu.memory_space<vmem>>
          %dma_wait3A_201 = tpu.memref_squeeze %dma_wait3A_200 : memref<1x128xi32, #tpu.memory_space<vmem>> -> memref<128xi32, #tpu.memory_space<vmem>>
          %dma_wait3A_202 = arith.constant 0 : i32
          %dma_wait3A_203 = arith.constant 0 : i32
          %dma_wait3A_204 = tpu.memref_slice %arg11[%dma_wait3A_202, %dma_wait3A_203] : memref<10112x128xf32, #tpu.memory_space<vmem_shared>> -> memref<10112x128xf32, #tpu.memory_space<vmem_shared>>
          tpu.wait_indirect_dma semaphore(%run_scoped3A : memref<!tpu.dma_semaphore, #tpu.memory_space<semaphore_mem>>) src(%arg9 : memref<128x128xf32, #tpu.memory_space<vmem>>) dst(%dma_wait3A_204 : memref<10112x128xf32, #tpu.memory_space<vmem_shared>>)
          tpu.yield
        }) : () -> ()
        %add3A_185 = arith.constant 2 : i32
        %add3A_186 = arith.addi %add3A_178, %add3A_185 : i32
        %dma_start3A_187 = arith.constant 0 : i32
        %dma_start3A_188 = tpu.memref_slice %arg6[%add3A_186, %dma_start3A_187] : memref<24x128xi32, #tpu.memory_space<vmem>> -> memref<1x128xi32, #tpu.memory_space<vmem>>
        %dma_start3A_189 = tpu.memref_squeeze %dma_start3A_188 : memref<1x128xi32, #tpu.memory_space<vmem>> -> memref<128xi32, #tpu.memory_space<vmem>>
        %dma_start3A_190 = arith.constant 0 : i32
        %dma_start3A_191 = arith.constant 0 : i32
        %dma_start3A_192 = tpu.memref_slice %arg2[%dma_start3A_190, %dma_start3A_191] : memref<10000x128xf32, #tpu.memory_space<hbm>> -> memref<10000x128xf32, #tpu.memory_space<hbm>>
        tpu.enqueue_indirect_dma source(%dma_start3A_192 : memref<10000x128xf32, #tpu.memory_space<hbm>>) target(%arg9 : memref<128x128xf32, #tpu.memory_space<vmem>>) offsets(%dma_start3A_189 : memref<128xi32, #tpu.memory_space<vmem>>) semaphore(%arg13 : memref<!tpu.dma_semaphore, #tpu.memory_space<semaphore_mem>>)
      }
      %sub3A_137 = arith.constant 2 : i32
      %sub3A_138 = arith.subi %min3A_88, %sub3A_137 : i32
      %add3A_139 = arith.constant 0 : i32
      %add3A_140 = arith.addi %sub3A_138, %add3A_139 : i32
      %dma_wait3A = arith.constant 0 : i32
      %dma_wait3A_141 = tpu.memref_slice %arg6[%add3A_140, %dma_wait3A] : memref<24x128xi32, #tpu.memory_space<vmem>> -> memref<1x128xi32, #tpu.memory_space<vmem>>
      %dma_wait3A_142 = tpu.memref_squeeze %dma_wait3A_141 : memref<1x128xi32, #tpu.memory_space<vmem>> -> memref<128xi32, #tpu.memory_space<vmem>>
      %dma_wait3A_143 = arith.constant 0 : i32
      %dma_wait3A_144 = arith.constant 0 : i32
      %dma_wait3A_145 = tpu.memref_slice %arg2[%dma_wait3A_143, %dma_wait3A_144] : memref<10000x128xf32, #tpu.memory_space<hbm>> -> memref<10000x128xf32, #tpu.memory_space<hbm>>
      tpu.wait_indirect_dma semaphore(%arg12 : memref<!tpu.dma_semaphore, #tpu.memory_space<semaphore_mem>>) src(%dma_wait3A_145 : memref<10000x128xf32, #tpu.memory_space<hbm>>) dst(%arg8 : memref<128x128xf32, #tpu.memory_space<vmem>>)
      "tpu.region"() ({
        %run_scoped3A = tpu.sem_alloc : memref<!tpu.dma_semaphore, #tpu.memory_space<semaphore_mem>>
        %dma_start3A_156 = arith.constant 0 : i32
        %dma_start3A_157 = tpu.memref_slice %arg7[%add3A_140, %dma_start3A_156] : memref<24x128xi32, #tpu.memory_space<vmem>> -> memref<1x128xi32, #tpu.memory_space<vmem>>
        %dma_start3A_158 = tpu.memref_squeeze %dma_start3A_157 : memref<1x128xi32, #tpu.memory_space<vmem>> -> memref<128xi32, #tpu.memory_space<vmem>>
        %dma_start3A_159 = arith.constant 0 : i32
        %dma_start3A_160 = arith.constant 0 : i32
        %dma_start3A_161 = tpu.memref_slice %arg11[%dma_start3A_159, %dma_start3A_160] : memref<10112x128xf32, #tpu.memory_space<vmem_shared>> -> memref<10112x128xf32, #tpu.memory_space<vmem_shared>>
        tpu.enqueue_indirect_dma source(%arg8 : memref<128x128xf32, #tpu.memory_space<vmem>>) target(%dma_start3A_161 : memref<10112x128xf32, #tpu.memory_space<vmem_shared>>) offsets(%dma_start3A_158 : memref<128xi32, #tpu.memory_space<vmem>>) semaphore(%run_scoped3A : memref<!tpu.dma_semaphore, #tpu.memory_space<semaphore_mem>>) {add = true}
        %dma_wait3A_162 = arith.constant 0 : i32
        %dma_wait3A_163 = tpu.memref_slice %arg7[%add3A_140, %dma_wait3A_162] : memref<24x128xi32, #tpu.memory_space<vmem>> -> memref<1x128xi32, #tpu.memory_space<vmem>>
        %dma_wait3A_164 = tpu.memref_squeeze %dma_wait3A_163 : memref<1x128xi32, #tpu.memory_space<vmem>> -> memref<128xi32, #tpu.memory_space<vmem>>
        %dma_wait3A_165 = arith.constant 0 : i32
        %dma_wait3A_166 = arith.constant 0 : i32
        %dma_wait3A_167 = tpu.memref_slice %arg11[%dma_wait3A_165, %dma_wait3A_166] : memref<10112x128xf32, #tpu.memory_space<vmem_shared>> -> memref<10112x128xf32, #tpu.memory_space<vmem_shared>>
        tpu.wait_indirect_dma semaphore(%run_scoped3A : memref<!tpu.dma_semaphore, #tpu.memory_space<semaphore_mem>>) src(%arg8 : memref<128x128xf32, #tpu.memory_space<vmem>>) dst(%dma_wait3A_167 : memref<10112x128xf32, #tpu.memory_space<vmem_shared>>)
        tpu.yield
      }) : () -> ()
      %sub3A_146 = arith.constant 2 : i32
      %sub3A_147 = arith.subi %min3A_88, %sub3A_146 : i32
      %add3A_148 = arith.constant 1 : i32
      %add3A_149 = arith.addi %sub3A_147, %add3A_148 : i32
      %dma_wait3A_150 = arith.constant 0 : i32
      %dma_wait3A_151 = tpu.memref_slice %arg6[%add3A_149, %dma_wait3A_150] : memref<24x128xi32, #tpu.memory_space<vmem>> -> memref<1x128xi32, #tpu.memory_space<vmem>>
      %dma_wait3A_152 = tpu.memref_squeeze %dma_wait3A_151 : memref<1x128xi32, #tpu.memory_space<vmem>> -> memref<128xi32, #tpu.memory_space<vmem>>
      %dma_wait3A_153 = arith.constant 0 : i32
      %dma_wait3A_154 = arith.constant 0 : i32
      %dma_wait3A_155 = tpu.memref_slice %arg2[%dma_wait3A_153, %dma_wait3A_154] : memref<10000x128xf32, #tpu.memory_space<hbm>> -> memref<10000x128xf32, #tpu.memory_space<hbm>>
      tpu.wait_indirect_dma semaphore(%arg13 : memref<!tpu.dma_semaphore, #tpu.memory_space<semaphore_mem>>) src(%dma_wait3A_155 : memref<10000x128xf32, #tpu.memory_space<hbm>>) dst(%arg9 : memref<128x128xf32, #tpu.memory_space<vmem>>)
      "tpu.region"() ({
        %run_scoped3A = tpu.sem_alloc : memref<!tpu.dma_semaphore, #tpu.memory_space<semaphore_mem>>
        %dma_start3A_156 = arith.constant 0 : i32
        %dma_start3A_157 = tpu.memref_slice %arg7[%add3A_149, %dma_start3A_156] : memref<24x128xi32, #tpu.memory_space<vmem>> -> memref<1x128xi32, #tpu.memory_space<vmem>>
        %dma_start3A_158 = tpu.memref_squeeze %dma_start3A_157 : memref<1x128xi32, #tpu.memory_space<vmem>> -> memref<128xi32, #tpu.memory_space<vmem>>
        %dma_start3A_159 = arith.constant 0 : i32
        %dma_start3A_160 = arith.constant 0 : i32
        %dma_start3A_161 = tpu.memref_slice %arg11[%dma_start3A_159, %dma_start3A_160] : memref<10112x128xf32, #tpu.memory_space<vmem_shared>> -> memref<10112x128xf32, #tpu.memory_space<vmem_shared>>
        tpu.enqueue_indirect_dma source(%arg9 : memref<128x128xf32, #tpu.memory_space<vmem>>) target(%dma_start3A_161 : memref<10112x128xf32, #tpu.memory_space<vmem_shared>>) offsets(%dma_start3A_158 : memref<128xi32, #tpu.memory_space<vmem>>) semaphore(%run_scoped3A : memref<!tpu.dma_semaphore, #tpu.memory_space<semaphore_mem>>) {add = true}
        %dma_wait3A_162 = arith.constant 0 : i32
        %dma_wait3A_163 = tpu.memref_slice %arg7[%add3A_149, %dma_wait3A_162] : memref<24x128xi32, #tpu.memory_space<vmem>> -> memref<1x128xi32, #tpu.memory_space<vmem>>
        %dma_wait3A_164 = tpu.memref_squeeze %dma_wait3A_163 : memref<1x128xi32, #tpu.memory_space<vmem>> -> memref<128xi32, #tpu.memory_space<vmem>>
        %dma_wait3A_165 = arith.constant 0 : i32
        %dma_wait3A_166 = arith.constant 0 : i32
        %dma_wait3A_167 = tpu.memref_slice %arg11[%dma_wait3A_165, %dma_wait3A_166] : memref<10112x128xf32, #tpu.memory_space<vmem_shared>> -> memref<10112x128xf32, #tpu.memory_space<vmem_shared>>
        tpu.wait_indirect_dma semaphore(%run_scoped3A : memref<!tpu.dma_semaphore, #tpu.memory_space<semaphore_mem>>) src(%arg9 : memref<128x128xf32, #tpu.memory_space<vmem>>) dst(%dma_wait3A_167 : memref<10112x128xf32, #tpu.memory_space<vmem_shared>>)
        tpu.yield
      }) : () -> ()
    }
    %barrier3A_73 = arith.constant 0 : index
    tpu.barrier barrier_id(%barrier3A_73)
    %mul3A_74 = arith.constant 632 : i32
    %mul3A_75 = arith.muli %arg1, %mul3A_74 : i32
    %mul3A_76 = arith.constant 632 : i32
    %mul3A_77 = arith.muli %arg1, %mul3A_76 : i32
    "tpu.region"() ({
      %run_scoped3A = tpu.sem_alloc : memref<!tpu.dma_semaphore, #tpu.memory_space<semaphore_mem>>
      %dma_start3A = arith.constant 0 : i32
      %dma_start3A_78 = tpu.memref_slice %arg5[%arg0, %mul3A_77, %dma_start3A] : memref<2x10112x128xf32, #tpu.memory_space<hbm>> -> memref<1x632x128xf32, #tpu.memory_space<hbm>>
      %dma_start3A_79 = tpu.memref_squeeze %dma_start3A_78 : memref<1x632x128xf32, #tpu.memory_space<hbm>> -> memref<632x128xf32, #tpu.memory_space<hbm>>
      %dma_start3A_80 = arith.constant 0 : i32
      %dma_start3A_81 = tpu.memref_slice %arg11[%mul3A_75, %dma_start3A_80] : memref<10112x128xf32, #tpu.memory_space<vmem_shared>> -> memref<632x128xf32, #tpu.memory_space<vmem_shared>>
      tpu.enqueue_dma source(%dma_start3A_81 : memref<632x128xf32, #tpu.memory_space<vmem_shared>>) target(%dma_start3A_79 : memref<632x128xf32, #tpu.memory_space<hbm>>) target_semaphore(%run_scoped3A : memref<!tpu.dma_semaphore, #tpu.memory_space<semaphore_mem>>)
      %dma_wait3A = arith.constant 0 : i32
      %dma_wait3A_82 = tpu.memref_slice %arg5[%arg0, %mul3A_77, %dma_wait3A] : memref<2x10112x128xf32, #tpu.memory_space<hbm>> -> memref<1x632x128xf32, #tpu.memory_space<hbm>>
      %dma_wait3A_83 = tpu.memref_squeeze %dma_wait3A_82 : memref<1x632x128xf32, #tpu.memory_space<hbm>> -> memref<632x128xf32, #tpu.memory_space<hbm>>
      %dma_wait3A_84 = arith.constant 0 : i32
      %dma_wait3A_85 = tpu.memref_slice %arg11[%mul3A_75, %dma_wait3A_84] : memref<10112x128xf32, #tpu.memory_space<vmem_shared>> -> memref<632x128xf32, #tpu.memory_space<vmem_shared>>
      tpu.wait_dma2 semaphore(%run_scoped3A : memref<!tpu.dma_semaphore, #tpu.memory_space<semaphore_mem>>) src(%dma_wait3A_85 : memref<632x128xf32, #tpu.memory_space<vmem_shared>>) dst(%dma_wait3A_83 : memref<632x128xf32, #tpu.memory_space<hbm>>)
      tpu.yield
    }) : () -> ()
    return
  }
}

#map = affine_map<(d0, d1) -> (0, 0)>
#map1 = affine_map<(d0, d1) -> (0, 0, 0)>
module attributes {stable_mosaic.version = 14 : i64} {
  func.func @sc_agg2(%arg0: i32, %arg1: i32, %arg2: memref<10000x128xf32, #tpu.memory_space<hbm>>, %arg3: memref<2584x128xi32, #tpu.memory_space<hbm>>, %arg4: memref<2584x128xi32, #tpu.memory_space<hbm>>, %arg5: memref<2x10112x128xf32, #tpu.memory_space<hbm>>, %arg6: memref<24x128xi32, #tpu.memory_space<vmem>>, %arg7: memref<24x128xi32, #tpu.memory_space<vmem>>, %arg8: memref<128x128xf32, #tpu.memory_space<vmem>>, %arg9: memref<128x128xf32, #tpu.memory_space<vmem>>, %arg10: memref<79x128xf32, #tpu.memory_space<vmem>>, %arg11: memref<10112x128xf32, #tpu.memory_space<vmem_shared>>, %arg12: memref<!tpu.dma_semaphore, #tpu.memory_space<semaphore_mem>>, %arg13: memref<!tpu.dma_semaphore, #tpu.memory_space<semaphore_mem>>) attributes {dimension_semantics = [#tpu.dimension_semantics<core_parallel>, #tpu.dimension_semantics<subcore_parallel>], iteration_bounds = array<i64: 2, 16>, scalar_prefetch = 0 : i64, scratch_operands = 8 : i64, tpu.core_type = #tpu.core_type<sc_vector_subcore>, window_params = [{transform_indices = #map}, {transform_indices = #map}, {transform_indices = #map}, {transform_indices = #map1}]} {
    %mul3A = arith.constant 16 : i32
    %mul3A_0 = arith.muli %arg0, %mul3A : i32
    %add3A = arith.addi %mul3A_0, %arg1 : i32
    %mul3A_1 = arith.constant 80 : i32
    %mul3A_2 = arith.muli %add3A, %mul3A_1 : i32
    %sub3A = arith.constant 2500 : i32
    %sub3A_3 = arith.subi %sub3A, %mul3A_2 : i32
    %jit3A = arith.constant 0 : i32
    %jit3A_4 = arith.constant 80 : i32
    %max3A = arith.maxsi %jit3A, %sub3A_3 : i32
    %min3A = arith.minsi %jit3A_4, %max3A : i32
    %scan3A = arith.constant 0 : i32
    %scan3A_5 = arith.constant 0 : i32
    %scan3A_6 = arith.constant 632 : i32
    %scan3A_7 = arith.addi %scan3A_5, %scan3A_6 : i32
    %scan3A_8 = arith.constant 1 : i32
    scf.for %scan3A_78 = %scan3A_5 to %scan3A_7 step %scan3A_8  : i32 {
      %broadcast_in_dim3A = arith.constant 0.000000e+00 : f32
      %broadcast_in_dim3A_79 = vector.broadcast %broadcast_in_dim3A : f32 to vector<16xf32>
      %shift_right_arithmetic3A = arith.constant 3 : i32
      %shift_right_arithmetic3A_80 = arith.shrsi %scan3A_78, %shift_right_arithmetic3A : i32
      %and3A_81 = arith.constant 7 : i32
      %and3A_82 = arith.andi %scan3A_78, %and3A_81 : i32
      %mul3A_83 = arith.constant 16 : i32
      %mul3A_84 = arith.muli %and3A_82, %mul3A_83 : i32
      %swap3A = arith.index_cast %shift_right_arithmetic3A_80 : i32 to index
      %swap3A_85 = arith.index_cast %mul3A_84 : i32 to index
      %swap3A_86 = tpu.vector_load %arg10[%swap3A, %swap3A_85] {strides = array<i32>} : memref<79x128xf32, #tpu.memory_space<vmem>>, vector<1x16xf32>,
      %swap3A_87 = vector.shape_cast %swap3A_86 : vector<1x16xf32> to vector<16xf32>
      %swap3A_88 = vector.shape_cast %broadcast_in_dim3A_79 : vector<16xf32> to vector<1x16xf32>
      tpu.vector_store %arg10[%swap3A, %swap3A_85], %swap3A_88 {strides = array<i32>} : memref<79x128xf32, #tpu.memory_space<vmem>>, vector<1x16xf32>,
    }
    %scan3A_9 = arith.constant 632 : i32
    %mul3A_10 = arith.constant 632 : i32
    %mul3A_11 = arith.muli %arg1, %mul3A_10 : i32
    %add3A_12 = arith.constant 0 : i32
    %add3A_13 = arith.addi %mul3A_11, %add3A_12 : i32
    "tpu.region"() ({
      %run_scoped3A = tpu.sem_alloc : memref<!tpu.dma_semaphore, #tpu.memory_space<semaphore_mem>>
      %dma_start3A = arith.constant 0 : i32
      %dma_start3A_78 = tpu.memref_slice %arg11[%add3A_13, %dma_start3A] : memref<10112x128xf32, #tpu.memory_space<vmem_shared>> -> memref<79x128xf32, #tpu.memory_space<vmem_shared>>
      %dma_start3A_79 = arith.constant 0 : i32
      %dma_start3A_80 = tpu.memref_slice %arg11[%add3A_13, %dma_start3A_79] : memref<10112x128xf32, #tpu.memory_space<vmem_shared>> -> memref<79x128xf32, #tpu.memory_space<vmem_shared>>
      tpu.enqueue_dma source(%arg10 : memref<79x128xf32, #tpu.memory_space<vmem>>) target(%dma_start3A_80 : memref<79x128xf32, #tpu.memory_space<vmem_shared>>) target_semaphore(%run_scoped3A : memref<!tpu.dma_semaphore, #tpu.memory_space<semaphore_mem>>)
      %dma_wait3A = arith.constant 0 : i32
      %dma_wait3A_81 = tpu.memref_slice %arg11[%add3A_13, %dma_wait3A] : memref<10112x128xf32, #tpu.memory_space<vmem_shared>> -> memref<79x128xf32, #tpu.memory_space<vmem_shared>>
      %dma_wait3A_82 = arith.constant 0 : i32
      %dma_wait3A_83 = tpu.memref_slice %arg11[%add3A_13, %dma_wait3A_82] : memref<10112x128xf32, #tpu.memory_space<vmem_shared>> -> memref<79x128xf32, #tpu.memory_space<vmem_shared>>
      tpu.wait_dma2 semaphore(%run_scoped3A : memref<!tpu.dma_semaphore, #tpu.memory_space<semaphore_mem>>) src(%arg10 : memref<79x128xf32, #tpu.memory_space<vmem>>) dst(%dma_wait3A_83 : memref<79x128xf32, #tpu.memory_space<vmem_shared>>)
      tpu.yield
    }) : () -> ()
    %mul3A_14 = arith.constant 632 : i32
    %mul3A_15 = arith.muli %arg1, %mul3A_14 : i32
    %add3A_16 = arith.constant 79 : i32
    %add3A_17 = arith.addi %mul3A_15, %add3A_16 : i32
    "tpu.region"() ({
      %run_scoped3A = tpu.sem_alloc : memref<!tpu.dma_semaphore, #tpu.memory_space<semaphore_mem>>
      %dma_start3A = arith.constant 0 : i32
      %dma_start3A_78 = tpu.memref_slice %arg11[%add3A_17, %dma_start3A] : memref<10112x128xf32, #tpu.memory_space<vmem_shared>> -> memref<79x128xf32, #tpu.memory_space<vmem_shared>>
      %dma_start3A_79 = arith.constant 0 : i32
      %dma_start3A_80 = tpu.memref_slice %arg11[%add3A_17, %dma_start3A_79] : memref<10112x128xf32, #tpu.memory_space<vmem_shared>> -> memref<79x128xf32, #tpu.memory_space<vmem_shared>>
      tpu.enqueue_dma source(%arg10 : memref<79x128xf32, #tpu.memory_space<vmem>>) target(%dma_start3A_80 : memref<79x128xf32, #tpu.memory_space<vmem_shared>>) target_semaphore(%run_scoped3A : memref<!tpu.dma_semaphore, #tpu.memory_space<semaphore_mem>>)
      %dma_wait3A = arith.constant 0 : i32
      %dma_wait3A_81 = tpu.memref_slice %arg11[%add3A_17, %dma_wait3A] : memref<10112x128xf32, #tpu.memory_space<vmem_shared>> -> memref<79x128xf32, #tpu.memory_space<vmem_shared>>
      %dma_wait3A_82 = arith.constant 0 : i32
      %dma_wait3A_83 = tpu.memref_slice %arg11[%add3A_17, %dma_wait3A_82] : memref<10112x128xf32, #tpu.memory_space<vmem_shared>> -> memref<79x128xf32, #tpu.memory_space<vmem_shared>>
      tpu.wait_dma2 semaphore(%run_scoped3A : memref<!tpu.dma_semaphore, #tpu.memory_space<semaphore_mem>>) src(%arg10 : memref<79x128xf32, #tpu.memory_space<vmem>>) dst(%dma_wait3A_83 : memref<79x128xf32, #tpu.memory_space<vmem_shared>>)
      tpu.yield
    }) : () -> ()
    %mul3A_18 = arith.constant 632 : i32
    %mul3A_19 = arith.muli %arg1, %mul3A_18 : i32
    %add3A_20 = arith.constant 158 : i32
    %add3A_21 = arith.addi %mul3A_19, %add3A_20 : i32
    "tpu.region"() ({
      %run_scoped3A = tpu.sem_alloc : memref<!tpu.dma_semaphore, #tpu.memory_space<semaphore_mem>>
      %dma_start3A = arith.constant 0 : i32
      %dma_start3A_78 = tpu.memref_slice %arg11[%add3A_21, %dma_start3A] : memref<10112x128xf32, #tpu.memory_space<vmem_shared>> -> memref<79x128xf32, #tpu.memory_space<vmem_shared>>
      %dma_start3A_79 = arith.constant 0 : i32
      %dma_start3A_80 = tpu.memref_slice %arg11[%add3A_21, %dma_start3A_79] : memref<10112x128xf32, #tpu.memory_space<vmem_shared>> -> memref<79x128xf32, #tpu.memory_space<vmem_shared>>
      tpu.enqueue_dma source(%arg10 : memref<79x128xf32, #tpu.memory_space<vmem>>) target(%dma_start3A_80 : memref<79x128xf32, #tpu.memory_space<vmem_shared>>) target_semaphore(%run_scoped3A : memref<!tpu.dma_semaphore, #tpu.memory_space<semaphore_mem>>)
      %dma_wait3A = arith.constant 0 : i32
      %dma_wait3A_81 = tpu.memref_slice %arg11[%add3A_21, %dma_wait3A] : memref<10112x128xf32, #tpu.memory_space<vmem_shared>> -> memref<79x128xf32, #tpu.memory_space<vmem_shared>>
      %dma_wait3A_82 = arith.constant 0 : i32
      %dma_wait3A_83 = tpu.memref_slice %arg11[%add3A_21, %dma_wait3A_82] : memref<10112x128xf32, #tpu.memory_space<vmem_shared>> -> memref<79x128xf32, #tpu.memory_space<vmem_shared>>
      tpu.wait_dma2 semaphore(%run_scoped3A : memref<!tpu.dma_semaphore, #tpu.memory_space<semaphore_mem>>) src(%arg10 : memref<79x128xf32, #tpu.memory_space<vmem>>) dst(%dma_wait3A_83 : memref<79x128xf32, #tpu.memory_space<vmem_shared>>)
      tpu.yield
    }) : () -> ()
    %mul3A_22 = arith.constant 632 : i32
    %mul3A_23 = arith.muli %arg1, %mul3A_22 : i32
    %add3A_24 = arith.constant 237 : i32
    %add3A_25 = arith.addi %mul3A_23, %add3A_24 : i32
    "tpu.region"() ({
      %run_scoped3A = tpu.sem_alloc : memref<!tpu.dma_semaphore, #tpu.memory_space<semaphore_mem>>
      %dma_start3A = arith.constant 0 : i32
      %dma_start3A_78 = tpu.memref_slice %arg11[%add3A_25, %dma_start3A] : memref<10112x128xf32, #tpu.memory_space<vmem_shared>> -> memref<79x128xf32, #tpu.memory_space<vmem_shared>>
      %dma_start3A_79 = arith.constant 0 : i32
      %dma_start3A_80 = tpu.memref_slice %arg11[%add3A_25, %dma_start3A_79] : memref<10112x128xf32, #tpu.memory_space<vmem_shared>> -> memref<79x128xf32, #tpu.memory_space<vmem_shared>>
      tpu.enqueue_dma source(%arg10 : memref<79x128xf32, #tpu.memory_space<vmem>>) target(%dma_start3A_80 : memref<79x128xf32, #tpu.memory_space<vmem_shared>>) target_semaphore(%run_scoped3A : memref<!tpu.dma_semaphore, #tpu.memory_space<semaphore_mem>>)
      %dma_wait3A = arith.constant 0 : i32
      %dma_wait3A_81 = tpu.memref_slice %arg11[%add3A_25, %dma_wait3A] : memref<10112x128xf32, #tpu.memory_space<vmem_shared>> -> memref<79x128xf32, #tpu.memory_space<vmem_shared>>
      %dma_wait3A_82 = arith.constant 0 : i32
      %dma_wait3A_83 = tpu.memref_slice %arg11[%add3A_25, %dma_wait3A_82] : memref<10112x128xf32, #tpu.memory_space<vmem_shared>> -> memref<79x128xf32, #tpu.memory_space<vmem_shared>>
      tpu.wait_dma2 semaphore(%run_scoped3A : memref<!tpu.dma_semaphore, #tpu.memory_space<semaphore_mem>>) src(%arg10 : memref<79x128xf32, #tpu.memory_space<vmem>>) dst(%dma_wait3A_83 : memref<79x128xf32, #tpu.memory_space<vmem_shared>>)
      tpu.yield
    }) : () -> ()
    %mul3A_26 = arith.constant 632 : i32
    %mul3A_27 = arith.muli %arg1, %mul3A_26 : i32
    %add3A_28 = arith.constant 316 : i32
    %add3A_29 = arith.addi %mul3A_27, %add3A_28 : i32
    "tpu.region"() ({
      %run_scoped3A = tpu.sem_alloc : memref<!tpu.dma_semaphore, #tpu.memory_space<semaphore_mem>>
      %dma_start3A = arith.constant 0 : i32
      %dma_start3A_78 = tpu.memref_slice %arg11[%add3A_29, %dma_start3A] : memref<10112x128xf32, #tpu.memory_space<vmem_shared>> -> memref<79x128xf32, #tpu.memory_space<vmem_shared>>
      %dma_start3A_79 = arith.constant 0 : i32
      %dma_start3A_80 = tpu.memref_slice %arg11[%add3A_29, %dma_start3A_79] : memref<10112x128xf32, #tpu.memory_space<vmem_shared>> -> memref<79x128xf32, #tpu.memory_space<vmem_shared>>
      tpu.enqueue_dma source(%arg10 : memref<79x128xf32, #tpu.memory_space<vmem>>) target(%dma_start3A_80 : memref<79x128xf32, #tpu.memory_space<vmem_shared>>) target_semaphore(%run_scoped3A : memref<!tpu.dma_semaphore, #tpu.memory_space<semaphore_mem>>)
      %dma_wait3A = arith.constant 0 : i32
      %dma_wait3A_81 = tpu.memref_slice %arg11[%add3A_29, %dma_wait3A] : memref<10112x128xf32, #tpu.memory_space<vmem_shared>> -> memref<79x128xf32, #tpu.memory_space<vmem_shared>>
      %dma_wait3A_82 = arith.constant 0 : i32
      %dma_wait3A_83 = tpu.memref_slice %arg11[%add3A_29, %dma_wait3A_82] : memref<10112x128xf32, #tpu.memory_space<vmem_shared>> -> memref<79x128xf32, #tpu.memory_space<vmem_shared>>
      tpu.wait_dma2 semaphore(%run_scoped3A : memref<!tpu.dma_semaphore, #tpu.memory_space<semaphore_mem>>) src(%arg10 : memref<79x128xf32, #tpu.memory_space<vmem>>) dst(%dma_wait3A_83 : memref<79x128xf32, #tpu.memory_space<vmem_shared>>)
      tpu.yield
    }) : () -> ()
    %mul3A_30 = arith.constant 632 : i32
    %mul3A_31 = arith.muli %arg1, %mul3A_30 : i32
    %add3A_32 = arith.constant 395 : i32
    %add3A_33 = arith.addi %mul3A_31, %add3A_32 : i32
    "tpu.region"() ({
      %run_scoped3A = tpu.sem_alloc : memref<!tpu.dma_semaphore, #tpu.memory_space<semaphore_mem>>
      %dma_start3A = arith.constant 0 : i32
      %dma_start3A_78 = tpu.memref_slice %arg11[%add3A_33, %dma_start3A] : memref<10112x128xf32, #tpu.memory_space<vmem_shared>> -> memref<79x128xf32, #tpu.memory_space<vmem_shared>>
      %dma_start3A_79 = arith.constant 0 : i32
      %dma_start3A_80 = tpu.memref_slice %arg11[%add3A_33, %dma_start3A_79] : memref<10112x128xf32, #tpu.memory_space<vmem_shared>> -> memref<79x128xf32, #tpu.memory_space<vmem_shared>>
      tpu.enqueue_dma source(%arg10 : memref<79x128xf32, #tpu.memory_space<vmem>>) target(%dma_start3A_80 : memref<79x128xf32, #tpu.memory_space<vmem_shared>>) target_semaphore(%run_scoped3A : memref<!tpu.dma_semaphore, #tpu.memory_space<semaphore_mem>>)
      %dma_wait3A = arith.constant 0 : i32
      %dma_wait3A_81 = tpu.memref_slice %arg11[%add3A_33, %dma_wait3A] : memref<10112x128xf32, #tpu.memory_space<vmem_shared>> -> memref<79x128xf32, #tpu.memory_space<vmem_shared>>
      %dma_wait3A_82 = arith.constant 0 : i32
      %dma_wait3A_83 = tpu.memref_slice %arg11[%add3A_33, %dma_wait3A_82] : memref<10112x128xf32, #tpu.memory_space<vmem_shared>> -> memref<79x128xf32, #tpu.memory_space<vmem_shared>>
      tpu.wait_dma2 semaphore(%run_scoped3A : memref<!tpu.dma_semaphore, #tpu.memory_space<semaphore_mem>>) src(%arg10 : memref<79x128xf32, #tpu.memory_space<vmem>>) dst(%dma_wait3A_83 : memref<79x128xf32, #tpu.memory_space<vmem_shared>>)
      tpu.yield
    }) : () -> ()
    %mul3A_34 = arith.constant 632 : i32
    %mul3A_35 = arith.muli %arg1, %mul3A_34 : i32
    %add3A_36 = arith.constant 474 : i32
    %add3A_37 = arith.addi %mul3A_35, %add3A_36 : i32
    "tpu.region"() ({
      %run_scoped3A = tpu.sem_alloc : memref<!tpu.dma_semaphore, #tpu.memory_space<semaphore_mem>>
      %dma_start3A = arith.constant 0 : i32
      %dma_start3A_78 = tpu.memref_slice %arg11[%add3A_37, %dma_start3A] : memref<10112x128xf32, #tpu.memory_space<vmem_shared>> -> memref<79x128xf32, #tpu.memory_space<vmem_shared>>
      %dma_start3A_79 = arith.constant 0 : i32
      %dma_start3A_80 = tpu.memref_slice %arg11[%add3A_37, %dma_start3A_79] : memref<10112x128xf32, #tpu.memory_space<vmem_shared>> -> memref<79x128xf32, #tpu.memory_space<vmem_shared>>
      tpu.enqueue_dma source(%arg10 : memref<79x128xf32, #tpu.memory_space<vmem>>) target(%dma_start3A_80 : memref<79x128xf32, #tpu.memory_space<vmem_shared>>) target_semaphore(%run_scoped3A : memref<!tpu.dma_semaphore, #tpu.memory_space<semaphore_mem>>)
      %dma_wait3A = arith.constant 0 : i32
      %dma_wait3A_81 = tpu.memref_slice %arg11[%add3A_37, %dma_wait3A] : memref<10112x128xf32, #tpu.memory_space<vmem_shared>> -> memref<79x128xf32, #tpu.memory_space<vmem_shared>>
      %dma_wait3A_82 = arith.constant 0 : i32
      %dma_wait3A_83 = tpu.memref_slice %arg11[%add3A_37, %dma_wait3A_82] : memref<10112x128xf32, #tpu.memory_space<vmem_shared>> -> memref<79x128xf32, #tpu.memory_space<vmem_shared>>
      tpu.wait_dma2 semaphore(%run_scoped3A : memref<!tpu.dma_semaphore, #tpu.memory_space<semaphore_mem>>) src(%arg10 : memref<79x128xf32, #tpu.memory_space<vmem>>) dst(%dma_wait3A_83 : memref<79x128xf32, #tpu.memory_space<vmem_shared>>)
      tpu.yield
    }) : () -> ()
    %mul3A_38 = arith.constant 632 : i32
    %mul3A_39 = arith.muli %arg1, %mul3A_38 : i32
    %add3A_40 = arith.constant 553 : i32
    %add3A_41 = arith.addi %mul3A_39, %add3A_40 : i32
    "tpu.region"() ({
      %run_scoped3A = tpu.sem_alloc : memref<!tpu.dma_semaphore, #tpu.memory_space<semaphore_mem>>
      %dma_start3A = arith.constant 0 : i32
      %dma_start3A_78 = tpu.memref_slice %arg11[%add3A_41, %dma_start3A] : memref<10112x128xf32, #tpu.memory_space<vmem_shared>> -> memref<79x128xf32, #tpu.memory_space<vmem_shared>>
      %dma_start3A_79 = arith.constant 0 : i32
      %dma_start3A_80 = tpu.memref_slice %arg11[%add3A_41, %dma_start3A_79] : memref<10112x128xf32, #tpu.memory_space<vmem_shared>> -> memref<79x128xf32, #tpu.memory_space<vmem_shared>>
      tpu.enqueue_dma source(%arg10 : memref<79x128xf32, #tpu.memory_space<vmem>>) target(%dma_start3A_80 : memref<79x128xf32, #tpu.memory_space<vmem_shared>>) target_semaphore(%run_scoped3A : memref<!tpu.dma_semaphore, #tpu.memory_space<semaphore_mem>>)
      %dma_wait3A = arith.constant 0 : i32
      %dma_wait3A_81 = tpu.memref_slice %arg11[%add3A_41, %dma_wait3A] : memref<10112x128xf32, #tpu.memory_space<vmem_shared>> -> memref<79x128xf32, #tpu.memory_space<vmem_shared>>
      %dma_wait3A_82 = arith.constant 0 : i32
      %dma_wait3A_83 = tpu.memref_slice %arg11[%add3A_41, %dma_wait3A_82] : memref<10112x128xf32, #tpu.memory_space<vmem_shared>> -> memref<79x128xf32, #tpu.memory_space<vmem_shared>>
      tpu.wait_dma2 semaphore(%run_scoped3A : memref<!tpu.dma_semaphore, #tpu.memory_space<semaphore_mem>>) src(%arg10 : memref<79x128xf32, #tpu.memory_space<vmem>>) dst(%dma_wait3A_83 : memref<79x128xf32, #tpu.memory_space<vmem_shared>>)
      tpu.yield
    }) : () -> ()
    %barrier3A = arith.constant 0 : index
    tpu.barrier barrier_id(%barrier3A)
    %add3A_42 = arith.constant 24 : i32
    %add3A_43 = arith.addi %min3A, %add3A_42 : i32
    %sub3A_44 = arith.constant 1 : i32
    %sub3A_45 = arith.subi %add3A_43, %sub3A_44 : i32
    %jit3A_46 = arith.constant 24 : i32
    %div3A = arith.divsi %sub3A_45, %jit3A_46 : i32
    %sign3A = arith.constant 0 : i32
    %sign3A_47 = arith.cmpi sgt, %sub3A_45, %sign3A : i32
    %sign3A_48 = arith.extui %sign3A_47 : i1 to i32
    %sign3A_49 = arith.constant 0 : i32
    %sign3A_50 = arith.cmpi slt, %sub3A_45, %sign3A_49 : i32
    %sign3A_51 = arith.extui %sign3A_50 : i1 to i32
    %sign3A_52 = arith.subi %sign3A_48, %sign3A_51 : i32
    %sign3A_53 = arith.constant 0 : i32
    %sign3A_54 = arith.cmpi sgt, %jit3A_46, %sign3A_53 : i32
    %sign3A_55 = arith.extui %sign3A_54 : i1 to i32
    %sign3A_56 = arith.constant 0 : i32
    %sign3A_57 = arith.cmpi slt, %jit3A_46, %sign3A_56 : i32
    %sign3A_58 = arith.extui %sign3A_57 : i1 to i32
    %sign3A_59 = arith.subi %sign3A_55, %sign3A_58 : i32
    %ne3A = arith.cmpi ne, %sign3A_52, %sign3A_59 : i32
    %rem3A = arith.remsi %sub3A_45, %jit3A_46 : i32
    %ne3A_60 = arith.constant 0 : i32
    %ne3A_61 = arith.cmpi ne, %rem3A, %ne3A_60 : i32
    %and3A = arith.andi %ne3A, %ne3A_61 : i1
    %sub3A_62 = arith.constant 1 : i32
    %sub3A_63 = arith.subi %div3A, %sub3A_62 : i32
    %select_n3A = arith.select %and3A, %sub3A_63, %div3A : i32
    %while3A = arith.constant 0 : i32
    %while3A_64 = arith.constant 0 : i32
    %while3A_65 = arith.subi %select_n3A, %while3A_64 : i32
    %while3A_66 = arith.addi %while3A_64, %while3A_65 : i32
    %while3A_67 = arith.constant 1 : i32
    %while3A_68 = arith.divsi %while3A_65, %while3A_67 : i32
    %while3A_69 = arith.muli %while3A_68, %while3A_67 : i32
    %while3A_70 = arith.addi %while3A_64, %while3A_69 : i32
    %while3A_71 = arith.constant 1 : i32
    scf.for %while3A_78 = %while3A_64 to %while3A_70 step %while3A_71  : i32 {
      %mul3A_79 = arith.constant 24 : i32
      %mul3A_80 = arith.muli %while3A_78, %mul3A_79 : i32
      %add3A_81 = arith.addi %mul3A_2, %mul3A_80 : i32
      "tpu.region"() ({
        %run_scoped3A = tpu.sem_alloc : memref<!tpu.dma_semaphore, #tpu.memory_space<semaphore_mem>>
        %dma_start3A_156 = arith.constant 0 : i32
        %dma_start3A_157 = tpu.memref_slice %arg3[%add3A_81, %dma_start3A_156] : memref<2584x128xi32, #tpu.memory_space<hbm>> -> memref<24x128xi32, #tpu.memory_space<hbm>>
        %dma_start3A_158 = arith.constant 0 : i32
        %dma_start3A_159 = tpu.memref_slice %arg3[%add3A_81, %dma_start3A_158] : memref<2584x128xi32, #tpu.memory_space<hbm>> -> memref<24x128xi32, #tpu.memory_space<hbm>>
        tpu.enqueue_dma source(%dma_start3A_159 : memref<24x128xi32, #tpu.memory_space<hbm>>) target(%arg6 : memref<24x128xi32, #tpu.memory_space<vmem>>) target_semaphore(%run_scoped3A : memref<!tpu.dma_semaphore, #tpu.memory_space<semaphore_mem>>)
        %dma_wait3A_160 = arith.constant 0 : i32
        %dma_wait3A_161 = tpu.memref_slice %arg3[%add3A_81, %dma_wait3A_160] : memref<2584x128xi32, #tpu.memory_space<hbm>> -> memref<24x128xi32, #tpu.memory_space<hbm>>
        %dma_wait3A_162 = arith.constant 0 : i32
        %dma_wait3A_163 = tpu.memref_slice %arg3[%add3A_81, %dma_wait3A_162] : memref<2584x128xi32, #tpu.memory_space<hbm>> -> memref<24x128xi32, #tpu.memory_space<hbm>>
        tpu.wait_dma2 semaphore(%run_scoped3A : memref<!tpu.dma_semaphore, #tpu.memory_space<semaphore_mem>>) src(%dma_wait3A_163 : memref<24x128xi32, #tpu.memory_space<hbm>>) dst(%arg6 : memref<24x128xi32, #tpu.memory_space<vmem>>)
        tpu.yield
      }) : () -> ()
      "tpu.region"() ({
        %run_scoped3A = tpu.sem_alloc : memref<!tpu.dma_semaphore, #tpu.memory_space<semaphore_mem>>
        %dma_start3A_156 = arith.constant 0 : i32
        %dma_start3A_157 = tpu.memref_slice %arg4[%add3A_81, %dma_start3A_156] : memref<2584x128xi32, #tpu.memory_space<hbm>> -> memref<24x128xi32, #tpu.memory_space<hbm>>
        %dma_start3A_158 = arith.constant 0 : i32
        %dma_start3A_159 = tpu.memref_slice %arg4[%add3A_81, %dma_start3A_158] : memref<2584x128xi32, #tpu.memory_space<hbm>> -> memref<24x128xi32, #tpu.memory_space<hbm>>
        tpu.enqueue_dma source(%dma_start3A_159 : memref<24x128xi32, #tpu.memory_space<hbm>>) target(%arg7 : memref<24x128xi32, #tpu.memory_space<vmem>>) target_semaphore(%run_scoped3A : memref<!tpu.dma_semaphore, #tpu.memory_space<semaphore_mem>>)
        %dma_wait3A_160 = arith.constant 0 : i32
        %dma_wait3A_161 = tpu.memref_slice %arg4[%add3A_81, %dma_wait3A_160] : memref<2584x128xi32, #tpu.memory_space<hbm>> -> memref<24x128xi32, #tpu.memory_space<hbm>>
        %dma_wait3A_162 = arith.constant 0 : i32
        %dma_wait3A_163 = tpu.memref_slice %arg4[%add3A_81, %dma_wait3A_162] : memref<2584x128xi32, #tpu.memory_space<hbm>> -> memref<24x128xi32, #tpu.memory_space<hbm>>
        tpu.wait_dma2 semaphore(%run_scoped3A : memref<!tpu.dma_semaphore, #tpu.memory_space<semaphore_mem>>) src(%dma_wait3A_163 : memref<24x128xi32, #tpu.memory_space<hbm>>) dst(%arg7 : memref<24x128xi32, #tpu.memory_space<vmem>>)
        tpu.yield
      }) : () -> ()
      %mul3A_82 = arith.constant 24 : i32
      %mul3A_83 = arith.muli %while3A_78, %mul3A_82 : i32
      %sub3A_84 = arith.subi %min3A, %mul3A_83 : i32
      %jit3A_85 = arith.constant 0 : i32
      %jit3A_86 = arith.constant 24 : i32
      %max3A_87 = arith.maxsi %jit3A_85, %sub3A_84 : i32
      %min3A_88 = arith.minsi %jit3A_86, %max3A_87 : i32
      %dma_start3A = arith.constant 0 : i32
      %dma_start3A_89 = arith.constant 0 : i32
      %dma_start3A_90 = tpu.memref_slice %arg6[%dma_start3A, %dma_start3A_89] : memref<24x128xi32, #tpu.memory_space<vmem>> -> memref<1x128xi32, #tpu.memory_space<vmem>>
      %dma_start3A_91 = tpu.memref_squeeze %dma_start3A_90 : memref<1x128xi32, #tpu.memory_space<vmem>> -> memref<128xi32, #tpu.memory_space<vmem>>
      %dma_start3A_92 = arith.constant 0 : i32
      %dma_start3A_93 = arith.constant 0 : i32
      %dma_start3A_94 = tpu.memref_slice %arg2[%dma_start3A_92, %dma_start3A_93] : memref<10000x128xf32, #tpu.memory_space<hbm>> -> memref<10000x128xf32, #tpu.memory_space<hbm>>
      tpu.enqueue_indirect_dma source(%dma_start3A_94 : memref<10000x128xf32, #tpu.memory_space<hbm>>) target(%arg8 : memref<128x128xf32, #tpu.memory_space<vmem>>) offsets(%dma_start3A_91 : memref<128xi32, #tpu.memory_space<vmem>>) semaphore(%arg12 : memref<!tpu.dma_semaphore, #tpu.memory_space<semaphore_mem>>)
      %dma_start3A_95 = arith.constant 1 : i32
      %dma_start3A_96 = arith.constant 0 : i32
      %dma_start3A_97 = tpu.memref_slice %arg6[%dma_start3A_95, %dma_start3A_96] : memref<24x128xi32, #tpu.memory_space<vmem>> -> memref<1x128xi32, #tpu.memory_space<vmem>>
      %dma_start3A_98 = tpu.memref_squeeze %dma_start3A_97 : memref<1x128xi32, #tpu.memory_space<vmem>> -> memref<128xi32, #tpu.memory_space<vmem>>
      %dma_start3A_99 = arith.constant 0 : i32
      %dma_start3A_100 = arith.constant 0 : i32
      %dma_start3A_101 = tpu.memref_slice %arg2[%dma_start3A_99, %dma_start3A_100] : memref<10000x128xf32, #tpu.memory_space<hbm>> -> memref<10000x128xf32, #tpu.memory_space<hbm>>
      tpu.enqueue_indirect_dma source(%dma_start3A_101 : memref<10000x128xf32, #tpu.memory_space<hbm>>) target(%arg9 : memref<128x128xf32, #tpu.memory_space<vmem>>) offsets(%dma_start3A_98 : memref<128xi32, #tpu.memory_space<vmem>>) semaphore(%arg13 : memref<!tpu.dma_semaphore, #tpu.memory_space<semaphore_mem>>)
      %sub3A_102 = arith.constant 2 : i32
      %sub3A_103 = arith.subi %min3A_88, %sub3A_102 : i32
      %jit3A_104 = arith.constant 2 : i32
      %div3A_105 = arith.divsi %sub3A_103, %jit3A_104 : i32
      %sign3A_106 = arith.constant 0 : i32
      %sign3A_107 = arith.cmpi sgt, %sub3A_103, %sign3A_106 : i32
      %sign3A_108 = arith.extui %sign3A_107 : i1 to i32
      %sign3A_109 = arith.constant 0 : i32
      %sign3A_110 = arith.cmpi slt, %sub3A_103, %sign3A_109 : i32
      %sign3A_111 = arith.extui %sign3A_110 : i1 to i32
      %sign3A_112 = arith.subi %sign3A_108, %sign3A_111 : i32
      %sign3A_113 = arith.constant 0 : i32
      %sign3A_114 = arith.cmpi sgt, %jit3A_104, %sign3A_113 : i32
      %sign3A_115 = arith.extui %sign3A_114 : i1 to i32
      %sign3A_116 = arith.constant 0 : i32
      %sign3A_117 = arith.cmpi slt, %jit3A_104, %sign3A_116 : i32
      %sign3A_118 = arith.extui %sign3A_117 : i1 to i32
      %sign3A_119 = arith.subi %sign3A_115, %sign3A_118 : i32
      %ne3A_120 = arith.cmpi ne, %sign3A_112, %sign3A_119 : i32
      %rem3A_121 = arith.remsi %sub3A_103, %jit3A_104 : i32
      %ne3A_122 = arith.constant 0 : i32
      %ne3A_123 = arith.cmpi ne, %rem3A_121, %ne3A_122 : i32
      %and3A_124 = arith.andi %ne3A_120, %ne3A_123 : i1
      %sub3A_125 = arith.constant 1 : i32
      %sub3A_126 = arith.subi %div3A_105, %sub3A_125 : i32
      %select_n3A_127 = arith.select %and3A_124, %sub3A_126, %div3A_105 : i32
      %while3A_128 = arith.constant 0 : i32
      %while3A_129 = arith.subi %select_n3A_127, %while3A_128 : i32
      %while3A_130 = arith.addi %while3A_128, %while3A_129 : i32
      %while3A_131 = arith.constant 1 : i32
      %while3A_132 = arith.divsi %while3A_129, %while3A_131 : i32
      %while3A_133 = arith.muli %while3A_132, %while3A_131 : i32
      %while3A_134 = arith.addi %while3A_128, %while3A_133 : i32
      %while3A_135 = arith.constant 1 : i32
      scf.for %while3A_156 = %while3A_128 to %while3A_134 step %while3A_135  : i32 {
        %mul3A_157 = arith.constant 2 : i32
        %mul3A_158 = arith.muli %mul3A_157, %while3A_156 : i32
        %add3A_159 = arith.constant 0 : i32
        %add3A_160 = arith.addi %mul3A_158, %add3A_159 : i32
        %dma_wait3A_161 = arith.constant 0 : i32
        %dma_wait3A_162 = tpu.memref_slice %arg6[%add3A_160, %dma_wait3A_161] : memref<24x128xi32, #tpu.memory_space<vmem>> -> memref<1x128xi32, #tpu.memory_space<vmem>>
        %dma_wait3A_163 = tpu.memref_squeeze %dma_wait3A_162 : memref<1x128xi32, #tpu.memory_space<vmem>> -> memref<128xi32, #tpu.memory_space<vmem>>
        %dma_wait3A_164 = arith.constant 0 : i32
        %dma_wait3A_165 = arith.constant 0 : i32
        %dma_wait3A_166 = tpu.memref_slice %arg2[%dma_wait3A_164, %dma_wait3A_165] : memref<10000x128xf32, #tpu.memory_space<hbm>> -> memref<10000x128xf32, #tpu.memory_space<hbm>>
        tpu.wait_indirect_dma semaphore(%arg12 : memref<!tpu.dma_semaphore, #tpu.memory_space<semaphore_mem>>) src(%dma_wait3A_166 : memref<10000x128xf32, #tpu.memory_space<hbm>>) dst(%arg8 : memref<128x128xf32, #tpu.memory_space<vmem>>)
        "tpu.region"() ({
          %run_scoped3A = tpu.sem_alloc : memref<!tpu.dma_semaphore, #tpu.memory_space<semaphore_mem>>
          %dma_start3A_193 = arith.constant 0 : i32
          %dma_start3A_194 = tpu.memref_slice %arg7[%add3A_160, %dma_start3A_193] : memref<24x128xi32, #tpu.memory_space<vmem>> -> memref<1x128xi32, #tpu.memory_space<vmem>>
          %dma_start3A_195 = tpu.memref_squeeze %dma_start3A_194 : memref<1x128xi32, #tpu.memory_space<vmem>> -> memref<128xi32, #tpu.memory_space<vmem>>
          %dma_start3A_196 = arith.constant 0 : i32
          %dma_start3A_197 = arith.constant 0 : i32
          %dma_start3A_198 = tpu.memref_slice %arg11[%dma_start3A_196, %dma_start3A_197] : memref<10112x128xf32, #tpu.memory_space<vmem_shared>> -> memref<10112x128xf32, #tpu.memory_space<vmem_shared>>
          tpu.enqueue_indirect_dma source(%arg8 : memref<128x128xf32, #tpu.memory_space<vmem>>) target(%dma_start3A_198 : memref<10112x128xf32, #tpu.memory_space<vmem_shared>>) offsets(%dma_start3A_195 : memref<128xi32, #tpu.memory_space<vmem>>) semaphore(%run_scoped3A : memref<!tpu.dma_semaphore, #tpu.memory_space<semaphore_mem>>) {add = true}
          %dma_wait3A_199 = arith.constant 0 : i32
          %dma_wait3A_200 = tpu.memref_slice %arg7[%add3A_160, %dma_wait3A_199] : memref<24x128xi32, #tpu.memory_space<vmem>> -> memref<1x128xi32, #tpu.memory_space<vmem>>
          %dma_wait3A_201 = tpu.memref_squeeze %dma_wait3A_200 : memref<1x128xi32, #tpu.memory_space<vmem>> -> memref<128xi32, #tpu.memory_space<vmem>>
          %dma_wait3A_202 = arith.constant 0 : i32
          %dma_wait3A_203 = arith.constant 0 : i32
          %dma_wait3A_204 = tpu.memref_slice %arg11[%dma_wait3A_202, %dma_wait3A_203] : memref<10112x128xf32, #tpu.memory_space<vmem_shared>> -> memref<10112x128xf32, #tpu.memory_space<vmem_shared>>
          tpu.wait_indirect_dma semaphore(%run_scoped3A : memref<!tpu.dma_semaphore, #tpu.memory_space<semaphore_mem>>) src(%arg8 : memref<128x128xf32, #tpu.memory_space<vmem>>) dst(%dma_wait3A_204 : memref<10112x128xf32, #tpu.memory_space<vmem_shared>>)
          tpu.yield
        }) : () -> ()
        %add3A_167 = arith.constant 2 : i32
        %add3A_168 = arith.addi %add3A_160, %add3A_167 : i32
        %dma_start3A_169 = arith.constant 0 : i32
        %dma_start3A_170 = tpu.memref_slice %arg6[%add3A_168, %dma_start3A_169] : memref<24x128xi32, #tpu.memory_space<vmem>> -> memref<1x128xi32, #tpu.memory_space<vmem>>
        %dma_start3A_171 = tpu.memref_squeeze %dma_start3A_170 : memref<1x128xi32, #tpu.memory_space<vmem>> -> memref<128xi32, #tpu.memory_space<vmem>>
        %dma_start3A_172 = arith.constant 0 : i32
        %dma_start3A_173 = arith.constant 0 : i32
        %dma_start3A_174 = tpu.memref_slice %arg2[%dma_start3A_172, %dma_start3A_173] : memref<10000x128xf32, #tpu.memory_space<hbm>> -> memref<10000x128xf32, #tpu.memory_space<hbm>>
        tpu.enqueue_indirect_dma source(%dma_start3A_174 : memref<10000x128xf32, #tpu.memory_space<hbm>>) target(%arg8 : memref<128x128xf32, #tpu.memory_space<vmem>>) offsets(%dma_start3A_171 : memref<128xi32, #tpu.memory_space<vmem>>) semaphore(%arg12 : memref<!tpu.dma_semaphore, #tpu.memory_space<semaphore_mem>>)
        %mul3A_175 = arith.constant 2 : i32
        %mul3A_176 = arith.muli %mul3A_175, %while3A_156 : i32
        %add3A_177 = arith.constant 1 : i32
        %add3A_178 = arith.addi %mul3A_176, %add3A_177 : i32
        %dma_wait3A_179 = arith.constant 0 : i32
        %dma_wait3A_180 = tpu.memref_slice %arg6[%add3A_178, %dma_wait3A_179] : memref<24x128xi32, #tpu.memory_space<vmem>> -> memref<1x128xi32, #tpu.memory_space<vmem>>
        %dma_wait3A_181 = tpu.memref_squeeze %dma_wait3A_180 : memref<1x128xi32, #tpu.memory_space<vmem>> -> memref<128xi32, #tpu.memory_space<vmem>>
        %dma_wait3A_182 = arith.constant 0 : i32
        %dma_wait3A_183 = arith.constant 0 : i32
        %dma_wait3A_184 = tpu.memref_slice %arg2[%dma_wait3A_182, %dma_wait3A_183] : memref<10000x128xf32, #tpu.memory_space<hbm>> -> memref<10000x128xf32, #tpu.memory_space<hbm>>
        tpu.wait_indirect_dma semaphore(%arg13 : memref<!tpu.dma_semaphore, #tpu.memory_space<semaphore_mem>>) src(%dma_wait3A_184 : memref<10000x128xf32, #tpu.memory_space<hbm>>) dst(%arg9 : memref<128x128xf32, #tpu.memory_space<vmem>>)
        "tpu.region"() ({
          %run_scoped3A = tpu.sem_alloc : memref<!tpu.dma_semaphore, #tpu.memory_space<semaphore_mem>>
          %dma_start3A_193 = arith.constant 0 : i32
          %dma_start3A_194 = tpu.memref_slice %arg7[%add3A_178, %dma_start3A_193] : memref<24x128xi32, #tpu.memory_space<vmem>> -> memref<1x128xi32, #tpu.memory_space<vmem>>
          %dma_start3A_195 = tpu.memref_squeeze %dma_start3A_194 : memref<1x128xi32, #tpu.memory_space<vmem>> -> memref<128xi32, #tpu.memory_space<vmem>>
          %dma_start3A_196 = arith.constant 0 : i32
          %dma_start3A_197 = arith.constant 0 : i32
          %dma_start3A_198 = tpu.memref_slice %arg11[%dma_start3A_196, %dma_start3A_197] : memref<10112x128xf32, #tpu.memory_space<vmem_shared>> -> memref<10112x128xf32, #tpu.memory_space<vmem_shared>>
          tpu.enqueue_indirect_dma source(%arg9 : memref<128x128xf32, #tpu.memory_space<vmem>>) target(%dma_start3A_198 : memref<10112x128xf32, #tpu.memory_space<vmem_shared>>) offsets(%dma_start3A_195 : memref<128xi32, #tpu.memory_space<vmem>>) semaphore(%run_scoped3A : memref<!tpu.dma_semaphore, #tpu.memory_space<semaphore_mem>>) {add = true}
          %dma_wait3A_199 = arith.constant 0 : i32
          %dma_wait3A_200 = tpu.memref_slice %arg7[%add3A_178, %dma_wait3A_199] : memref<24x128xi32, #tpu.memory_space<vmem>> -> memref<1x128xi32, #tpu.memory_space<vmem>>
          %dma_wait3A_201 = tpu.memref_squeeze %dma_wait3A_200 : memref<1x128xi32, #tpu.memory_space<vmem>> -> memref<128xi32, #tpu.memory_space<vmem>>
          %dma_wait3A_202 = arith.constant 0 : i32
          %dma_wait3A_203 = arith.constant 0 : i32
          %dma_wait3A_204 = tpu.memref_slice %arg11[%dma_wait3A_202, %dma_wait3A_203] : memref<10112x128xf32, #tpu.memory_space<vmem_shared>> -> memref<10112x128xf32, #tpu.memory_space<vmem_shared>>
          tpu.wait_indirect_dma semaphore(%run_scoped3A : memref<!tpu.dma_semaphore, #tpu.memory_space<semaphore_mem>>) src(%arg9 : memref<128x128xf32, #tpu.memory_space<vmem>>) dst(%dma_wait3A_204 : memref<10112x128xf32, #tpu.memory_space<vmem_shared>>)
          tpu.yield
        }) : () -> ()
        %add3A_185 = arith.constant 2 : i32
        %add3A_186 = arith.addi %add3A_178, %add3A_185 : i32
        %dma_start3A_187 = arith.constant 0 : i32
        %dma_start3A_188 = tpu.memref_slice %arg6[%add3A_186, %dma_start3A_187] : memref<24x128xi32, #tpu.memory_space<vmem>> -> memref<1x128xi32, #tpu.memory_space<vmem>>
        %dma_start3A_189 = tpu.memref_squeeze %dma_start3A_188 : memref<1x128xi32, #tpu.memory_space<vmem>> -> memref<128xi32, #tpu.memory_space<vmem>>
        %dma_start3A_190 = arith.constant 0 : i32
        %dma_start3A_191 = arith.constant 0 : i32
        %dma_start3A_192 = tpu.memref_slice %arg2[%dma_start3A_190, %dma_start3A_191] : memref<10000x128xf32, #tpu.memory_space<hbm>> -> memref<10000x128xf32, #tpu.memory_space<hbm>>
        tpu.enqueue_indirect_dma source(%dma_start3A_192 : memref<10000x128xf32, #tpu.memory_space<hbm>>) target(%arg9 : memref<128x128xf32, #tpu.memory_space<vmem>>) offsets(%dma_start3A_189 : memref<128xi32, #tpu.memory_space<vmem>>) semaphore(%arg13 : memref<!tpu.dma_semaphore, #tpu.memory_space<semaphore_mem>>)
      }
      %while3A_136 = arith.constant 1 : i32
      scf.for %while3A_156 = %while3A_134 to %while3A_130 step %while3A_136  : i32 {
        %mul3A_157 = arith.constant 2 : i32
        %mul3A_158 = arith.muli %mul3A_157, %while3A_156 : i32
        %add3A_159 = arith.constant 0 : i32
        %add3A_160 = arith.addi %mul3A_158, %add3A_159 : i32
        %dma_wait3A_161 = arith.constant 0 : i32
        %dma_wait3A_162 = tpu.memref_slice %arg6[%add3A_160, %dma_wait3A_161] : memref<24x128xi32, #tpu.memory_space<vmem>> -> memref<1x128xi32, #tpu.memory_space<vmem>>
        %dma_wait3A_163 = tpu.memref_squeeze %dma_wait3A_162 : memref<1x128xi32, #tpu.memory_space<vmem>> -> memref<128xi32, #tpu.memory_space<vmem>>
        %dma_wait3A_164 = arith.constant 0 : i32
        %dma_wait3A_165 = arith.constant 0 : i32
        %dma_wait3A_166 = tpu.memref_slice %arg2[%dma_wait3A_164, %dma_wait3A_165] : memref<10000x128xf32, #tpu.memory_space<hbm>> -> memref<10000x128xf32, #tpu.memory_space<hbm>>
        tpu.wait_indirect_dma semaphore(%arg12 : memref<!tpu.dma_semaphore, #tpu.memory_space<semaphore_mem>>) src(%dma_wait3A_166 : memref<10000x128xf32, #tpu.memory_space<hbm>>) dst(%arg8 : memref<128x128xf32, #tpu.memory_space<vmem>>)
        "tpu.region"() ({
          %run_scoped3A = tpu.sem_alloc : memref<!tpu.dma_semaphore, #tpu.memory_space<semaphore_mem>>
          %dma_start3A_193 = arith.constant 0 : i32
          %dma_start3A_194 = tpu.memref_slice %arg7[%add3A_160, %dma_start3A_193] : memref<24x128xi32, #tpu.memory_space<vmem>> -> memref<1x128xi32, #tpu.memory_space<vmem>>
          %dma_start3A_195 = tpu.memref_squeeze %dma_start3A_194 : memref<1x128xi32, #tpu.memory_space<vmem>> -> memref<128xi32, #tpu.memory_space<vmem>>
          %dma_start3A_196 = arith.constant 0 : i32
          %dma_start3A_197 = arith.constant 0 : i32
          %dma_start3A_198 = tpu.memref_slice %arg11[%dma_start3A_196, %dma_start3A_197] : memref<10112x128xf32, #tpu.memory_space<vmem_shared>> -> memref<10112x128xf32, #tpu.memory_space<vmem_shared>>
          tpu.enqueue_indirect_dma source(%arg8 : memref<128x128xf32, #tpu.memory_space<vmem>>) target(%dma_start3A_198 : memref<10112x128xf32, #tpu.memory_space<vmem_shared>>) offsets(%dma_start3A_195 : memref<128xi32, #tpu.memory_space<vmem>>) semaphore(%run_scoped3A : memref<!tpu.dma_semaphore, #tpu.memory_space<semaphore_mem>>) {add = true}
          %dma_wait3A_199 = arith.constant 0 : i32
          %dma_wait3A_200 = tpu.memref_slice %arg7[%add3A_160, %dma_wait3A_199] : memref<24x128xi32, #tpu.memory_space<vmem>> -> memref<1x128xi32, #tpu.memory_space<vmem>>
          %dma_wait3A_201 = tpu.memref_squeeze %dma_wait3A_200 : memref<1x128xi32, #tpu.memory_space<vmem>> -> memref<128xi32, #tpu.memory_space<vmem>>
          %dma_wait3A_202 = arith.constant 0 : i32
          %dma_wait3A_203 = arith.constant 0 : i32
          %dma_wait3A_204 = tpu.memref_slice %arg11[%dma_wait3A_202, %dma_wait3A_203] : memref<10112x128xf32, #tpu.memory_space<vmem_shared>> -> memref<10112x128xf32, #tpu.memory_space<vmem_shared>>
          tpu.wait_indirect_dma semaphore(%run_scoped3A : memref<!tpu.dma_semaphore, #tpu.memory_space<semaphore_mem>>) src(%arg8 : memref<128x128xf32, #tpu.memory_space<vmem>>) dst(%dma_wait3A_204 : memref<10112x128xf32, #tpu.memory_space<vmem_shared>>)
          tpu.yield
        }) : () -> ()
        %add3A_167 = arith.constant 2 : i32
        %add3A_168 = arith.addi %add3A_160, %add3A_167 : i32
        %dma_start3A_169 = arith.constant 0 : i32
        %dma_start3A_170 = tpu.memref_slice %arg6[%add3A_168, %dma_start3A_169] : memref<24x128xi32, #tpu.memory_space<vmem>> -> memref<1x128xi32, #tpu.memory_space<vmem>>
        %dma_start3A_171 = tpu.memref_squeeze %dma_start3A_170 : memref<1x128xi32, #tpu.memory_space<vmem>> -> memref<128xi32, #tpu.memory_space<vmem>>
        %dma_start3A_172 = arith.constant 0 : i32
        %dma_start3A_173 = arith.constant 0 : i32
        %dma_start3A_174 = tpu.memref_slice %arg2[%dma_start3A_172, %dma_start3A_173] : memref<10000x128xf32, #tpu.memory_space<hbm>> -> memref<10000x128xf32, #tpu.memory_space<hbm>>
        tpu.enqueue_indirect_dma source(%dma_start3A_174 : memref<10000x128xf32, #tpu.memory_space<hbm>>) target(%arg8 : memref<128x128xf32, #tpu.memory_space<vmem>>) offsets(%dma_start3A_171 : memref<128xi32, #tpu.memory_space<vmem>>) semaphore(%arg12 : memref<!tpu.dma_semaphore, #tpu.memory_space<semaphore_mem>>)
        %mul3A_175 = arith.constant 2 : i32
        %mul3A_176 = arith.muli %mul3A_175, %while3A_156 : i32
        %add3A_177 = arith.constant 1 : i32
        %add3A_178 = arith.addi %mul3A_176, %add3A_177 : i32
        %dma_wait3A_179 = arith.constant 0 : i32
        %dma_wait3A_180 = tpu.memref_slice %arg6[%add3A_178, %dma_wait3A_179] : memref<24x128xi32, #tpu.memory_space<vmem>> -> memref<1x128xi32, #tpu.memory_space<vmem>>
        %dma_wait3A_181 = tpu.memref_squeeze %dma_wait3A_180 : memref<1x128xi32, #tpu.memory_space<vmem>> -> memref<128xi32, #tpu.memory_space<vmem>>
        %dma_wait3A_182 = arith.constant 0 : i32
        %dma_wait3A_183 = arith.constant 0 : i32
        %dma_wait3A_184 = tpu.memref_slice %arg2[%dma_wait3A_182, %dma_wait3A_183] : memref<10000x128xf32, #tpu.memory_space<hbm>> -> memref<10000x128xf32, #tpu.memory_space<hbm>>
        tpu.wait_indirect_dma semaphore(%arg13 : memref<!tpu.dma_semaphore, #tpu.memory_space<semaphore_mem>>) src(%dma_wait3A_184 : memref<10000x128xf32, #tpu.memory_space<hbm>>) dst(%arg9 : memref<128x128xf32, #tpu.memory_space<vmem>>)
        "tpu.region"() ({
          %run_scoped3A = tpu.sem_alloc : memref<!tpu.dma_semaphore, #tpu.memory_space<semaphore_mem>>
          %dma_start3A_193 = arith.constant 0 : i32
          %dma_start3A_194 = tpu.memref_slice %arg7[%add3A_178, %dma_start3A_193] : memref<24x128xi32, #tpu.memory_space<vmem>> -> memref<1x128xi32, #tpu.memory_space<vmem>>
          %dma_start3A_195 = tpu.memref_squeeze %dma_start3A_194 : memref<1x128xi32, #tpu.memory_space<vmem>> -> memref<128xi32, #tpu.memory_space<vmem>>
          %dma_start3A_196 = arith.constant 0 : i32
          %dma_start3A_197 = arith.constant 0 : i32
          %dma_start3A_198 = tpu.memref_slice %arg11[%dma_start3A_196, %dma_start3A_197] : memref<10112x128xf32, #tpu.memory_space<vmem_shared>> -> memref<10112x128xf32, #tpu.memory_space<vmem_shared>>
          tpu.enqueue_indirect_dma source(%arg9 : memref<128x128xf32, #tpu.memory_space<vmem>>) target(%dma_start3A_198 : memref<10112x128xf32, #tpu.memory_space<vmem_shared>>) offsets(%dma_start3A_195 : memref<128xi32, #tpu.memory_space<vmem>>) semaphore(%run_scoped3A : memref<!tpu.dma_semaphore, #tpu.memory_space<semaphore_mem>>) {add = true}
          %dma_wait3A_199 = arith.constant 0 : i32
          %dma_wait3A_200 = tpu.memref_slice %arg7[%add3A_178, %dma_wait3A_199] : memref<24x128xi32, #tpu.memory_space<vmem>> -> memref<1x128xi32, #tpu.memory_space<vmem>>
          %dma_wait3A_201 = tpu.memref_squeeze %dma_wait3A_200 : memref<1x128xi32, #tpu.memory_space<vmem>> -> memref<128xi32, #tpu.memory_space<vmem>>
          %dma_wait3A_202 = arith.constant 0 : i32
          %dma_wait3A_203 = arith.constant 0 : i32
          %dma_wait3A_204 = tpu.memref_slice %arg11[%dma_wait3A_202, %dma_wait3A_203] : memref<10112x128xf32, #tpu.memory_space<vmem_shared>> -> memref<10112x128xf32, #tpu.memory_space<vmem_shared>>
          tpu.wait_indirect_dma semaphore(%run_scoped3A : memref<!tpu.dma_semaphore, #tpu.memory_space<semaphore_mem>>) src(%arg9 : memref<128x128xf32, #tpu.memory_space<vmem>>) dst(%dma_wait3A_204 : memref<10112x128xf32, #tpu.memory_space<vmem_shared>>)
          tpu.yield
        }) : () -> ()
        %add3A_185 = arith.constant 2 : i32
        %add3A_186 = arith.addi %add3A_178, %add3A_185 : i32
        %dma_start3A_187 = arith.constant 0 : i32
        %dma_start3A_188 = tpu.memref_slice %arg6[%add3A_186, %dma_start3A_187] : memref<24x128xi32, #tpu.memory_space<vmem>> -> memref<1x128xi32, #tpu.memory_space<vmem>>
        %dma_start3A_189 = tpu.memref_squeeze %dma_start3A_188 : memref<1x128xi32, #tpu.memory_space<vmem>> -> memref<128xi32, #tpu.memory_space<vmem>>
        %dma_start3A_190 = arith.constant 0 : i32
        %dma_start3A_191 = arith.constant 0 : i32
        %dma_start3A_192 = tpu.memref_slice %arg2[%dma_start3A_190, %dma_start3A_191] : memref<10000x128xf32, #tpu.memory_space<hbm>> -> memref<10000x128xf32, #tpu.memory_space<hbm>>
        tpu.enqueue_indirect_dma source(%dma_start3A_192 : memref<10000x128xf32, #tpu.memory_space<hbm>>) target(%arg9 : memref<128x128xf32, #tpu.memory_space<vmem>>) offsets(%dma_start3A_189 : memref<128xi32, #tpu.memory_space<vmem>>) semaphore(%arg13 : memref<!tpu.dma_semaphore, #tpu.memory_space<semaphore_mem>>)
      }
      %sub3A_137 = arith.constant 2 : i32
      %sub3A_138 = arith.subi %min3A_88, %sub3A_137 : i32
      %add3A_139 = arith.constant 0 : i32
      %add3A_140 = arith.addi %sub3A_138, %add3A_139 : i32
      %dma_wait3A = arith.constant 0 : i32
      %dma_wait3A_141 = tpu.memref_slice %arg6[%add3A_140, %dma_wait3A] : memref<24x128xi32, #tpu.memory_space<vmem>> -> memref<1x128xi32, #tpu.memory_space<vmem>>
      %dma_wait3A_142 = tpu.memref_squeeze %dma_wait3A_141 : memref<1x128xi32, #tpu.memory_space<vmem>> -> memref<128xi32, #tpu.memory_space<vmem>>
      %dma_wait3A_143 = arith.constant 0 : i32
      %dma_wait3A_144 = arith.constant 0 : i32
      %dma_wait3A_145 = tpu.memref_slice %arg2[%dma_wait3A_143, %dma_wait3A_144] : memref<10000x128xf32, #tpu.memory_space<hbm>> -> memref<10000x128xf32, #tpu.memory_space<hbm>>
      tpu.wait_indirect_dma semaphore(%arg12 : memref<!tpu.dma_semaphore, #tpu.memory_space<semaphore_mem>>) src(%dma_wait3A_145 : memref<10000x128xf32, #tpu.memory_space<hbm>>) dst(%arg8 : memref<128x128xf32, #tpu.memory_space<vmem>>)
      "tpu.region"() ({
        %run_scoped3A = tpu.sem_alloc : memref<!tpu.dma_semaphore, #tpu.memory_space<semaphore_mem>>
        %dma_start3A_156 = arith.constant 0 : i32
        %dma_start3A_157 = tpu.memref_slice %arg7[%add3A_140, %dma_start3A_156] : memref<24x128xi32, #tpu.memory_space<vmem>> -> memref<1x128xi32, #tpu.memory_space<vmem>>
        %dma_start3A_158 = tpu.memref_squeeze %dma_start3A_157 : memref<1x128xi32, #tpu.memory_space<vmem>> -> memref<128xi32, #tpu.memory_space<vmem>>
        %dma_start3A_159 = arith.constant 0 : i32
        %dma_start3A_160 = arith.constant 0 : i32
        %dma_start3A_161 = tpu.memref_slice %arg11[%dma_start3A_159, %dma_start3A_160] : memref<10112x128xf32, #tpu.memory_space<vmem_shared>> -> memref<10112x128xf32, #tpu.memory_space<vmem_shared>>
        tpu.enqueue_indirect_dma source(%arg8 : memref<128x128xf32, #tpu.memory_space<vmem>>) target(%dma_start3A_161 : memref<10112x128xf32, #tpu.memory_space<vmem_shared>>) offsets(%dma_start3A_158 : memref<128xi32, #tpu.memory_space<vmem>>) semaphore(%run_scoped3A : memref<!tpu.dma_semaphore, #tpu.memory_space<semaphore_mem>>) {add = true}
        %dma_wait3A_162 = arith.constant 0 : i32
        %dma_wait3A_163 = tpu.memref_slice %arg7[%add3A_140, %dma_wait3A_162] : memref<24x128xi32, #tpu.memory_space<vmem>> -> memref<1x128xi32, #tpu.memory_space<vmem>>
        %dma_wait3A_164 = tpu.memref_squeeze %dma_wait3A_163 : memref<1x128xi32, #tpu.memory_space<vmem>> -> memref<128xi32, #tpu.memory_space<vmem>>
        %dma_wait3A_165 = arith.constant 0 : i32
        %dma_wait3A_166 = arith.constant 0 : i32
        %dma_wait3A_167 = tpu.memref_slice %arg11[%dma_wait3A_165, %dma_wait3A_166] : memref<10112x128xf32, #tpu.memory_space<vmem_shared>> -> memref<10112x128xf32, #tpu.memory_space<vmem_shared>>
        tpu.wait_indirect_dma semaphore(%run_scoped3A : memref<!tpu.dma_semaphore, #tpu.memory_space<semaphore_mem>>) src(%arg8 : memref<128x128xf32, #tpu.memory_space<vmem>>) dst(%dma_wait3A_167 : memref<10112x128xf32, #tpu.memory_space<vmem_shared>>)
        tpu.yield
      }) : () -> ()
      %sub3A_146 = arith.constant 2 : i32
      %sub3A_147 = arith.subi %min3A_88, %sub3A_146 : i32
      %add3A_148 = arith.constant 1 : i32
      %add3A_149 = arith.addi %sub3A_147, %add3A_148 : i32
      %dma_wait3A_150 = arith.constant 0 : i32
      %dma_wait3A_151 = tpu.memref_slice %arg6[%add3A_149, %dma_wait3A_150] : memref<24x128xi32, #tpu.memory_space<vmem>> -> memref<1x128xi32, #tpu.memory_space<vmem>>
      %dma_wait3A_152 = tpu.memref_squeeze %dma_wait3A_151 : memref<1x128xi32, #tpu.memory_space<vmem>> -> memref<128xi32, #tpu.memory_space<vmem>>
      %dma_wait3A_153 = arith.constant 0 : i32
      %dma_wait3A_154 = arith.constant 0 : i32
      %dma_wait3A_155 = tpu.memref_slice %arg2[%dma_wait3A_153, %dma_wait3A_154] : memref<10000x128xf32, #tpu.memory_space<hbm>> -> memref<10000x128xf32, #tpu.memory_space<hbm>>
      tpu.wait_indirect_dma semaphore(%arg13 : memref<!tpu.dma_semaphore, #tpu.memory_space<semaphore_mem>>) src(%dma_wait3A_155 : memref<10000x128xf32, #tpu.memory_space<hbm>>) dst(%arg9 : memref<128x128xf32, #tpu.memory_space<vmem>>)
      "tpu.region"() ({
        %run_scoped3A = tpu.sem_alloc : memref<!tpu.dma_semaphore, #tpu.memory_space<semaphore_mem>>
        %dma_start3A_156 = arith.constant 0 : i32
        %dma_start3A_157 = tpu.memref_slice %arg7[%add3A_149, %dma_start3A_156] : memref<24x128xi32, #tpu.memory_space<vmem>> -> memref<1x128xi32, #tpu.memory_space<vmem>>
        %dma_start3A_158 = tpu.memref_squeeze %dma_start3A_157 : memref<1x128xi32, #tpu.memory_space<vmem>> -> memref<128xi32, #tpu.memory_space<vmem>>
        %dma_start3A_159 = arith.constant 0 : i32
        %dma_start3A_160 = arith.constant 0 : i32
        %dma_start3A_161 = tpu.memref_slice %arg11[%dma_start3A_159, %dma_start3A_160] : memref<10112x128xf32, #tpu.memory_space<vmem_shared>> -> memref<10112x128xf32, #tpu.memory_space<vmem_shared>>
        tpu.enqueue_indirect_dma source(%arg9 : memref<128x128xf32, #tpu.memory_space<vmem>>) target(%dma_start3A_161 : memref<10112x128xf32, #tpu.memory_space<vmem_shared>>) offsets(%dma_start3A_158 : memref<128xi32, #tpu.memory_space<vmem>>) semaphore(%run_scoped3A : memref<!tpu.dma_semaphore, #tpu.memory_space<semaphore_mem>>) {add = true}
        %dma_wait3A_162 = arith.constant 0 : i32
        %dma_wait3A_163 = tpu.memref_slice %arg7[%add3A_149, %dma_wait3A_162] : memref<24x128xi32, #tpu.memory_space<vmem>> -> memref<1x128xi32, #tpu.memory_space<vmem>>
        %dma_wait3A_164 = tpu.memref_squeeze %dma_wait3A_163 : memref<1x128xi32, #tpu.memory_space<vmem>> -> memref<128xi32, #tpu.memory_space<vmem>>
        %dma_wait3A_165 = arith.constant 0 : i32
        %dma_wait3A_166 = arith.constant 0 : i32
        %dma_wait3A_167 = tpu.memref_slice %arg11[%dma_wait3A_165, %dma_wait3A_166] : memref<10112x128xf32, #tpu.memory_space<vmem_shared>> -> memref<10112x128xf32, #tpu.memory_space<vmem_shared>>
        tpu.wait_indirect_dma semaphore(%run_scoped3A : memref<!tpu.dma_semaphore, #tpu.memory_space<semaphore_mem>>) src(%arg9 : memref<128x128xf32, #tpu.memory_space<vmem>>) dst(%dma_wait3A_167 : memref<10112x128xf32, #tpu.memory_space<vmem_shared>>)
        tpu.yield
      }) : () -> ()
    }
    %while3A_72 = arith.constant 1 : i32
    scf.for %while3A_78 = %while3A_70 to %while3A_66 step %while3A_72  : i32 {
      %mul3A_79 = arith.constant 24 : i32
      %mul3A_80 = arith.muli %while3A_78, %mul3A_79 : i32
      %add3A_81 = arith.addi %mul3A_2, %mul3A_80 : i32
      "tpu.region"() ({
        %run_scoped3A = tpu.sem_alloc : memref<!tpu.dma_semaphore, #tpu.memory_space<semaphore_mem>>
        %dma_start3A_156 = arith.constant 0 : i32
        %dma_start3A_157 = tpu.memref_slice %arg3[%add3A_81, %dma_start3A_156] : memref<2584x128xi32, #tpu.memory_space<hbm>> -> memref<24x128xi32, #tpu.memory_space<hbm>>
        %dma_start3A_158 = arith.constant 0 : i32
        %dma_start3A_159 = tpu.memref_slice %arg3[%add3A_81, %dma_start3A_158] : memref<2584x128xi32, #tpu.memory_space<hbm>> -> memref<24x128xi32, #tpu.memory_space<hbm>>
        tpu.enqueue_dma source(%dma_start3A_159 : memref<24x128xi32, #tpu.memory_space<hbm>>) target(%arg6 : memref<24x128xi32, #tpu.memory_space<vmem>>) target_semaphore(%run_scoped3A : memref<!tpu.dma_semaphore, #tpu.memory_space<semaphore_mem>>)
        %dma_wait3A_160 = arith.constant 0 : i32
        %dma_wait3A_161 = tpu.memref_slice %arg3[%add3A_81, %dma_wait3A_160] : memref<2584x128xi32, #tpu.memory_space<hbm>> -> memref<24x128xi32, #tpu.memory_space<hbm>>
        %dma_wait3A_162 = arith.constant 0 : i32
        %dma_wait3A_163 = tpu.memref_slice %arg3[%add3A_81, %dma_wait3A_162] : memref<2584x128xi32, #tpu.memory_space<hbm>> -> memref<24x128xi32, #tpu.memory_space<hbm>>
        tpu.wait_dma2 semaphore(%run_scoped3A : memref<!tpu.dma_semaphore, #tpu.memory_space<semaphore_mem>>) src(%dma_wait3A_163 : memref<24x128xi32, #tpu.memory_space<hbm>>) dst(%arg6 : memref<24x128xi32, #tpu.memory_space<vmem>>)
        tpu.yield
      }) : () -> ()
      "tpu.region"() ({
        %run_scoped3A = tpu.sem_alloc : memref<!tpu.dma_semaphore, #tpu.memory_space<semaphore_mem>>
        %dma_start3A_156 = arith.constant 0 : i32
        %dma_start3A_157 = tpu.memref_slice %arg4[%add3A_81, %dma_start3A_156] : memref<2584x128xi32, #tpu.memory_space<hbm>> -> memref<24x128xi32, #tpu.memory_space<hbm>>
        %dma_start3A_158 = arith.constant 0 : i32
        %dma_start3A_159 = tpu.memref_slice %arg4[%add3A_81, %dma_start3A_158] : memref<2584x128xi32, #tpu.memory_space<hbm>> -> memref<24x128xi32, #tpu.memory_space<hbm>>
        tpu.enqueue_dma source(%dma_start3A_159 : memref<24x128xi32, #tpu.memory_space<hbm>>) target(%arg7 : memref<24x128xi32, #tpu.memory_space<vmem>>) target_semaphore(%run_scoped3A : memref<!tpu.dma_semaphore, #tpu.memory_space<semaphore_mem>>)
        %dma_wait3A_160 = arith.constant 0 : i32
        %dma_wait3A_161 = tpu.memref_slice %arg4[%add3A_81, %dma_wait3A_160] : memref<2584x128xi32, #tpu.memory_space<hbm>> -> memref<24x128xi32, #tpu.memory_space<hbm>>
        %dma_wait3A_162 = arith.constant 0 : i32
        %dma_wait3A_163 = tpu.memref_slice %arg4[%add3A_81, %dma_wait3A_162] : memref<2584x128xi32, #tpu.memory_space<hbm>> -> memref<24x128xi32, #tpu.memory_space<hbm>>
        tpu.wait_dma2 semaphore(%run_scoped3A : memref<!tpu.dma_semaphore, #tpu.memory_space<semaphore_mem>>) src(%dma_wait3A_163 : memref<24x128xi32, #tpu.memory_space<hbm>>) dst(%arg7 : memref<24x128xi32, #tpu.memory_space<vmem>>)
        tpu.yield
      }) : () -> ()
      %mul3A_82 = arith.constant 24 : i32
      %mul3A_83 = arith.muli %while3A_78, %mul3A_82 : i32
      %sub3A_84 = arith.subi %min3A, %mul3A_83 : i32
      %jit3A_85 = arith.constant 0 : i32
      %jit3A_86 = arith.constant 24 : i32
      %max3A_87 = arith.maxsi %jit3A_85, %sub3A_84 : i32
      %min3A_88 = arith.minsi %jit3A_86, %max3A_87 : i32
      %dma_start3A = arith.constant 0 : i32
      %dma_start3A_89 = arith.constant 0 : i32
      %dma_start3A_90 = tpu.memref_slice %arg6[%dma_start3A, %dma_start3A_89] : memref<24x128xi32, #tpu.memory_space<vmem>> -> memref<1x128xi32, #tpu.memory_space<vmem>>
      %dma_start3A_91 = tpu.memref_squeeze %dma_start3A_90 : memref<1x128xi32, #tpu.memory_space<vmem>> -> memref<128xi32, #tpu.memory_space<vmem>>
      %dma_start3A_92 = arith.constant 0 : i32
      %dma_start3A_93 = arith.constant 0 : i32
      %dma_start3A_94 = tpu.memref_slice %arg2[%dma_start3A_92, %dma_start3A_93] : memref<10000x128xf32, #tpu.memory_space<hbm>> -> memref<10000x128xf32, #tpu.memory_space<hbm>>
      tpu.enqueue_indirect_dma source(%dma_start3A_94 : memref<10000x128xf32, #tpu.memory_space<hbm>>) target(%arg8 : memref<128x128xf32, #tpu.memory_space<vmem>>) offsets(%dma_start3A_91 : memref<128xi32, #tpu.memory_space<vmem>>) semaphore(%arg12 : memref<!tpu.dma_semaphore, #tpu.memory_space<semaphore_mem>>)
      %dma_start3A_95 = arith.constant 1 : i32
      %dma_start3A_96 = arith.constant 0 : i32
      %dma_start3A_97 = tpu.memref_slice %arg6[%dma_start3A_95, %dma_start3A_96] : memref<24x128xi32, #tpu.memory_space<vmem>> -> memref<1x128xi32, #tpu.memory_space<vmem>>
      %dma_start3A_98 = tpu.memref_squeeze %dma_start3A_97 : memref<1x128xi32, #tpu.memory_space<vmem>> -> memref<128xi32, #tpu.memory_space<vmem>>
      %dma_start3A_99 = arith.constant 0 : i32
      %dma_start3A_100 = arith.constant 0 : i32
      %dma_start3A_101 = tpu.memref_slice %arg2[%dma_start3A_99, %dma_start3A_100] : memref<10000x128xf32, #tpu.memory_space<hbm>> -> memref<10000x128xf32, #tpu.memory_space<hbm>>
      tpu.enqueue_indirect_dma source(%dma_start3A_101 : memref<10000x128xf32, #tpu.memory_space<hbm>>) target(%arg9 : memref<128x128xf32, #tpu.memory_space<vmem>>) offsets(%dma_start3A_98 : memref<128xi32, #tpu.memory_space<vmem>>) semaphore(%arg13 : memref<!tpu.dma_semaphore, #tpu.memory_space<semaphore_mem>>)
      %sub3A_102 = arith.constant 2 : i32
      %sub3A_103 = arith.subi %min3A_88, %sub3A_102 : i32
      %jit3A_104 = arith.constant 2 : i32
      %div3A_105 = arith.divsi %sub3A_103, %jit3A_104 : i32
      %sign3A_106 = arith.constant 0 : i32
      %sign3A_107 = arith.cmpi sgt, %sub3A_103, %sign3A_106 : i32
      %sign3A_108 = arith.extui %sign3A_107 : i1 to i32
      %sign3A_109 = arith.constant 0 : i32
      %sign3A_110 = arith.cmpi slt, %sub3A_103, %sign3A_109 : i32
      %sign3A_111 = arith.extui %sign3A_110 : i1 to i32
      %sign3A_112 = arith.subi %sign3A_108, %sign3A_111 : i32
      %sign3A_113 = arith.constant 0 : i32
      %sign3A_114 = arith.cmpi sgt, %jit3A_104, %sign3A_113 : i32
      %sign3A_115 = arith.extui %sign3A_114 : i1 to i32
      %sign3A_116 = arith.constant 0 : i32
      %sign3A_117 = arith.cmpi slt, %jit3A_104, %sign3A_116 : i32
      %sign3A_118 = arith.extui %sign3A_117 : i1 to i32
      %sign3A_119 = arith.subi %sign3A_115, %sign3A_118 : i32
      %ne3A_120 = arith.cmpi ne, %sign3A_112, %sign3A_119 : i32
      %rem3A_121 = arith.remsi %sub3A_103, %jit3A_104 : i32
      %ne3A_122 = arith.constant 0 : i32
      %ne3A_123 = arith.cmpi ne, %rem3A_121, %ne3A_122 : i32
      %and3A_124 = arith.andi %ne3A_120, %ne3A_123 : i1
      %sub3A_125 = arith.constant 1 : i32
      %sub3A_126 = arith.subi %div3A_105, %sub3A_125 : i32
      %select_n3A_127 = arith.select %and3A_124, %sub3A_126, %div3A_105 : i32
      %while3A_128 = arith.constant 0 : i32
      %while3A_129 = arith.subi %select_n3A_127, %while3A_128 : i32
      %while3A_130 = arith.addi %while3A_128, %while3A_129 : i32
      %while3A_131 = arith.constant 1 : i32
      %while3A_132 = arith.divsi %while3A_129, %while3A_131 : i32
      %while3A_133 = arith.muli %while3A_132, %while3A_131 : i32
      %while3A_134 = arith.addi %while3A_128, %while3A_133 : i32
      %while3A_135 = arith.constant 1 : i32
      scf.for %while3A_156 = %while3A_128 to %while3A_134 step %while3A_135  : i32 {
        %mul3A_157 = arith.constant 2 : i32
        %mul3A_158 = arith.muli %mul3A_157, %while3A_156 : i32
        %add3A_159 = arith.constant 0 : i32
        %add3A_160 = arith.addi %mul3A_158, %add3A_159 : i32
        %dma_wait3A_161 = arith.constant 0 : i32
        %dma_wait3A_162 = tpu.memref_slice %arg6[%add3A_160, %dma_wait3A_161] : memref<24x128xi32, #tpu.memory_space<vmem>> -> memref<1x128xi32, #tpu.memory_space<vmem>>
        %dma_wait3A_163 = tpu.memref_squeeze %dma_wait3A_162 : memref<1x128xi32, #tpu.memory_space<vmem>> -> memref<128xi32, #tpu.memory_space<vmem>>
        %dma_wait3A_164 = arith.constant 0 : i32
        %dma_wait3A_165 = arith.constant 0 : i32
        %dma_wait3A_166 = tpu.memref_slice %arg2[%dma_wait3A_164, %dma_wait3A_165] : memref<10000x128xf32, #tpu.memory_space<hbm>> -> memref<10000x128xf32, #tpu.memory_space<hbm>>
        tpu.wait_indirect_dma semaphore(%arg12 : memref<!tpu.dma_semaphore, #tpu.memory_space<semaphore_mem>>) src(%dma_wait3A_166 : memref<10000x128xf32, #tpu.memory_space<hbm>>) dst(%arg8 : memref<128x128xf32, #tpu.memory_space<vmem>>)
        "tpu.region"() ({
          %run_scoped3A = tpu.sem_alloc : memref<!tpu.dma_semaphore, #tpu.memory_space<semaphore_mem>>
          %dma_start3A_193 = arith.constant 0 : i32
          %dma_start3A_194 = tpu.memref_slice %arg7[%add3A_160, %dma_start3A_193] : memref<24x128xi32, #tpu.memory_space<vmem>> -> memref<1x128xi32, #tpu.memory_space<vmem>>
          %dma_start3A_195 = tpu.memref_squeeze %dma_start3A_194 : memref<1x128xi32, #tpu.memory_space<vmem>> -> memref<128xi32, #tpu.memory_space<vmem>>
          %dma_start3A_196 = arith.constant 0 : i32
          %dma_start3A_197 = arith.constant 0 : i32
          %dma_start3A_198 = tpu.memref_slice %arg11[%dma_start3A_196, %dma_start3A_197] : memref<10112x128xf32, #tpu.memory_space<vmem_shared>> -> memref<10112x128xf32, #tpu.memory_space<vmem_shared>>
          tpu.enqueue_indirect_dma source(%arg8 : memref<128x128xf32, #tpu.memory_space<vmem>>) target(%dma_start3A_198 : memref<10112x128xf32, #tpu.memory_space<vmem_shared>>) offsets(%dma_start3A_195 : memref<128xi32, #tpu.memory_space<vmem>>) semaphore(%run_scoped3A : memref<!tpu.dma_semaphore, #tpu.memory_space<semaphore_mem>>) {add = true}
          %dma_wait3A_199 = arith.constant 0 : i32
          %dma_wait3A_200 = tpu.memref_slice %arg7[%add3A_160, %dma_wait3A_199] : memref<24x128xi32, #tpu.memory_space<vmem>> -> memref<1x128xi32, #tpu.memory_space<vmem>>
          %dma_wait3A_201 = tpu.memref_squeeze %dma_wait3A_200 : memref<1x128xi32, #tpu.memory_space<vmem>> -> memref<128xi32, #tpu.memory_space<vmem>>
          %dma_wait3A_202 = arith.constant 0 : i32
          %dma_wait3A_203 = arith.constant 0 : i32
          %dma_wait3A_204 = tpu.memref_slice %arg11[%dma_wait3A_202, %dma_wait3A_203] : memref<10112x128xf32, #tpu.memory_space<vmem_shared>> -> memref<10112x128xf32, #tpu.memory_space<vmem_shared>>
          tpu.wait_indirect_dma semaphore(%run_scoped3A : memref<!tpu.dma_semaphore, #tpu.memory_space<semaphore_mem>>) src(%arg8 : memref<128x128xf32, #tpu.memory_space<vmem>>) dst(%dma_wait3A_204 : memref<10112x128xf32, #tpu.memory_space<vmem_shared>>)
          tpu.yield
        }) : () -> ()
        %add3A_167 = arith.constant 2 : i32
        %add3A_168 = arith.addi %add3A_160, %add3A_167 : i32
        %dma_start3A_169 = arith.constant 0 : i32
        %dma_start3A_170 = tpu.memref_slice %arg6[%add3A_168, %dma_start3A_169] : memref<24x128xi32, #tpu.memory_space<vmem>> -> memref<1x128xi32, #tpu.memory_space<vmem>>
        %dma_start3A_171 = tpu.memref_squeeze %dma_start3A_170 : memref<1x128xi32, #tpu.memory_space<vmem>> -> memref<128xi32, #tpu.memory_space<vmem>>
        %dma_start3A_172 = arith.constant 0 : i32
        %dma_start3A_173 = arith.constant 0 : i32
        %dma_start3A_174 = tpu.memref_slice %arg2[%dma_start3A_172, %dma_start3A_173] : memref<10000x128xf32, #tpu.memory_space<hbm>> -> memref<10000x128xf32, #tpu.memory_space<hbm>>
        tpu.enqueue_indirect_dma source(%dma_start3A_174 : memref<10000x128xf32, #tpu.memory_space<hbm>>) target(%arg8 : memref<128x128xf32, #tpu.memory_space<vmem>>) offsets(%dma_start3A_171 : memref<128xi32, #tpu.memory_space<vmem>>) semaphore(%arg12 : memref<!tpu.dma_semaphore, #tpu.memory_space<semaphore_mem>>)
        %mul3A_175 = arith.constant 2 : i32
        %mul3A_176 = arith.muli %mul3A_175, %while3A_156 : i32
        %add3A_177 = arith.constant 1 : i32
        %add3A_178 = arith.addi %mul3A_176, %add3A_177 : i32
        %dma_wait3A_179 = arith.constant 0 : i32
        %dma_wait3A_180 = tpu.memref_slice %arg6[%add3A_178, %dma_wait3A_179] : memref<24x128xi32, #tpu.memory_space<vmem>> -> memref<1x128xi32, #tpu.memory_space<vmem>>
        %dma_wait3A_181 = tpu.memref_squeeze %dma_wait3A_180 : memref<1x128xi32, #tpu.memory_space<vmem>> -> memref<128xi32, #tpu.memory_space<vmem>>
        %dma_wait3A_182 = arith.constant 0 : i32
        %dma_wait3A_183 = arith.constant 0 : i32
        %dma_wait3A_184 = tpu.memref_slice %arg2[%dma_wait3A_182, %dma_wait3A_183] : memref<10000x128xf32, #tpu.memory_space<hbm>> -> memref<10000x128xf32, #tpu.memory_space<hbm>>
        tpu.wait_indirect_dma semaphore(%arg13 : memref<!tpu.dma_semaphore, #tpu.memory_space<semaphore_mem>>) src(%dma_wait3A_184 : memref<10000x128xf32, #tpu.memory_space<hbm>>) dst(%arg9 : memref<128x128xf32, #tpu.memory_space<vmem>>)
        "tpu.region"() ({
          %run_scoped3A = tpu.sem_alloc : memref<!tpu.dma_semaphore, #tpu.memory_space<semaphore_mem>>
          %dma_start3A_193 = arith.constant 0 : i32
          %dma_start3A_194 = tpu.memref_slice %arg7[%add3A_178, %dma_start3A_193] : memref<24x128xi32, #tpu.memory_space<vmem>> -> memref<1x128xi32, #tpu.memory_space<vmem>>
          %dma_start3A_195 = tpu.memref_squeeze %dma_start3A_194 : memref<1x128xi32, #tpu.memory_space<vmem>> -> memref<128xi32, #tpu.memory_space<vmem>>
          %dma_start3A_196 = arith.constant 0 : i32
          %dma_start3A_197 = arith.constant 0 : i32
          %dma_start3A_198 = tpu.memref_slice %arg11[%dma_start3A_196, %dma_start3A_197] : memref<10112x128xf32, #tpu.memory_space<vmem_shared>> -> memref<10112x128xf32, #tpu.memory_space<vmem_shared>>
          tpu.enqueue_indirect_dma source(%arg9 : memref<128x128xf32, #tpu.memory_space<vmem>>) target(%dma_start3A_198 : memref<10112x128xf32, #tpu.memory_space<vmem_shared>>) offsets(%dma_start3A_195 : memref<128xi32, #tpu.memory_space<vmem>>) semaphore(%run_scoped3A : memref<!tpu.dma_semaphore, #tpu.memory_space<semaphore_mem>>) {add = true}
          %dma_wait3A_199 = arith.constant 0 : i32
          %dma_wait3A_200 = tpu.memref_slice %arg7[%add3A_178, %dma_wait3A_199] : memref<24x128xi32, #tpu.memory_space<vmem>> -> memref<1x128xi32, #tpu.memory_space<vmem>>
          %dma_wait3A_201 = tpu.memref_squeeze %dma_wait3A_200 : memref<1x128xi32, #tpu.memory_space<vmem>> -> memref<128xi32, #tpu.memory_space<vmem>>
          %dma_wait3A_202 = arith.constant 0 : i32
          %dma_wait3A_203 = arith.constant 0 : i32
          %dma_wait3A_204 = tpu.memref_slice %arg11[%dma_wait3A_202, %dma_wait3A_203] : memref<10112x128xf32, #tpu.memory_space<vmem_shared>> -> memref<10112x128xf32, #tpu.memory_space<vmem_shared>>
          tpu.wait_indirect_dma semaphore(%run_scoped3A : memref<!tpu.dma_semaphore, #tpu.memory_space<semaphore_mem>>) src(%arg9 : memref<128x128xf32, #tpu.memory_space<vmem>>) dst(%dma_wait3A_204 : memref<10112x128xf32, #tpu.memory_space<vmem_shared>>)
          tpu.yield
        }) : () -> ()
        %add3A_185 = arith.constant 2 : i32
        %add3A_186 = arith.addi %add3A_178, %add3A_185 : i32
        %dma_start3A_187 = arith.constant 0 : i32
        %dma_start3A_188 = tpu.memref_slice %arg6[%add3A_186, %dma_start3A_187] : memref<24x128xi32, #tpu.memory_space<vmem>> -> memref<1x128xi32, #tpu.memory_space<vmem>>
        %dma_start3A_189 = tpu.memref_squeeze %dma_start3A_188 : memref<1x128xi32, #tpu.memory_space<vmem>> -> memref<128xi32, #tpu.memory_space<vmem>>
        %dma_start3A_190 = arith.constant 0 : i32
        %dma_start3A_191 = arith.constant 0 : i32
        %dma_start3A_192 = tpu.memref_slice %arg2[%dma_start3A_190, %dma_start3A_191] : memref<10000x128xf32, #tpu.memory_space<hbm>> -> memref<10000x128xf32, #tpu.memory_space<hbm>>
        tpu.enqueue_indirect_dma source(%dma_start3A_192 : memref<10000x128xf32, #tpu.memory_space<hbm>>) target(%arg9 : memref<128x128xf32, #tpu.memory_space<vmem>>) offsets(%dma_start3A_189 : memref<128xi32, #tpu.memory_space<vmem>>) semaphore(%arg13 : memref<!tpu.dma_semaphore, #tpu.memory_space<semaphore_mem>>)
      }
      %while3A_136 = arith.constant 1 : i32
      scf.for %while3A_156 = %while3A_134 to %while3A_130 step %while3A_136  : i32 {
        %mul3A_157 = arith.constant 2 : i32
        %mul3A_158 = arith.muli %mul3A_157, %while3A_156 : i32
        %add3A_159 = arith.constant 0 : i32
        %add3A_160 = arith.addi %mul3A_158, %add3A_159 : i32
        %dma_wait3A_161 = arith.constant 0 : i32
        %dma_wait3A_162 = tpu.memref_slice %arg6[%add3A_160, %dma_wait3A_161] : memref<24x128xi32, #tpu.memory_space<vmem>> -> memref<1x128xi32, #tpu.memory_space<vmem>>
        %dma_wait3A_163 = tpu.memref_squeeze %dma_wait3A_162 : memref<1x128xi32, #tpu.memory_space<vmem>> -> memref<128xi32, #tpu.memory_space<vmem>>
        %dma_wait3A_164 = arith.constant 0 : i32
        %dma_wait3A_165 = arith.constant 0 : i32
        %dma_wait3A_166 = tpu.memref_slice %arg2[%dma_wait3A_164, %dma_wait3A_165] : memref<10000x128xf32, #tpu.memory_space<hbm>> -> memref<10000x128xf32, #tpu.memory_space<hbm>>
        tpu.wait_indirect_dma semaphore(%arg12 : memref<!tpu.dma_semaphore, #tpu.memory_space<semaphore_mem>>) src(%dma_wait3A_166 : memref<10000x128xf32, #tpu.memory_space<hbm>>) dst(%arg8 : memref<128x128xf32, #tpu.memory_space<vmem>>)
        "tpu.region"() ({
          %run_scoped3A = tpu.sem_alloc : memref<!tpu.dma_semaphore, #tpu.memory_space<semaphore_mem>>
          %dma_start3A_193 = arith.constant 0 : i32
          %dma_start3A_194 = tpu.memref_slice %arg7[%add3A_160, %dma_start3A_193] : memref<24x128xi32, #tpu.memory_space<vmem>> -> memref<1x128xi32, #tpu.memory_space<vmem>>
          %dma_start3A_195 = tpu.memref_squeeze %dma_start3A_194 : memref<1x128xi32, #tpu.memory_space<vmem>> -> memref<128xi32, #tpu.memory_space<vmem>>
          %dma_start3A_196 = arith.constant 0 : i32
          %dma_start3A_197 = arith.constant 0 : i32
          %dma_start3A_198 = tpu.memref_slice %arg11[%dma_start3A_196, %dma_start3A_197] : memref<10112x128xf32, #tpu.memory_space<vmem_shared>> -> memref<10112x128xf32, #tpu.memory_space<vmem_shared>>
          tpu.enqueue_indirect_dma source(%arg8 : memref<128x128xf32, #tpu.memory_space<vmem>>) target(%dma_start3A_198 : memref<10112x128xf32, #tpu.memory_space<vmem_shared>>) offsets(%dma_start3A_195 : memref<128xi32, #tpu.memory_space<vmem>>) semaphore(%run_scoped3A : memref<!tpu.dma_semaphore, #tpu.memory_space<semaphore_mem>>) {add = true}
          %dma_wait3A_199 = arith.constant 0 : i32
          %dma_wait3A_200 = tpu.memref_slice %arg7[%add3A_160, %dma_wait3A_199] : memref<24x128xi32, #tpu.memory_space<vmem>> -> memref<1x128xi32, #tpu.memory_space<vmem>>
          %dma_wait3A_201 = tpu.memref_squeeze %dma_wait3A_200 : memref<1x128xi32, #tpu.memory_space<vmem>> -> memref<128xi32, #tpu.memory_space<vmem>>
          %dma_wait3A_202 = arith.constant 0 : i32
          %dma_wait3A_203 = arith.constant 0 : i32
          %dma_wait3A_204 = tpu.memref_slice %arg11[%dma_wait3A_202, %dma_wait3A_203] : memref<10112x128xf32, #tpu.memory_space<vmem_shared>> -> memref<10112x128xf32, #tpu.memory_space<vmem_shared>>
          tpu.wait_indirect_dma semaphore(%run_scoped3A : memref<!tpu.dma_semaphore, #tpu.memory_space<semaphore_mem>>) src(%arg8 : memref<128x128xf32, #tpu.memory_space<vmem>>) dst(%dma_wait3A_204 : memref<10112x128xf32, #tpu.memory_space<vmem_shared>>)
          tpu.yield
        }) : () -> ()
        %add3A_167 = arith.constant 2 : i32
        %add3A_168 = arith.addi %add3A_160, %add3A_167 : i32
        %dma_start3A_169 = arith.constant 0 : i32
        %dma_start3A_170 = tpu.memref_slice %arg6[%add3A_168, %dma_start3A_169] : memref<24x128xi32, #tpu.memory_space<vmem>> -> memref<1x128xi32, #tpu.memory_space<vmem>>
        %dma_start3A_171 = tpu.memref_squeeze %dma_start3A_170 : memref<1x128xi32, #tpu.memory_space<vmem>> -> memref<128xi32, #tpu.memory_space<vmem>>
        %dma_start3A_172 = arith.constant 0 : i32
        %dma_start3A_173 = arith.constant 0 : i32
        %dma_start3A_174 = tpu.memref_slice %arg2[%dma_start3A_172, %dma_start3A_173] : memref<10000x128xf32, #tpu.memory_space<hbm>> -> memref<10000x128xf32, #tpu.memory_space<hbm>>
        tpu.enqueue_indirect_dma source(%dma_start3A_174 : memref<10000x128xf32, #tpu.memory_space<hbm>>) target(%arg8 : memref<128x128xf32, #tpu.memory_space<vmem>>) offsets(%dma_start3A_171 : memref<128xi32, #tpu.memory_space<vmem>>) semaphore(%arg12 : memref<!tpu.dma_semaphore, #tpu.memory_space<semaphore_mem>>)
        %mul3A_175 = arith.constant 2 : i32
        %mul3A_176 = arith.muli %mul3A_175, %while3A_156 : i32
        %add3A_177 = arith.constant 1 : i32
        %add3A_178 = arith.addi %mul3A_176, %add3A_177 : i32
        %dma_wait3A_179 = arith.constant 0 : i32
        %dma_wait3A_180 = tpu.memref_slice %arg6[%add3A_178, %dma_wait3A_179] : memref<24x128xi32, #tpu.memory_space<vmem>> -> memref<1x128xi32, #tpu.memory_space<vmem>>
        %dma_wait3A_181 = tpu.memref_squeeze %dma_wait3A_180 : memref<1x128xi32, #tpu.memory_space<vmem>> -> memref<128xi32, #tpu.memory_space<vmem>>
        %dma_wait3A_182 = arith.constant 0 : i32
        %dma_wait3A_183 = arith.constant 0 : i32
        %dma_wait3A_184 = tpu.memref_slice %arg2[%dma_wait3A_182, %dma_wait3A_183] : memref<10000x128xf32, #tpu.memory_space<hbm>> -> memref<10000x128xf32, #tpu.memory_space<hbm>>
        tpu.wait_indirect_dma semaphore(%arg13 : memref<!tpu.dma_semaphore, #tpu.memory_space<semaphore_mem>>) src(%dma_wait3A_184 : memref<10000x128xf32, #tpu.memory_space<hbm>>) dst(%arg9 : memref<128x128xf32, #tpu.memory_space<vmem>>)
        "tpu.region"() ({
          %run_scoped3A = tpu.sem_alloc : memref<!tpu.dma_semaphore, #tpu.memory_space<semaphore_mem>>
          %dma_start3A_193 = arith.constant 0 : i32
          %dma_start3A_194 = tpu.memref_slice %arg7[%add3A_178, %dma_start3A_193] : memref<24x128xi32, #tpu.memory_space<vmem>> -> memref<1x128xi32, #tpu.memory_space<vmem>>
          %dma_start3A_195 = tpu.memref_squeeze %dma_start3A_194 : memref<1x128xi32, #tpu.memory_space<vmem>> -> memref<128xi32, #tpu.memory_space<vmem>>
          %dma_start3A_196 = arith.constant 0 : i32
          %dma_start3A_197 = arith.constant 0 : i32
          %dma_start3A_198 = tpu.memref_slice %arg11[%dma_start3A_196, %dma_start3A_197] : memref<10112x128xf32, #tpu.memory_space<vmem_shared>> -> memref<10112x128xf32, #tpu.memory_space<vmem_shared>>
          tpu.enqueue_indirect_dma source(%arg9 : memref<128x128xf32, #tpu.memory_space<vmem>>) target(%dma_start3A_198 : memref<10112x128xf32, #tpu.memory_space<vmem_shared>>) offsets(%dma_start3A_195 : memref<128xi32, #tpu.memory_space<vmem>>) semaphore(%run_scoped3A : memref<!tpu.dma_semaphore, #tpu.memory_space<semaphore_mem>>) {add = true}
          %dma_wait3A_199 = arith.constant 0 : i32
          %dma_wait3A_200 = tpu.memref_slice %arg7[%add3A_178, %dma_wait3A_199] : memref<24x128xi32, #tpu.memory_space<vmem>> -> memref<1x128xi32, #tpu.memory_space<vmem>>
          %dma_wait3A_201 = tpu.memref_squeeze %dma_wait3A_200 : memref<1x128xi32, #tpu.memory_space<vmem>> -> memref<128xi32, #tpu.memory_space<vmem>>
          %dma_wait3A_202 = arith.constant 0 : i32
          %dma_wait3A_203 = arith.constant 0 : i32
          %dma_wait3A_204 = tpu.memref_slice %arg11[%dma_wait3A_202, %dma_wait3A_203] : memref<10112x128xf32, #tpu.memory_space<vmem_shared>> -> memref<10112x128xf32, #tpu.memory_space<vmem_shared>>
          tpu.wait_indirect_dma semaphore(%run_scoped3A : memref<!tpu.dma_semaphore, #tpu.memory_space<semaphore_mem>>) src(%arg9 : memref<128x128xf32, #tpu.memory_space<vmem>>) dst(%dma_wait3A_204 : memref<10112x128xf32, #tpu.memory_space<vmem_shared>>)
          tpu.yield
        }) : () -> ()
        %add3A_185 = arith.constant 2 : i32
        %add3A_186 = arith.addi %add3A_178, %add3A_185 : i32
        %dma_start3A_187 = arith.constant 0 : i32
        %dma_start3A_188 = tpu.memref_slice %arg6[%add3A_186, %dma_start3A_187] : memref<24x128xi32, #tpu.memory_space<vmem>> -> memref<1x128xi32, #tpu.memory_space<vmem>>
        %dma_start3A_189 = tpu.memref_squeeze %dma_start3A_188 : memref<1x128xi32, #tpu.memory_space<vmem>> -> memref<128xi32, #tpu.memory_space<vmem>>
        %dma_start3A_190 = arith.constant 0 : i32
        %dma_start3A_191 = arith.constant 0 : i32
        %dma_start3A_192 = tpu.memref_slice %arg2[%dma_start3A_190, %dma_start3A_191] : memref<10000x128xf32, #tpu.memory_space<hbm>> -> memref<10000x128xf32, #tpu.memory_space<hbm>>
        tpu.enqueue_indirect_dma source(%dma_start3A_192 : memref<10000x128xf32, #tpu.memory_space<hbm>>) target(%arg9 : memref<128x128xf32, #tpu.memory_space<vmem>>) offsets(%dma_start3A_189 : memref<128xi32, #tpu.memory_space<vmem>>) semaphore(%arg13 : memref<!tpu.dma_semaphore, #tpu.memory_space<semaphore_mem>>)
      }
      %sub3A_137 = arith.constant 2 : i32
      %sub3A_138 = arith.subi %min3A_88, %sub3A_137 : i32
      %add3A_139 = arith.constant 0 : i32
      %add3A_140 = arith.addi %sub3A_138, %add3A_139 : i32
      %dma_wait3A = arith.constant 0 : i32
      %dma_wait3A_141 = tpu.memref_slice %arg6[%add3A_140, %dma_wait3A] : memref<24x128xi32, #tpu.memory_space<vmem>> -> memref<1x128xi32, #tpu.memory_space<vmem>>
      %dma_wait3A_142 = tpu.memref_squeeze %dma_wait3A_141 : memref<1x128xi32, #tpu.memory_space<vmem>> -> memref<128xi32, #tpu.memory_space<vmem>>
      %dma_wait3A_143 = arith.constant 0 : i32
      %dma_wait3A_144 = arith.constant 0 : i32
      %dma_wait3A_145 = tpu.memref_slice %arg2[%dma_wait3A_143, %dma_wait3A_144] : memref<10000x128xf32, #tpu.memory_space<hbm>> -> memref<10000x128xf32, #tpu.memory_space<hbm>>
      tpu.wait_indirect_dma semaphore(%arg12 : memref<!tpu.dma_semaphore, #tpu.memory_space<semaphore_mem>>) src(%dma_wait3A_145 : memref<10000x128xf32, #tpu.memory_space<hbm>>) dst(%arg8 : memref<128x128xf32, #tpu.memory_space<vmem>>)
      "tpu.region"() ({
        %run_scoped3A = tpu.sem_alloc : memref<!tpu.dma_semaphore, #tpu.memory_space<semaphore_mem>>
        %dma_start3A_156 = arith.constant 0 : i32
        %dma_start3A_157 = tpu.memref_slice %arg7[%add3A_140, %dma_start3A_156] : memref<24x128xi32, #tpu.memory_space<vmem>> -> memref<1x128xi32, #tpu.memory_space<vmem>>
        %dma_start3A_158 = tpu.memref_squeeze %dma_start3A_157 : memref<1x128xi32, #tpu.memory_space<vmem>> -> memref<128xi32, #tpu.memory_space<vmem>>
        %dma_start3A_159 = arith.constant 0 : i32
        %dma_start3A_160 = arith.constant 0 : i32
        %dma_start3A_161 = tpu.memref_slice %arg11[%dma_start3A_159, %dma_start3A_160] : memref<10112x128xf32, #tpu.memory_space<vmem_shared>> -> memref<10112x128xf32, #tpu.memory_space<vmem_shared>>
        tpu.enqueue_indirect_dma source(%arg8 : memref<128x128xf32, #tpu.memory_space<vmem>>) target(%dma_start3A_161 : memref<10112x128xf32, #tpu.memory_space<vmem_shared>>) offsets(%dma_start3A_158 : memref<128xi32, #tpu.memory_space<vmem>>) semaphore(%run_scoped3A : memref<!tpu.dma_semaphore, #tpu.memory_space<semaphore_mem>>) {add = true}
        %dma_wait3A_162 = arith.constant 0 : i32
        %dma_wait3A_163 = tpu.memref_slice %arg7[%add3A_140, %dma_wait3A_162] : memref<24x128xi32, #tpu.memory_space<vmem>> -> memref<1x128xi32, #tpu.memory_space<vmem>>
        %dma_wait3A_164 = tpu.memref_squeeze %dma_wait3A_163 : memref<1x128xi32, #tpu.memory_space<vmem>> -> memref<128xi32, #tpu.memory_space<vmem>>
        %dma_wait3A_165 = arith.constant 0 : i32
        %dma_wait3A_166 = arith.constant 0 : i32
        %dma_wait3A_167 = tpu.memref_slice %arg11[%dma_wait3A_165, %dma_wait3A_166] : memref<10112x128xf32, #tpu.memory_space<vmem_shared>> -> memref<10112x128xf32, #tpu.memory_space<vmem_shared>>
        tpu.wait_indirect_dma semaphore(%run_scoped3A : memref<!tpu.dma_semaphore, #tpu.memory_space<semaphore_mem>>) src(%arg8 : memref<128x128xf32, #tpu.memory_space<vmem>>) dst(%dma_wait3A_167 : memref<10112x128xf32, #tpu.memory_space<vmem_shared>>)
        tpu.yield
      }) : () -> ()
      %sub3A_146 = arith.constant 2 : i32
      %sub3A_147 = arith.subi %min3A_88, %sub3A_146 : i32
      %add3A_148 = arith.constant 1 : i32
      %add3A_149 = arith.addi %sub3A_147, %add3A_148 : i32
      %dma_wait3A_150 = arith.constant 0 : i32
      %dma_wait3A_151 = tpu.memref_slice %arg6[%add3A_149, %dma_wait3A_150] : memref<24x128xi32, #tpu.memory_space<vmem>> -> memref<1x128xi32, #tpu.memory_space<vmem>>
      %dma_wait3A_152 = tpu.memref_squeeze %dma_wait3A_151 : memref<1x128xi32, #tpu.memory_space<vmem>> -> memref<128xi32, #tpu.memory_space<vmem>>
      %dma_wait3A_153 = arith.constant 0 : i32
      %dma_wait3A_154 = arith.constant 0 : i32
      %dma_wait3A_155 = tpu.memref_slice %arg2[%dma_wait3A_153, %dma_wait3A_154] : memref<10000x128xf32, #tpu.memory_space<hbm>> -> memref<10000x128xf32, #tpu.memory_space<hbm>>
      tpu.wait_indirect_dma semaphore(%arg13 : memref<!tpu.dma_semaphore, #tpu.memory_space<semaphore_mem>>) src(%dma_wait3A_155 : memref<10000x128xf32, #tpu.memory_space<hbm>>) dst(%arg9 : memref<128x128xf32, #tpu.memory_space<vmem>>)
      "tpu.region"() ({
        %run_scoped3A = tpu.sem_alloc : memref<!tpu.dma_semaphore, #tpu.memory_space<semaphore_mem>>
        %dma_start3A_156 = arith.constant 0 : i32
        %dma_start3A_157 = tpu.memref_slice %arg7[%add3A_149, %dma_start3A_156] : memref<24x128xi32, #tpu.memory_space<vmem>> -> memref<1x128xi32, #tpu.memory_space<vmem>>
        %dma_start3A_158 = tpu.memref_squeeze %dma_start3A_157 : memref<1x128xi32, #tpu.memory_space<vmem>> -> memref<128xi32, #tpu.memory_space<vmem>>
        %dma_start3A_159 = arith.constant 0 : i32
        %dma_start3A_160 = arith.constant 0 : i32
        %dma_start3A_161 = tpu.memref_slice %arg11[%dma_start3A_159, %dma_start3A_160] : memref<10112x128xf32, #tpu.memory_space<vmem_shared>> -> memref<10112x128xf32, #tpu.memory_space<vmem_shared>>
        tpu.enqueue_indirect_dma source(%arg9 : memref<128x128xf32, #tpu.memory_space<vmem>>) target(%dma_start3A_161 : memref<10112x128xf32, #tpu.memory_space<vmem_shared>>) offsets(%dma_start3A_158 : memref<128xi32, #tpu.memory_space<vmem>>) semaphore(%run_scoped3A : memref<!tpu.dma_semaphore, #tpu.memory_space<semaphore_mem>>) {add = true}
        %dma_wait3A_162 = arith.constant 0 : i32
        %dma_wait3A_163 = tpu.memref_slice %arg7[%add3A_149, %dma_wait3A_162] : memref<24x128xi32, #tpu.memory_space<vmem>> -> memref<1x128xi32, #tpu.memory_space<vmem>>
        %dma_wait3A_164 = tpu.memref_squeeze %dma_wait3A_163 : memref<1x128xi32, #tpu.memory_space<vmem>> -> memref<128xi32, #tpu.memory_space<vmem>>
        %dma_wait3A_165 = arith.constant 0 : i32
        %dma_wait3A_166 = arith.constant 0 : i32
        %dma_wait3A_167 = tpu.memref_slice %arg11[%dma_wait3A_165, %dma_wait3A_166] : memref<10112x128xf32, #tpu.memory_space<vmem_shared>> -> memref<10112x128xf32, #tpu.memory_space<vmem_shared>>
        tpu.wait_indirect_dma semaphore(%run_scoped3A : memref<!tpu.dma_semaphore, #tpu.memory_space<semaphore_mem>>) src(%arg9 : memref<128x128xf32, #tpu.memory_space<vmem>>) dst(%dma_wait3A_167 : memref<10112x128xf32, #tpu.memory_space<vmem_shared>>)
        tpu.yield
      }) : () -> ()
    }
    %barrier3A_73 = arith.constant 0 : index
    tpu.barrier barrier_id(%barrier3A_73)
    %mul3A_74 = arith.constant 632 : i32
    %mul3A_75 = arith.muli %arg1, %mul3A_74 : i32
    %mul3A_76 = arith.constant 632 : i32
    %mul3A_77 = arith.muli %arg1, %mul3A_76 : i32
    "tpu.region"() ({
      %run_scoped3A = tpu.sem_alloc : memref<!tpu.dma_semaphore, #tpu.memory_space<semaphore_mem>>
      %dma_start3A = arith.constant 0 : i32
      %dma_start3A_78 = tpu.memref_slice %arg5[%arg0, %mul3A_77, %dma_start3A] : memref<2x10112x128xf32, #tpu.memory_space<hbm>> -> memref<1x632x128xf32, #tpu.memory_space<hbm>>
      %dma_start3A_79 = tpu.memref_squeeze %dma_start3A_78 : memref<1x632x128xf32, #tpu.memory_space<hbm>> -> memref<632x128xf32, #tpu.memory_space<hbm>>
      %dma_start3A_80 = arith.constant 0 : i32
      %dma_start3A_81 = tpu.memref_slice %arg11[%mul3A_75, %dma_start3A_80] : memref<10112x128xf32, #tpu.memory_space<vmem_shared>> -> memref<632x128xf32, #tpu.memory_space<vmem_shared>>
      tpu.enqueue_dma source(%dma_start3A_81 : memref<632x128xf32, #tpu.memory_space<vmem_shared>>) target(%dma_start3A_79 : memref<632x128xf32, #tpu.memory_space<hbm>>) target_semaphore(%run_scoped3A : memref<!tpu.dma_semaphore, #tpu.memory_space<semaphore_mem>>)
      %dma_wait3A = arith.constant 0 : i32
      %dma_wait3A_82 = tpu.memref_slice %arg5[%arg0, %mul3A_77, %dma_wait3A] : memref<2x10112x128xf32, #tpu.memory_space<hbm>> -> memref<1x632x128xf32, #tpu.memory_space<hbm>>
      %dma_wait3A_83 = tpu.memref_squeeze %dma_wait3A_82 : memref<1x632x128xf32, #tpu.memory_space<hbm>> -> memref<632x128xf32, #tpu.memory_space<hbm>>
      %dma_wait3A_84 = arith.constant 0 : i32
      %dma_wait3A_85 = tpu.memref_slice %arg11[%mul3A_75, %dma_wait3A_84] : memref<10112x128xf32, #tpu.memory_space<vmem_shared>> -> memref<632x128xf32, #tpu.memory_space<vmem_shared>>
      tpu.wait_dma2 semaphore(%run_scoped3A : memref<!tpu.dma_semaphore, #tpu.memory_space<semaphore_mem>>) src(%dma_wait3A_85 : memref<632x128xf32, #tpu.memory_space<vmem_shared>>) dst(%dma_wait3A_83 : memref<632x128xf32, #tpu.memory_space<hbm>>)
      tpu.yield
    }) : () -> ()
    return
  }
}

module attributes {stable_mosaic.version = 14 : i64} {
  func.func @_tc1_body(%arg0: i32, %arg1: memref<1000x128xf32, #tpu.memory_space<vmem>>, %arg2: memref<128x64xf32, #tpu.memory_space<vmem>>, %arg3: memref<128x64xf32, #tpu.memory_space<vmem>>, %arg4: memref<1x64xf32, #tpu.memory_space<vmem>>, %arg5: memref<1000x128xf32, #tpu.memory_space<vmem>>, %arg6: memref<1000x64xf32, #tpu.memory_space<vmem>>) attributes {dimension_semantics = [#tpu.dimension_semantics<arbitrary>], iteration_bounds = array<i64: 10>, scalar_prefetch = 0 : i64, scratch_operands = 0 : i64, tpu.core_type = #tpu.core_type<tc>, window_params = [{transform_indices = @transform_0, window_bounds = array<i64: 1000, 128>}, {pipeline_mode = #tpu.pipeline_mode<synchronous>, transform_indices = @transform_1, window_bounds = array<i64: 128, 64>}, {pipeline_mode = #tpu.pipeline_mode<synchronous>, transform_indices = @transform_2, window_bounds = array<i64: 128, 64>}, {pipeline_mode = #tpu.pipeline_mode<synchronous>, transform_indices = @transform_3, window_bounds = array<i64: 1, 64>}, {transform_indices = @transform_4, window_bounds = array<i64: 1000, 128>}, {transform_indices = @transform_5, window_bounds = array<i64: 1000, 64>}]} {
    %get3A = arith.constant 0 : index
    %get3A_0 = arith.constant 0 : index
    %get3A_1 = vector.load %arg1[%get3A, %get3A_0] : memref<1000x128xf32, #tpu.memory_space<vmem>>, vector<1000x128xf32>
    %get3A_2 = arith.constant 0 : index
    %get3A_3 = arith.constant 0 : index
    %get3A_4 = vector.load %arg2[%get3A_2, %get3A_3] : memref<128x64xf32, #tpu.memory_space<vmem>>, vector<128x64xf32>
    %dot_general3A = arith.constant dense<0.000000e+00> : vector<1000x64xf32>
    %dot_general3A_5 = tpu.matmul %get3A_1, %get3A_4, %dot_general3A {dimension_numbers = #tpu.dot_dimension_numbers<[1], [0], [0], [1], [0, 0, 1, 1], [], []>, transpose_lhs_hint = false} : vector<1000x128xf32>, vector<128x64xf32>, vector<1000x64xf32> -> vector<1000x64xf32>
    %broadcast_in_dim3A = arith.constant 1.000000e+00 : f32
    %broadcast_in_dim3A_6 = vector.broadcast %broadcast_in_dim3A : f32 to vector<1000x1xf32>
    %broadcast_in_dim3A_7 = arith.constant 0.000000e+00 : f32
    %broadcast_in_dim3A_8 = vector.broadcast %broadcast_in_dim3A_7 : f32 to vector<1000x63xf32>
    %concatenate3A = tpu.concatenate %dot_general3A_5, %broadcast_in_dim3A_6, %broadcast_in_dim3A_8 in 1 : vector<1000x64xf32>, vector<1000x1xf32>, vector<1000x63xf32> -> vector<1000x128xf32>
    %swap3A = arith.constant 0 : index
    %swap3A_9 = arith.constant 0 : index
    %swap3A_10 = vector.load %arg5[%swap3A, %swap3A_9] : memref<1000x128xf32, #tpu.memory_space<vmem>>, vector<1000x128xf32>
    tpu.vector_store %arg5[%swap3A, %swap3A_9], %concatenate3A {strides = array<i32>} : memref<1000x128xf32, #tpu.memory_space<vmem>>, vector<1000x128xf32>,
    %get3A_11 = arith.constant 0 : index
    %get3A_12 = arith.constant 0 : index
    %get3A_13 = vector.load %arg3[%get3A_11, %get3A_12] : memref<128x64xf32, #tpu.memory_space<vmem>>, vector<128x64xf32>
    %dot_general3A_14 = arith.constant dense<0.000000e+00> : vector<1000x64xf32>
    %dot_general3A_15 = tpu.matmul %get3A_1, %get3A_13, %dot_general3A_14 {dimension_numbers = #tpu.dot_dimension_numbers<[1], [0], [0], [1], [0, 0, 1, 1], [], []>, transpose_lhs_hint = false} : vector<1000x128xf32>, vector<128x64xf32>, vector<1000x64xf32> -> vector<1000x64xf32>
    %get3A_16 = arith.constant 0 : index
    %get3A_17 = arith.constant 0 : index
    %get3A_18 = vector.load %arg4[%get3A_16, %get3A_17] : memref<1x64xf32, #tpu.memory_space<vmem>>, vector<1x64xf32>
    %add3A = vector.broadcast %get3A_18 : vector<1x64xf32> to vector<1000x64xf32>
    %add3A_19 = arith.addf %dot_general3A_15, %add3A : vector<1000x64xf32>
    %swap3A_20 = arith.constant 0 : index
    %swap3A_21 = arith.constant 0 : index
    %swap3A_22 = vector.load %arg6[%swap3A_20, %swap3A_21] : memref<1000x64xf32, #tpu.memory_space<vmem>>, vector<1000x64xf32>
    tpu.vector_store %arg6[%swap3A_20, %swap3A_21], %add3A_19 {strides = array<i32>} : memref<1000x64xf32, #tpu.memory_space<vmem>>, vector<1000x64xf32>,
    return
  }
  func.func @transform_0(%arg0: i32) -> (i32, i32) {
    %c0_i32 = arith.constant 0 : i32
    %c0_i32_0 = arith.constant 0 : i32
    return %arg0, %c0_i32 : i32, i32
  }
  func.func @transform_1(%arg0: i32) -> (i32, i32) {
    %c0_i32 = arith.constant 0 : i32
    %c0_i32_0 = arith.constant 0 : i32
    %c0_i32_1 = arith.constant 0 : i32
    return %c0_i32, %c0_i32_0 : i32, i32
  }
  func.func @transform_2(%arg0: i32) -> (i32, i32) {
    %c0_i32 = arith.constant 0 : i32
    %c0_i32_0 = arith.constant 0 : i32
    %c0_i32_1 = arith.constant 0 : i32
    return %c0_i32, %c0_i32_0 : i32, i32
  }
  func.func @transform_3(%arg0: i32) -> (i32, i32) {
    %c0_i32 = arith.constant 0 : i32
    %c0_i32_0 = arith.constant 0 : i32
    %c0_i32_1 = arith.constant 0 : i32
    return %c0_i32, %c0_i32_0 : i32, i32
  }
  func.func @transform_4(%arg0: i32) -> (i32, i32) {
    %c0_i32 = arith.constant 0 : i32
    %c0_i32_0 = arith.constant 0 : i32
    return %arg0, %c0_i32 : i32, i32
  }
  func.func @transform_5(%arg0: i32) -> (i32, i32) {
    %c0_i32 = arith.constant 0 : i32
    %c0_i32_0 = arith.constant 0 : i32
    return %arg0, %c0_i32 : i32, i32
  }
}

module attributes {stable_mosaic.version = 14 : i64} {
  func.func @_tc2_body(%arg0: i32, %arg1: memref<1x1000x128xf32, #tpu.memory_space<vmem>>, %arg2: memref<1x1000x128xf32, #tpu.memory_space<vmem>>, %arg3: memref<1000x64xf32, #tpu.memory_space<vmem>>, %arg4: memref<64x32xf32, #tpu.memory_space<vmem>>, %arg5: memref<64x32xf32, #tpu.memory_space<vmem>>, %arg6: memref<1x32xf32, #tpu.memory_space<vmem>>, %arg7: memref<1000x128xf32, #tpu.memory_space<vmem>>, %arg8: memref<1000x32xf32, #tpu.memory_space<vmem>>, %arg9: memref<1000x1xf32, #tpu.memory_space<vmem>>) attributes {dimension_semantics = [#tpu.dimension_semantics<arbitrary>], iteration_bounds = array<i64: 10>, scalar_prefetch = 0 : i64, scratch_operands = 0 : i64, tpu.core_type = #tpu.core_type<tc>, window_params = [{transform_indices = @transform_0, window_bounds = array<i64: 1, 1000, 128>}, {transform_indices = @transform_1, window_bounds = array<i64: 1, 1000, 128>}, {transform_indices = @transform_2, window_bounds = array<i64: 1000, 64>}, {pipeline_mode = #tpu.pipeline_mode<synchronous>, transform_indices = @transform_3, window_bounds = array<i64: 64, 32>}, {pipeline_mode = #tpu.pipeline_mode<synchronous>, transform_indices = @transform_4, window_bounds = array<i64: 64, 32>}, {pipeline_mode = #tpu.pipeline_mode<synchronous>, transform_indices = @transform_5, window_bounds = array<i64: 1, 32>}, {transform_indices = @transform_6, window_bounds = array<i64: 1000, 128>}, {transform_indices = @transform_7, window_bounds = array<i64: 1000, 32>}, {transform_indices = @transform_8, window_bounds = array<i64: 1000, 1>}]} {
    %get3A = arith.constant 0 : index
    %get3A_0 = arith.constant 0 : index
    %get3A_1 = arith.constant 0 : index
    %get3A_2 = vector.load %arg1[%get3A, %get3A_0, %get3A_1] : memref<1x1000x128xf32, #tpu.memory_space<vmem>>, vector<1x1000x128xf32>
    %get3A_3 = vector.shape_cast %get3A_2 : vector<1x1000x128xf32> to vector<1000x128xf32>
    %get3A_4 = arith.constant 0 : index
    %get3A_5 = arith.constant 0 : index
    %get3A_6 = arith.constant 0 : index
    %get3A_7 = vector.load %arg2[%get3A_4, %get3A_5, %get3A_6] : memref<1x1000x128xf32, #tpu.memory_space<vmem>>, vector<1x1000x128xf32>
    %get3A_8 = vector.shape_cast %get3A_7 : vector<1x1000x128xf32> to vector<1000x128xf32>
    %add3A = arith.addf %get3A_3, %get3A_8 : vector<1000x128xf32>
    %slice3A = vector.extract_strided_slice %add3A {offsets = [0, 64], sizes = [1000, 1], strides = [1, 1]} : vector<1000x128xf32> to vector<1000x1xf32>
    %max3A = arith.constant 1.000000e+00 : f32
    %max3A_9 = vector.broadcast %max3A : f32 to vector<1000x1xf32>
    %max3A_10 = arith.maximumf %slice3A, %max3A_9 : vector<1000x1xf32>
    %div3A = arith.constant 1.000000e+00 : f32
    %div3A_11 = vector.broadcast %div3A : f32 to vector<1000x1xf32>
    %div3A_12 = arith.divf %div3A_11, %max3A_10 : vector<1000x1xf32>
    %slice3A_13 = vector.extract_strided_slice %add3A {offsets = [0, 0], sizes = [1000, 64], strides = [1, 1]} : vector<1000x128xf32> to vector<1000x64xf32>
    %mul3A = vector.broadcast %div3A_12 : vector<1000x1xf32> to vector<1000x64xf32>
    %mul3A_14 = arith.mulf %slice3A_13, %mul3A : vector<1000x64xf32>
    %get3A_15 = arith.constant 0 : index
    %get3A_16 = arith.constant 0 : index
    %get3A_17 = vector.load %arg3[%get3A_15, %get3A_16] : memref<1000x64xf32, #tpu.memory_space<vmem>>, vector<1000x64xf32>
    %add3A_18 = arith.addf %mul3A_14, %get3A_17 : vector<1000x64xf32>
    %max3A_19 = arith.constant 0.000000e+00 : f32
    %max3A_20 = vector.broadcast %max3A_19 : f32 to vector<1000x64xf32>
    %max3A_21 = arith.maximumf %add3A_18, %max3A_20 : vector<1000x64xf32>
    %get3A_22 = arith.constant 0 : index
    %get3A_23 = arith.constant 0 : index
    %get3A_24 = vector.load %arg4[%get3A_22, %get3A_23] : memref<64x32xf32, #tpu.memory_space<vmem>>, vector<64x32xf32>
    %dot_general3A = arith.constant dense<0.000000e+00> : vector<1000x32xf32>
    %dot_general3A_25 = tpu.matmul %max3A_21, %get3A_24, %dot_general3A {dimension_numbers = #tpu.dot_dimension_numbers<[1], [0], [0], [1], [0, 0, 1, 1], [], []>, transpose_lhs_hint = false} : vector<1000x64xf32>, vector<64x32xf32>, vector<1000x32xf32> -> vector<1000x32xf32>
    %broadcast_in_dim3A = arith.constant 0.000000e+00 : f32
    %broadcast_in_dim3A_26 = vector.broadcast %broadcast_in_dim3A : f32 to vector<1000x96xf32>
    %concatenate3A = tpu.concatenate %dot_general3A_25, %broadcast_in_dim3A_26 in 1 : vector<1000x32xf32>, vector<1000x96xf32> -> vector<1000x128xf32>
    %swap3A = arith.constant 0 : index
    %swap3A_27 = arith.constant 0 : index
    %swap3A_28 = vector.load %arg7[%swap3A, %swap3A_27] : memref<1000x128xf32, #tpu.memory_space<vmem>>, vector<1000x128xf32>
    tpu.vector_store %arg7[%swap3A, %swap3A_27], %concatenate3A {strides = array<i32>} : memref<1000x128xf32, #tpu.memory_space<vmem>>, vector<1000x128xf32>,
    %get3A_29 = arith.constant 0 : index
    %get3A_30 = arith.constant 0 : index
    %get3A_31 = vector.load %arg5[%get3A_29, %get3A_30] : memref<64x32xf32, #tpu.memory_space<vmem>>, vector<64x32xf32>
    %dot_general3A_32 = arith.constant dense<0.000000e+00> : vector<1000x32xf32>
    %dot_general3A_33 = tpu.matmul %max3A_21, %get3A_31, %dot_general3A_32 {dimension_numbers = #tpu.dot_dimension_numbers<[1], [0], [0], [1], [0, 0, 1, 1], [], []>, transpose_lhs_hint = false} : vector<1000x64xf32>, vector<64x32xf32>, vector<1000x32xf32> -> vector<1000x32xf32>
    %get3A_34 = arith.constant 0 : index
    %get3A_35 = arith.constant 0 : index
    %get3A_36 = vector.load %arg6[%get3A_34, %get3A_35] : memref<1x32xf32, #tpu.memory_space<vmem>>, vector<1x32xf32>
    %add3A_37 = vector.broadcast %get3A_36 : vector<1x32xf32> to vector<1000x32xf32>
    %add3A_38 = arith.addf %dot_general3A_33, %add3A_37 : vector<1000x32xf32>
    %swap3A_39 = arith.constant 0 : index
    %swap3A_40 = arith.constant 0 : index
    %swap3A_41 = vector.load %arg8[%swap3A_39, %swap3A_40] : memref<1000x32xf32, #tpu.memory_space<vmem>>, vector<1000x32xf32>
    tpu.vector_store %arg8[%swap3A_39, %swap3A_40], %add3A_38 {strides = array<i32>} : memref<1000x32xf32, #tpu.memory_space<vmem>>, vector<1000x32xf32>,
    %swap3A_42 = arith.constant 0 : index
    %swap3A_43 = arith.constant 0 : index
    %swap3A_44 = vector.load %arg9[%swap3A_42, %swap3A_43] : memref<1000x1xf32, #tpu.memory_space<vmem>>, vector<1000x1xf32>
    tpu.vector_store %arg9[%swap3A_42, %swap3A_43], %div3A_12 {strides = array<i32>} : memref<1000x1xf32, #tpu.memory_space<vmem>>, vector<1000x1xf32>,
    return
  }
  func.func @transform_0(%arg0: i32) -> (i32, i32, i32) {
    %c0_i32 = arith.constant 0 : i32
    %c0_i32_0 = arith.constant 0 : i32
    %c0_i32_1 = arith.constant 0 : i32
    return %c0_i32, %arg0, %c0_i32_0 : i32, i32, i32
  }
  func.func @transform_1(%arg0: i32) -> (i32, i32, i32) {
    %c1_i32 = arith.constant 1 : i32
    %c0_i32 = arith.constant 0 : i32
    %c0_i32_0 = arith.constant 0 : i32
    return %c1_i32, %arg0, %c0_i32 : i32, i32, i32
  }
  func.func @transform_2(%arg0: i32) -> (i32, i32) {
    %c0_i32 = arith.constant 0 : i32
    %c0_i32_0 = arith.constant 0 : i32
    return %arg0, %c0_i32 : i32, i32
  }
  func.func @transform_3(%arg0: i32) -> (i32, i32) {
    %c0_i32 = arith.constant 0 : i32
    %c0_i32_0 = arith.constant 0 : i32
    %c0_i32_1 = arith.constant 0 : i32
    return %c0_i32, %c0_i32_0 : i32, i32
  }
  func.func @transform_4(%arg0: i32) -> (i32, i32) {
    %c0_i32 = arith.constant 0 : i32
    %c0_i32_0 = arith.constant 0 : i32
    %c0_i32_1 = arith.constant 0 : i32
    return %c0_i32, %c0_i32_0 : i32, i32
  }
  func.func @transform_5(%arg0: i32) -> (i32, i32) {
    %c0_i32 = arith.constant 0 : i32
    %c0_i32_0 = arith.constant 0 : i32
    %c0_i32_1 = arith.constant 0 : i32
    return %c0_i32, %c0_i32_0 : i32, i32
  }
  func.func @transform_6(%arg0: i32) -> (i32, i32) {
    %c0_i32 = arith.constant 0 : i32
    %c0_i32_0 = arith.constant 0 : i32
    return %arg0, %c0_i32 : i32, i32
  }
  func.func @transform_7(%arg0: i32) -> (i32, i32) {
    %c0_i32 = arith.constant 0 : i32
    %c0_i32_0 = arith.constant 0 : i32
    return %arg0, %c0_i32 : i32, i32
  }
  func.func @transform_8(%arg0: i32) -> (i32, i32) {
    %c0_i32 = arith.constant 0 : i32
    %c0_i32_0 = arith.constant 0 : i32
    return %arg0, %c0_i32 : i32, i32
  }
}

module attributes {stable_mosaic.version = 14 : i64} {
  func.func @_tc3_body(%arg0: i32, %arg1: memref<1x1000x128xf32, #tpu.memory_space<vmem>>, %arg2: memref<1x1000x128xf32, #tpu.memory_space<vmem>>, %arg3: memref<1000x1xf32, #tpu.memory_space<vmem>>, %arg4: memref<1000x32xf32, #tpu.memory_space<vmem>>, %arg5: memref<32x1xf32, #tpu.memory_space<vmem>>, %arg6: memref<1x1xf32, #tpu.memory_space<vmem>>, %arg7: memref<1000x1xf32, #tpu.memory_space<vmem>>) attributes {dimension_semantics = [#tpu.dimension_semantics<arbitrary>], iteration_bounds = array<i64: 10>, scalar_prefetch = 0 : i64, scratch_operands = 0 : i64, tpu.core_type = #tpu.core_type<tc>, window_params = [{transform_indices = @transform_0, window_bounds = array<i64: 1, 1000, 128>}, {transform_indices = @transform_1, window_bounds = array<i64: 1, 1000, 128>}, {transform_indices = @transform_2, window_bounds = array<i64: 1000, 1>}, {transform_indices = @transform_3, window_bounds = array<i64: 1000, 32>}, {pipeline_mode = #tpu.pipeline_mode<synchronous>, transform_indices = @transform_4, window_bounds = array<i64: 32, 1>}, {pipeline_mode = #tpu.pipeline_mode<synchronous>, transform_indices = @transform_5, window_bounds = array<i64: 1, 1>}, {transform_indices = @transform_6, window_bounds = array<i64: 1000, 1>}]} {
    %get3A = arith.constant 0 : index
    %get3A_0 = arith.constant 0 : index
    %get3A_1 = arith.constant 0 : index
    %get3A_2 = vector.load %arg1[%get3A, %get3A_0, %get3A_1] : memref<1x1000x128xf32, #tpu.memory_space<vmem>>, vector<1x1000x32xf32>
    %get3A_3 = vector.shape_cast %get3A_2 : vector<1x1000x32xf32> to vector<1000x32xf32>
    %get3A_4 = arith.constant 0 : index
    %get3A_5 = arith.constant 0 : index
    %get3A_6 = arith.constant 0 : index
    %get3A_7 = vector.load %arg2[%get3A_4, %get3A_5, %get3A_6] : memref<1x1000x128xf32, #tpu.memory_space<vmem>>, vector<1x1000x32xf32>
    %get3A_8 = vector.shape_cast %get3A_7 : vector<1x1000x32xf32> to vector<1000x32xf32>
    %add3A = arith.addf %get3A_3, %get3A_8 : vector<1000x32xf32>
    %get3A_9 = arith.constant 0 : index
    %get3A_10 = arith.constant 0 : index
    %get3A_11 = vector.load %arg3[%get3A_9, %get3A_10] : memref<1000x1xf32, #tpu.memory_space<vmem>>, vector<1000x1xf32>
    %mul3A = vector.broadcast %get3A_11 : vector<1000x1xf32> to vector<1000x32xf32>
    %mul3A_12 = arith.mulf %add3A, %mul3A : vector<1000x32xf32>
    %get3A_13 = arith.constant 0 : index
    %get3A_14 = arith.constant 0 : index
    %get3A_15 = vector.load %arg4[%get3A_13, %get3A_14] : memref<1000x32xf32, #tpu.memory_space<vmem>>, vector<1000x32xf32>
    %add3A_16 = arith.addf %mul3A_12, %get3A_15 : vector<1000x32xf32>
    %max3A = arith.constant 0.000000e+00 : f32
    %max3A_17 = vector.broadcast %max3A : f32 to vector<1000x32xf32>
    %max3A_18 = arith.maximumf %add3A_16, %max3A_17 : vector<1000x32xf32>
    %get3A_19 = arith.constant 0 : index
    %get3A_20 = arith.constant 0 : index
    %get3A_21 = vector.load %arg5[%get3A_19, %get3A_20] : memref<32x1xf32, #tpu.memory_space<vmem>>, vector<32x1xf32>
    %dot_general3A = arith.constant dense<0.000000e+00> : vector<1000x1xf32>
    %dot_general3A_22 = tpu.matmul %max3A_18, %get3A_21, %dot_general3A {dimension_numbers = #tpu.dot_dimension_numbers<[1], [0], [0], [1], [0, 0, 1, 1], [], []>, transpose_lhs_hint = false} : vector<1000x32xf32>, vector<32x1xf32>, vector<1000x1xf32> -> vector<1000x1xf32>
    %get3A_23 = arith.constant 0 : index
    %get3A_24 = arith.constant 0 : index
    %get3A_25 = vector.load %arg6[%get3A_23, %get3A_24] : memref<1x1xf32, #tpu.memory_space<vmem>>, vector<1x1xf32>
    %add3A_26 = vector.broadcast %get3A_25 : vector<1x1xf32> to vector<1000x1xf32>
    %add3A_27 = arith.addf %dot_general3A_22, %add3A_26 : vector<1000x1xf32>
    %swap3A = arith.constant 0 : index
    %swap3A_28 = arith.constant 0 : index
    %swap3A_29 = vector.load %arg7[%swap3A, %swap3A_28] : memref<1000x1xf32, #tpu.memory_space<vmem>>, vector<1000x1xf32>
    tpu.vector_store %arg7[%swap3A, %swap3A_28], %add3A_27 {strides = array<i32>} : memref<1000x1xf32, #tpu.memory_space<vmem>>, vector<1000x1xf32>,
    return
  }
  func.func @transform_0(%arg0: i32) -> (i32, i32, i32) {
    %c0_i32 = arith.constant 0 : i32
    %c0_i32_0 = arith.constant 0 : i32
    %c0_i32_1 = arith.constant 0 : i32
    return %c0_i32, %arg0, %c0_i32_0 : i32, i32, i32
  }
  func.func @transform_1(%arg0: i32) -> (i32, i32, i32) {
    %c1_i32 = arith.constant 1 : i32
    %c0_i32 = arith.constant 0 : i32
    %c0_i32_0 = arith.constant 0 : i32
    return %c1_i32, %arg0, %c0_i32 : i32, i32, i32
  }
  func.func @transform_2(%arg0: i32) -> (i32, i32) {
    %c0_i32 = arith.constant 0 : i32
    %c0_i32_0 = arith.constant 0 : i32
    return %arg0, %c0_i32 : i32, i32
  }
  func.func @transform_3(%arg0: i32) -> (i32, i32) {
    %c0_i32 = arith.constant 0 : i32
    %c0_i32_0 = arith.constant 0 : i32
    return %arg0, %c0_i32 : i32, i32
  }
  func.func @transform_4(%arg0: i32) -> (i32, i32) {
    %c0_i32 = arith.constant 0 : i32
    %c0_i32_0 = arith.constant 0 : i32
    %c0_i32_1 = arith.constant 0 : i32
    return %c0_i32, %c0_i32_0 : i32, i32
  }
  func.func @transform_5(%arg0: i32) -> (i32, i32) {
    %c0_i32 = arith.constant 0 : i32
    %c0_i32_0 = arith.constant 0 : i32
    %c0_i32_1 = arith.constant 0 : i32
    return %c0_i32, %c0_i32_0 : i32, i32
  }
  func.func @transform_6(%arg0: i32) -> (i32, i32) {
    %c0_i32 = arith.constant 0 : i32
    %c0_i32_0 = arith.constant 0 : i32
    return %arg0, %c0_i32 : i32, i32
  }
}

</mosaic_0001>

<sc_bundles>
// kernel: sc_agg1.3.cloned.1.call-start
scs
__scs_entry_jumppad:
0x0: {  	(pc) =	sbr.rel $0x88, $3  }
0x1: {  	(tag) =	ssettag $0x0;
	lr =	simm.s32 $0x1  }
0x2: {  	[smem:$0x3F97] =	sst lr;
	_ =	strace $0xD0000000  }
0x3: {  	_ = 	snop  }
0x4: {  	_ = 	snop  }
0x5: {  	_ = 	snop  }
0x6: {  	_ = 	snop  }
0x7: {  	_ = 	snop  }
__scs_overlays_trampoline_lowered:
0x8: {  	[smem:$0x3FA6] =	sst s0  }
0x9: {  	[smem:$0x3FA7] =	sst s1  }
0xa: {  	[smem:$0x3FA8] =	sst s2  }
0xb: {  	[smem:$0x3FA9] =	sst s3  }
0xc: {  	[smem:$0x3FAA] =	sst s4  }
0xd: {  	[smem:$0x3FAB] =	sst s5  }
0xe: {  	[smem:$0x3FAC] =	sst s6  }
0xf: {  	[smem:$0x3FAD] =	sst s7  }
0x10: {  	[smem:$0x3FAE] =	sst s8  }
0x11: {  	[smem:$0x3FAF] =	sst s9;
	s0 =	simm.s32 @!p0 $0x0  }
0x12: {  	s1 =	sld [smem:$0x3F95];
	s0 =	simm.s32 @p0 $0x1  }
0x13: {  	[smem:$0x3FB0] =	sst s0;
	s0 =	simm.s32 @!p1 $0x0  }
0x14: {  	s2 =	sld [smem:$0x3F94];
	s0 =	simm.s32 @p1 $0x1  }
0x15: {  	[smem:$0x3FB1] =	sst s0;
	s0 =	simm.s32 @!p2 $0x0  }
0x16: {  	s3 =	sld [smem:$0x3FDB];
	s0 =	simm.s32 @p2 $0x1  }
0x17: {  	s4 =	simm.s32 $0x1BF5;
	[smem:$0x3FB3] =	sst s0  }
0x18: {  	s0 =	sld [smem:$0x3F96];
	_ =	swait.ge [sflag:s4], $0x0  }
0x19: {  	s7 =	sld [smem:$0x3F97]  }
0x1a: {  	s8 =	sadd.s32 $0xFFFFE003, lr  }
0x1b: {  	s9 =	sadd.s32 $0xFFFFFEF7, lr;
	s5 =	simm.s32 $0xFFFFFFFF;
	p2 =	slt.u32 s8, $0xFFFFF086  }
0x1c: {  	p1 =	slt.u32 s9, $0xF7A;
	s5 =	simm.s32 @!p2 $0x0  }
0x1d: {  	s5 =	simm.s32 @p1 $0x1;
	p0 =	seq.s32 s7, s2  }
0x1e: {  	s7 =	smul.u32 @!p0 $0xF7A, s2;
	p2 =	seq.s32 @!p0 s5, $0x0  }
0x1f: {  	s9 =	smul.u32 $0xF7A, s1;
	s8 =	simm.s32 @!p0 $0x1BF5;
	p2 =	por !p2, p0  }
0x20: {  	[sflag:s8] =	ssyncset.s32 @!p0 $0xFFFFF086;
	s6 =	sadd.s32 @!p0 s3, s7;
	s7 =	simm.s32 @!p0 $0x108  }
0x21: {  	s3 =	sadd.s32 s3, s9;
	s6 =	sadd.s32 @!p0 $0x88, s6;
	s7 =	simm.s32 @p2 $0x1082  }
0x22: {  	[simem:s7], [sflag:s8] =	dma.local @!p0 [hbm:s6], $0xF7A  }
0x23: {  	s9 =	sor.u32 $0xD0000000, s2;
	s6 =	simm.s32 $0x108;
	_ =	swait.ge @!p0 [sflag:s8], $0x0  }
0x24: {  	s3 =	sadd.s32 $0x88, s3;
	s6 =	simm.s32 @!p1 $0x1082;
	[sflag:s4] =	ssyncset.s32 $0xFFFFF086  }
0x25: {  	[simem:s6], [sflag:s4] =	dma.local [hbm:s3], $0xF7A  }
0x26: {  	[smem:$0x3F97] =	sst s1;
	(tag) =	ssettag s2;
	_ =	strace s9  }
0x27: {  	s1 =	sld [smem:$0x3FA7]  }
0x28: {  	s2 =	sld [smem:$0x3FA8]  }
0x29: {  	s4 =	sld [smem:$0x3FAA]  }
0x2a: {  	p0 =	seq.s32 s5, $0x0;
	s5 =	sld [smem:$0x3FAB]  }
0x2b: {  	s6 =	sld [smem:$0x3FAC]  }
0x2c: {  	s7 =	sld [smem:$0x3FAD]  }
0x2d: {  	s3 =	simm.s32 $0x108;
	s8 =	sld [smem:$0x3FAE]  }
0x2e: {  	s3 =	simm.s32 @!p0 $0x1082;
	s9 =	sld [smem:$0x3FAF]  }
0x2f: {  	lr =	sadd.s32 s0, s3;
	s0 =	sld [smem:$0x3FA6]  }
0x30: {  	s3 =	sld [smem:$0x3FA9]  }
0x31: {  	[smem:$0x3FB2] =	sst s10  }
0x32: {  	s10 =	sld [smem:$0x3FB0];
	_ =	sdelay $0x3  }
0x33: {  	p0 =	seq.s32 s10, $0x1;
	s10 =	sld [smem:$0x3FB2];
	_ =	sdelay $0x3  }
0x34: {  	[smem:$0x3FB2] =	sst s10  }
0x35: {  	s10 =	sld [smem:$0x3FB1];
	_ =	sdelay $0x3  }
0x36: {  	p1 =	seq.s32 s10, $0x1;
	s10 =	sld [smem:$0x3FB2];
	_ =	sdelay $0x3  }
0x37: {  	[smem:$0x3FB2] =	sst s10  }
0x38: {  	s10 =	sld [smem:$0x3FB3]  }
0x39: {  	_ = 	snop;
	(pc) =	sbr.ind lr, $3  }
0x3a: {  	_ = 	snop  }
0x3b: {  	_ = 	snop  }
0x3c: {  	p2 =	seq.s32 s10, $0x1;
	s10 =	sld [smem:$0x3FB2]  }
0x3d: {  	_ =	shalt  }
0x3e: {  	_ =	shalt  }
0x3f: {  	_ =	shalt  }
0x40: {  	_ =	shalt  }
0x41: {  	_ =	shalt  }
0x42: {  	_ =	shalt  }
0x43: {  	_ =	shalt  }
0x44: {  	_ =	shalt  }
0x45: {  	_ =	shalt  }
0x46: {  	_ =	shalt  }
0x47: {  	_ =	shalt  }
0x48: {  	_ =	shalt  }
0x49: {  	_ =	shalt  }
0x4a: {  	_ =	shalt  }
0x4b: {  	_ =	shalt  }
0x4c: {  	_ =	shalt  }
0x4d: {  	_ =	shalt  }
0x4e: {  	_ =	shalt  }
0x4f: {  	_ =	shalt  }
0x50: {  	_ =	shalt  }
0x51: {  	_ =	shalt  }
0x52: {  	_ =	shalt  }
0x53: {  	_ =	shalt  }
0x54: {  	_ =	shalt  }
0x55: {  	_ =	shalt  }
0x56: {  	_ =	shalt  }
0x57: {  	_ =	shalt  }
0x58: {  	_ =	shalt  }
0x59: {  	_ =	shalt  }
0x5a: {  	_ =	shalt  }
0x5b: {  	_ =	shalt  }
0x5c: {  	_ =	shalt  }
0x5d: {  	_ =	shalt  }
0x5e: {  	_ =	shalt  }
0x5f: {  	_ =	shalt  }
0x60: {  	_ =	shalt  }
0x61: {  	_ =	shalt  }
0x62: {  	_ =	shalt  }
0x63: {  	_ =	shalt  }
0x64: {  	_ =	shalt  }
0x65: {  	_ =	shalt  }
0x66: {  	_ =	shalt  }
0x67: {  	_ =	shalt  }
0x68: {  	_ =	shalt  }
0x69: {  	_ =	shalt  }
0x6a: {  	_ =	shalt  }
0x6b: {  	_ =	shalt  }
0x6c: {  	_ =	shalt  }
0x6d: {  	_ =	shalt  }
0x6e: {  	_ =	shalt  }
0x6f: {  	_ =	shalt  }
0x70: {  	_ =	shalt  }
0x71: {  	_ =	shalt  }
0x72: {  	_ =	shalt  }
0x73: {  	_ =	shalt  }
0x74: {  	_ =	shalt  }
0x75: {  	_ =	shalt  }
0x76: {  	_ =	shalt  }
0x77: {  	_ =	shalt  }
0x78: {  	_ =	shalt  }
0x79: {  	_ =	shalt  }
0x7a: {  	_ =	shalt  }
0x7b: {  	_ =	shalt  }
0x7c: {  	_ =	shalt  }
0x7d: {  	_ =	shalt  }
0x7e: {  	_ =	shalt  }
0x7f: {  	_ =	shalt  }
0x80: {  	_ =	shalt  }
0x81: {  	_ =	shalt  }
0x82: {  	_ =	shalt  }
0x83: {  	_ =	shalt  }
0x84: {  	_ =	shalt  }
0x85: {  	_ =	shalt  }
0x86: {  	_ =	shalt  }
0x87: {  	_ =	shalt  }
.Lfunc_end0:
.L_simem_size_0:
called_computation_lowered:
.L_overlay_start_0:
0x88: {  	s2 =	sld [smem:$0x3FD9]  }
0x89: {  	s3 =	sld [smem:$0x3FFE];
	_ =	sdelay $0x1  }
0x8a: {  	s1 =	srdreg.scid  }
0x8b: {  	s0 =	sand.u32 $0x1, s1  }
0x8c: {  	s16 =	sshll.u32 s0, $0xA;
	s2 =	sadd.s32 s3, s2  }
0x8d: {  	s2 =	sadd.s32 s2, s16  }
0x8e: {  	[smem:$0x3FBE] =	sst s2  }
0x8f: {  	_ = 	snop  }
0x90: {  	(tm) =	ssettm $0x1  }
0x91: {  	s17 =	sld [smem:$0x3FFB];
	_ =	sdelay $0x3  }
0x92: {  	_ =	strace s17  }
0x93: {  	s2 =	sld [smem:$0x3FFC];
	_ =	sdelay $0x3  }
0x94: {  	_ =	strace s2  }
0x95: {  	s2 =	sld [smem:$0x3FFD];
	_ =	sdelay $0x3  }
0x96: {  	_ =	strace s2  }
0x97: {  	_ =	strace $0x8FFFFFFF  }
0x98: {  	s18 =	sld [smem:$0x3FDB];
	_ =	sdelay $0x1  }
0x99: {  	s19 =	simm.s32 $_scs_section_size  }
0x9a: {  	s4 =	simm.s32 $_size__tile_overlayer_lowered;
	s5 =	simm.s32 $_tile_overlayer_lowered  }
0x9b: {  	s22 =	simm.s32 $0x1BFF;
	s21 =	sshll.u32 s5, $0x1;
	s2 =	sadd.s32 s19, s18  }
0x9c: {  	s6 =	simm.s32 $0x0;
	s20 =	sshll.u32 s4, $0x1;
	s4 =	sadd.s32 s21, s2  }
0x9d: {  	[timem:s6], [sflag:s22] =	dma.local [hbm:s4], s20  }
0x9e: {  	_ =	swait.ge [sflag:s22], s20  }
0x9f: {  	s3 =	ssub.s32 $0x0, s20;
	[sflag:s22] =	ssyncset.done $0x0  }
0xa0: {  	[sflag:s22] =	ssyncadd.s32 s3;
	_ =	sdelay $0x1  }
0xa1: {  	s23 =	simm.s32 $0x1B8B  }
0xa2: {  	_ =	swait.ge [sflag:s23], $0x1  }
0xa3: {  	[sflag:s23] =	ssyncset.done $0x0  }
0xa4: {  	s25 =	simm.s32 $0x1B8E;
	s24 =	sld [smem:$0x3FFE];
	[sflag:s23] =	ssyncadd.s32 $0xFFFFFFFF  }
0xa5: {  	s26 =	simm.s32 $execute0_lowered;
	[smem:$0x3FD2] =	sst s25  }
0xa6: {  	s4 =	sshll.u32 s26, $0x1;
	_ =	strace $0x80000046;
	[dreg:$0x1] =	wrdreg $0xFFFFFFFF  }
0xa7: {  	s28 =	simm.s32 $_size_execute0_lowered;
	s2 =	sadd.s32 s2, s4;
	[dreg:$0x0] =	wrdreg $0x0  }
0xa8: {  	s4 =	sshll.u32 s28, $0x1;
	[dreg:$0x2] =	wrdreg s2  }
0xa9: {  	[dreg:$0x3] =	wrdreg s4  }
0xaa: {  	[dreg:$0x4] =	wrdreg $0xC0  }
0xab: {  	_ =	task [dreg:s6], $0x5FFFF  }
0xac: {  	[dreg:$0x1] =	wrdreg $0xFFFFFFFF  }
0xad: {  	[dreg:$0x0] =	wrdreg $0x60  }
0xae: {  	[dreg:$0x2] =	wrdreg s24  }
0xaf: {  	[dreg:$0x3] =	wrdreg $0xC0000  }
0xb0: {  	[dreg:$0x4] =	wrdreg $0x9  }
0xb1: {  	_ =	task.clear_ibuf [dreg:s6], $0x5FFFF;
	_ =	strace $0x90000046  }
0xb2: {  	s29 =	simm.s32 $0x9;
	_ =	strace $0x80000048  }
0xb3: {  	_ =	swait.ge [sflag:s29], $0x1  }
0xb4: {  	[sflag:s29] =	ssyncadd.s32 $0xFFFFFFFF  }
0xb5: {  	_ =	strace $0x90000048  }
0xb6: {  	_ =	sfence  }
0xb7: {  	s30 =	sld [smem:$0x0];
	_ =	sdelay $0x2  }
0xb8: {  	s31 =	sshll.u32 s1, $0xD;
	s1 =	sshrl.u32 s1, $0x2  }
0xb9: {  	s3 =	sand.u32 $0x4000, s31;
	s1 =	sadd.s32 s1, s30  }
0xba: {  	s0 =	sor.u32 s3, s0;
	s1 =	sshll.u32 s1, $0x11  }
0xbb: {  	s0 =	sor.u32 s1, s0  }
0xbc: {  	s0 =	sadd.s32 $0x8F2B, s0  }
0xbd: {  	[sflag:s0] =	ssyncadd.remote.s32 $0x1  }
0xbe: {  	_ =	sfence.sel $0xFFFF  }
0xbf: {  	[dreg:$0x0] =	wrdreg $0xFFFFFFFF;
	(pc) =	sbr.abs _section_cstart, $3  }
0xc0: {  	[dreg:$0x1] =	wrdreg $0xFFFFFFFF  }
0xc1: {  	_ =	task.clear_ibuf [dreg:s6], $0x2FFFF;
	_ =	strace $0x9FFFFFFF  }
0xc2: {  	(tm) =	ssettm $0x7FFFFFFF  }
0xc3: {  	_ =	shalt  }
tec
execute0_lowered:
.L_overlay_start_1:
0x0: {  	(tag) =	ssettag $0x1  }
0x1: {  	s0 =	rddreg [dreg:$0x0]  }
0x2: {  	s1 =	rddreg [dreg:$0x1];
	s2 =	srdreg.scid;
	s3 =	simm.s32 $0x0  }
0x3: {  	s12 =	stileid.u32;
	s20 =	simm.s32 $0x9800;
	s21 =	simm.s32 $0x3  }
0x4: {  	s28 =	simm.s32 $0x2;
	s29 =	simm.s32 $0x0;
	s9 =	smul.u32 $0x13C00, s12  }
0x5: {  	s2 =	sand.u32 $0x1, s2;
	[smem:$0x7FF] =	sst s3;
	s10 =	smul.u32 $0xFFFFFFB0, s12  }
0x6: {  	s6 =	sadd.s32 $0x1200, s0;
	s7 =	sadd.s32 $0xB400, s0;
	s8 =	smul.u32 $0x13C000, s2  }
0x7: {  	s4 =	sshll.u32 s2, $0x4;
	s22 =	ssub.s32 $0x2, s2;
	s2 =	smul.u32 $0xFFFFFB00, s2  }
0x8: {  	_ =	strace $0x80000047;
	s5 =	sor.u32 s12, s4;
	s12 =	smul.u32 $0x4F000, s12  }
0x9: {  	s4 =	sadd.s32 $0x15600, s0;
	s11 =	sshrl.u32 s22, $0x1;
	s5 =	smul.u32 $0x50, s5  }
0xa: {  	s8 =	sadd.s32 s9, s8;
	s11 =	ssub.s32 s22, s11;
	s2 =	sadd.s32 s2, s10  }
0xb: {  	s22 =	simm.s32 $0xC00;
	s8 =	sshrl.u32 s8, $0x3;
	s24 =	sshrl.u32 s12, $0x2  }
0xc: {  	s2 =	sadd.s32 $0x9C4, s2;
	s19 =	smax.u32 s11, $0x1;
	s0 =	sadd.s32 s8, s0  }
0xd: {  	s23 =	ssub.s32 $0x9C4, s5;
	s9 =	sadd.s32 s24, s1;
	s2 =	smin.u32 s2, $0x50  }
0xe: {  	s24 =	simm.s32 $0x1800;
	s8 =	smin.u32 s23, $0x50;
	s25 =	sadd.s32 $0x2780, s9  }
0xf: {  	s26 =	sadd.s32 $0x4F00, s9;
	s2 =	smul.u32 $0x2B, s2;
	s30 =	sadd.s32 $0x7680, s9  }
.Ltmp0:
0x10: {  	s31 =	sadd.s32 $0x9E00, s9;
	[dreg:$0x3] =	wrdreg s25;
	(pc) =	sbr.rel .LBB2_1-.Ltmp0, $4  }
0x11: {  	s14 =	sadd.s32 $0xC580, s9;
	s15 =	sadd.s32 $0xED00, s9;
	[dreg:$0x4] =	wrdreg s26  }
0x12: {  	s16 =	sadd.s32 $0x11480, s9;
	s17 =	sadd.s32 $0x3C800, s0;
	[dreg:$0x5] =	wrdreg s30  }
0x13: {  	s23 =	simm.s32 $0x80;
	[dreg:$0x6] =	wrdreg s31;
	s2 =	sadd.s32 $0x35C, s2  }
0x14: {  	v0 =	vimm.f32 $0.0e+00;
	s25 =	simm.s32 $0x5800;
	s26 =	simm.s32 $0x1;
	s18 =	sshrl.u32 s2, $0xA  }
.LBB2_9:
0x15: {  	s0 =	stileid.u32;
	s29 =	sadd.s32 $0x1, s29  }
0x16: {  	[bflag:$0x0] =	sbarrier.arrive $0xFFFF;
	s0 =	sshll.u32 s0, $0x6;
	p0 =	sne.s32 s29, s19  }
.Ltmp1:
0x17: {  	s2 =	sshrl.u32 s9, $0x3;
	s0 =	sor.u32 $0x1C03, s0;
	(pc) =	sbr.rel @!p0 .LBB2_10-.Ltmp1, $4  }
0x18: {  	[hbm:s17], [sflag:s0] =	dma.local [spmem:s2], $0x2780  }
0x19: {  	_ =	swait.ge [sflag:s21], $0x2780  }
0x1a: {  	[sflag:s21] =	ssyncset.done $0x0  }
0x1b: {  	[sflag:s21] =	ssyncadd.s32 $0xFFFFD880  }
.LBB2_1:
0x1c: {  	s0 =	simm.s32 $0x10;
	s2 =	sand.u32 $0x3FF0, s3  }
.LBB2_2:
0x1d: {  	p0 =	sne.s32 s0, $0x2770;
	[tilespmem:s2+$0x9800] =	vst v0;
	s2 =	smov.u32 s0;
	s0 =	sadd.s32 $0x10, s0  }
.Ltmp2:
0x1e: {  	(pc) =	sbr.rel @p0 .LBB2_2-.Ltmp2, $2  }
0x1f: {  	_ =	sdelay $0x2  }
0x20: {  	s2 =	sand.u32 $0x3FF0, s2  }
0x21: {  	[tilespmem:s2+$0x9800] =	vst v0  }
0x22: {  	[spmem:s9] =	stream.linear.scatter [tilespmem:s20], [sflag:$0x3], $0x2780, $0x38;
	[tilespmem:$0x1FC00] =	vst v63  }
0x23: {  	_ =	swait.ge [sflag:s21], $0x2780  }
0x24: {  	[sflag:s21] =	ssyncset.done $0x0  }
0x25: {  	s0 =	rddreg [dreg:$0x3];
	[sflag:s21] =	ssyncadd.s32 $0xFFFFD880  }
0x26: {  	[spmem:s0] =	stream.linear.scatter [tilespmem:s20], [sflag:$0x3], $0x2780, $0x38;
	[tilespmem:$0x1FC00] =	vst v63  }
0x27: {  	_ =	swait.ge [sflag:s21], $0x2780  }
0x28: {  	[sflag:s21] =	ssyncset.done $0x0  }
0x29: {  	s12 =	rddreg [dreg:$0x4];
	[sflag:s21] =	ssyncadd.s32 $0xFFFFD880  }
0x2a: {  	[spmem:s12] =	stream.linear.scatter [tilespmem:s20], [sflag:$0x3], $0x2780, $0x38;
	[tilespmem:$0x1FC00] =	vst v63  }
0x2b: {  	_ =	swait.ge [sflag:s21], $0x2780  }
0x2c: {  	[sflag:s21] =	ssyncset.done $0x0  }
0x2d: {  	s13 =	rddreg [dreg:$0x5];
	[sflag:s21] =	ssyncadd.s32 $0xFFFFD880  }
0x2e: {  	[spmem:s13] =	stream.linear.scatter [tilespmem:s20], [sflag:$0x3], $0x2780, $0x38;
	[tilespmem:$0x1FC00] =	vst v63  }
0x2f: {  	_ =	swait.ge [sflag:s21], $0x2780  }
0x30: {  	[sflag:s21] =	ssyncset.done $0x0  }
0x31: {  	s31 =	rddreg [dreg:$0x6];
	[sflag:s21] =	ssyncadd.s32 $0xFFFFD880  }
0x32: {  	[spmem:s31] =	stream.linear.scatter [tilespmem:s20], [sflag:$0x3], $0x2780, $0x38;
	[tilespmem:$0x1FC00] =	vst v63  }
0x33: {  	_ =	swait.ge [sflag:s21], $0x2780  }
0x34: {  	[sflag:s21] =	ssyncset.done $0x0  }
0x35: {  	[sflag:s21] =	ssyncadd.s32 $0xFFFFD880  }
0x36: {  	[spmem:s14] =	stream.linear.scatter [tilespmem:s20], [sflag:$0x3], $0x2780, $0x38;
	[tilespmem:$0x1FC00] =	vst v63  }
0x37: {  	_ =	swait.ge [sflag:s21], $0x2780  }
0x38: {  	[sflag:s21] =	ssyncset.done $0x0  }
0x39: {  	[sflag:s21] =	ssyncadd.s32 $0xFFFFD880  }
0x3a: {  	[spmem:s15] =	stream.linear.scatter [tilespmem:s20], [sflag:$0x3], $0x2780, $0x38;
	[tilespmem:$0x1FC00] =	vst v63  }
0x3b: {  	_ =	swait.ge [sflag:s21], $0x2780  }
0x3c: {  	[sflag:s21] =	ssyncset.done $0x0  }
0x3d: {  	[sflag:s21] =	ssyncadd.s32 $0xFFFFD880  }
0x3e: {  	[spmem:s16] =	stream.linear.scatter [tilespmem:s20], [sflag:$0x3], $0x2780, $0x38;
	[tilespmem:$0x1FC00] =	vst v63  }
.Ltmp3:
0x3f: {  	_ =	swait.ge [sflag:s21], $0x2780;
	(pc) =	sbr.rel .LBB2_4-.Ltmp3, $4  }
0x40: {  	[sflag:s21] =	ssyncset.done $0x0  }
0x41: {  	[sflag:s21] =	ssyncadd.s32 $0xFFFFD880  }
0x42: {  	[bflag:$0x0] =	sbarrier.arrive $0xFFFF  }
0x43: {  	s30 =	simm.s32 $0x0  }
.LBB2_7:
0x44: {  	[tilespmem:s25], [sflag:$0x2] =	stream.indirect.gather [hbm4b:s4+s23], $0x80, s10, s23, $0xb8;
	[tilespmem:$0x1FC00] =	vst v63  }
.LBB2_8:
0x45: {  	_ =	swait.ge [sflag:s26], $0x4000;
	s0 =	sshll.u32 s0, $0x9  }
0x46: {  	[sflag:s26] =	ssyncset.done $0x0;
	s0 =	sshra.s32 s0, $0x2  }
0x47: {  	[sflag:s26] =	ssyncadd.s32 $0xFFFFC000;
	s0 =	sadd.s32 $0xC00, s0  }
0x48: {  	[spmem:s1] =	stream.indirect.scatter.add.f32 [tilespmem:s24], [sflag:$0x3], $0x80, s0, s23, $0xb8;
	[tilespmem:$0x1FC00] =	vst v63  }
0x49: {  	_ =	swait.ge [sflag:s21], $0x4000  }
0x4a: {  	[sflag:s21] =	ssyncset.done $0x0  }
0x4b: {  	[sflag:s21] =	ssyncadd.s32 $0xFFFFC000  }
0x4c: {  	s30 =	sadd.s32 $0x1, s30;
	_ =	swait.ge [sflag:s28], $0x4000  }
0x4d: {  	s31 =	sshll.u32 s31, $0x7;
	p0 =	sne.s32 s30, s18;
	[sflag:s28] =	ssyncset.done $0x0  }
.Ltmp4:
0x4e: {  	s0 =	sadd.s32 $0xB80, s31;
	[sflag:s28] =	ssyncadd.s32 $0xFFFFC000;
	(pc) =	sbr.rel @!p0 .LBB2_9-.Ltmp4, $4  }
0x4f: {  	[spmem:s1] =	stream.indirect.scatter.add.f32 [tilespmem:s25], [sflag:$0x3], $0x80, s0, s23, $0xb8;
	[tilespmem:$0x1FC00] =	vst v63  }
0x50: {  	_ =	swait.ge [sflag:s21], $0x4000  }
0x51: {  	[sflag:s21] =	ssyncset.done $0x0  }
0x52: {  	[sflag:s21] =	ssyncadd.s32 $0xFFFFC000  }
.LBB2_4:
0x53: {  	s0 =	smul.u32 $0x18, s30;
	_ =	sdelay $0x1  }
0x54: {  	s2 =	sadd.s32 s5, s0;
	s0 =	ssub.s32 s8, s0  }
0x55: {  	s2 =	sshll.u32 s2, $0x4;
	p0 =	sgt.s32 s0, $0x0  }
0x56: {  	p1 =	slt.s32 s0, $0x1;
	s10 =	sadd.s32 s6, s2;
	s0 =	simm.s32 @!p0 $0x0  }
0x57: {  	[tilespmem:s3], [sflag:$0x3] =	stream.linear.gather [hbm4b:s10+s3], $0xC00, $0x38;
	[tilespmem:$0x1FC00] =	vst v63  }
0x58: {  	s31 =	smin.u32 s0, $0x18;
	_ =	swait.ge [sflag:s21], $0xC00  }
0x59: {  	s2 =	sadd.s32 s7, s2;
	s0 =	sadd.s32 $0xFFFFFFFE, s31;
	[sflag:s21] =	ssyncset.done $0x0  }
0x5a: {  	s13 =	sand.u32 $0x1, s31;
	s12 =	sand.u32 $0x80, s0;
	[sflag:s21] =	ssyncadd.s32 $0xFFFFF400  }
0x5b: {  	[tilespmem:s22], [sflag:$0x3] =	stream.linear.gather [hbm4b:s2+s3], $0xC00, $0x38;
	[tilespmem:$0x1FC00] =	vst v63  }
0x5c: {  	p6 =	seq.s32 s13, $0x1;
	s2 =	sshrl.u32 s12, $0x7  }
0x5d: {  	p0 =	por !p1, !p6;
	s2 =	sadd.s32 s2, s0  }
0x5e: {  	s10 =	simm.s32 $0x1;
	p0 =	por !p0, !p0;
	s2 =	sshll.u32 s2, $0x18  }
0x5f: {  	s10 =	simm.s32 @!p0 $0x0;
	s2 =	sshra.s32 s2, $0x19  }
0x60: {  	s10 =	ssub.s32 s2, s10  }
0x61: {  	_ =	swait.ge [sflag:s21], $0xC00;
	p0 =	slt.s32 s10, $0x1  }
.Ltmp5:
0x62: {  	[sflag:s21] =	ssyncset.done $0x0;
	(pc) =	sbr.rel @p0 .LBB2_8-.Ltmp5, $4  }
0x63: {  	[sflag:s21] =	ssyncadd.s32 $0xFFFFF400  }
0x64: {  	[tilespmem:s24], [sflag:$0x1] =	stream.indirect.gather [hbm4b:s4+s23], $0x80, s3, s23, $0xb8;
	[tilespmem:$0x1FC00] =	vst v63  }
0x65: {  	_ = 	snop  }
0x66: {  	[tilespmem:s25], [sflag:$0x2] =	stream.indirect.gather [hbm4b:s4+s23], $0x80, s23, s23, $0xb8;
	[tilespmem:$0x1FC00] =	vst v63  }
0x67: {  	_ =	swait.ge [sflag:s26], $0x4000  }
0x68: {  	[sflag:s26] =	ssyncset.done $0x0  }
0x69: {  	s10 =	simm.s32 $0xC00;
	[sflag:s26] =	ssyncadd.s32 $0xFFFFC000  }
0x6a: {  	[spmem:s1] =	stream.indirect.scatter.add.f32 [tilespmem:s24], [sflag:$0x3], $0x80, s10, s23, $0xb8;
	[tilespmem:$0x1FC00] =	vst v63  }
0x6b: {  	_ =	swait.ge [sflag:s21], $0x4000  }
0x6c: {  	[sflag:s21] =	ssyncset.done $0x0  }
0x6d: {  	s12 =	simm.s32 $0x100;
	[sflag:s21] =	ssyncadd.s32 $0xFFFFC000  }
0x6e: {  	[tilespmem:s24], [sflag:$0x1] =	stream.indirect.gather [hbm4b:s4+s23], $0x80, s12, s23, $0xb8;
	[tilespmem:$0x1FC00] =	vst v63  }
0x6f: {  	_ =	swait.ge [sflag:s28], $0x4000  }
0x70: {  	p0 =	sne.s32 s2, $0x1;
	[sflag:s28] =	ssyncset.done $0x0  }
.Ltmp6:
0x71: {  	s13 =	simm.s32 $0xC80;
	[sflag:s28] =	ssyncadd.s32 $0xFFFFC000;
	(pc) =	sbr.rel @!p0 .LBB2_7-.Ltmp6, $4  }
0x72: {  	[spmem:s1] =	stream.indirect.scatter.add.f32 [tilespmem:s25], [sflag:$0x3], $0x80, s13, s23, $0xb8;
	[tilespmem:$0x1FC00] =	vst v63  }
0x73: {  	_ =	swait.ge [sflag:s21], $0x4000  }
0x74: {  	s2 =	sadd.s32 $0xFFFFFFFF, s2;
	s11 =	simm.s32 $0x280;
	[sflag:s21] =	ssyncset.done $0x0  }
0x75: {  	s10 =	simm.s32 $0x180;
	s12 =	simm.s32 $0xD80;
	[sflag:s21] =	ssyncadd.s32 $0xFFFFC000  }
.LBB2_6:
0x76: {  	[tilespmem:s25], [sflag:$0x2] =	stream.indirect.gather [hbm4b:s4+s23], $0x80, s10, s23, $0xb8;
	[tilespmem:$0x1FC00] =	vst v63  }
0x77: {  	p0 =	sne.s32 s2, $0x1;
	s2 =	sadd.s32 $0xFFFFFFFF, s2;
	_ =	swait.ge [sflag:s26], $0x4000  }
0x78: {  	s10 =	smov.u32 s11;
	[sflag:s26] =	ssyncset.done $0x0  }
0x79: {  	s13 =	sadd.s32 $0xFFFFFF80, s12;
	[sflag:s26] =	ssyncadd.s32 $0xFFFFC000  }
0x7a: {  	[spmem:s1] =	stream.indirect.scatter.add.f32 [tilespmem:s24], [sflag:$0x3], $0x80, s13, s23, $0xb8;
	[tilespmem:$0x1FC00] =	vst v63  }
0x7b: {  	_ =	swait.ge [sflag:s21], $0x4000  }
0x7c: {  	[sflag:s21] =	ssyncset.done $0x0  }
0x7d: {  	s13 =	sadd.s32 $0xFFFFFF80, s11;
	[sflag:s21] =	ssyncadd.s32 $0xFFFFC000  }
0x7e: {  	[tilespmem:s24], [sflag:$0x1] =	stream.indirect.gather [hbm4b:s4+s23], $0x80, s13, s23, $0xb8;
	[tilespmem:$0x1FC00] =	vst v63  }
0x7f: {  	_ =	swait.ge [sflag:s28], $0x4000  }
0x80: {  	[sflag:s28] =	ssyncset.done $0x0  }
.Ltmp7:
0x81: {  	[sflag:s28] =	ssyncadd.s32 $0xFFFFC000;
	(pc) =	sbr.rel @p0 .LBB2_6-.Ltmp7, $4  }
0x82: {  	[spmem:s1] =	stream.indirect.scatter.add.f32 [tilespmem:s25], [sflag:$0x3], $0x80, s12, s23, $0xb8;
	[tilespmem:$0x1FC00] =	vst v63  }
0x83: {  	_ =	swait.ge [sflag:s21], $0x4000  }
0x84: {  	[sflag:s21] =	ssyncset.done $0x0  }
0x85: {  	s11 =	sadd.s32 $0x100, s11;
	s12 =	sadd.s32 $0x100, s12;
	[sflag:s21] =	ssyncadd.s32 $0xFFFFC000  }
.Ltmp8:
0x86: {  	_ = 	snop;
	(pc) =	sbr.rel .LBB2_7-.Ltmp8, $1  }
0x87: {  	_ =	sdelay $0x3  }
.LBB2_10:
0x88: {  	_ =	sfence.sel $0x180000  }
0x89: {  	[bflag:$0x0] =	sbarrier.arrive $0xFFFF  }
0x8a: {  	_ =	strace $0x90000047  }
0x8b: {  	s0 =	stileid.u32;
	[bflag:$0x2] =	sbarrier.arrive $0xFFFF  }
0x8c: {  	p0 =	sne.s32 s0, $0x0;
	s0 =	rddreg [dreg:$0x2]  }
0x8d: {  	s0 =	sadd.s32 @!p0 $0x100000, s0  }
0x8e: {  	[sflag:s0] =	ssyncadd.tile.s32 @!p0 $0x1;
	_ =	shalt  }
.Lfunc_end2:
_tile_overlayer_lowered:
.L_overlay_start_2:
0x8f: {  	(tag) =	ssettag $0x2  }
0x90: {  	s0 =	rddreg [dreg:$0x0];
	s2 =	stileid.u32  }
0x91: {  	s1 =	rddreg [dreg:$0x1];
	p0 =	sne.s32 s2, $0x0  }
0x92: {  	s3 =	rddreg [dreg:$0x2];
	[bflag:$0x3] =	sbarrier.arrive $0xFFFF;
	s2 =	simm.s32 @!p0 $0x1C03  }
0x93: {  	[timem:s3], [sflag:s2] =	dma.local @!p0 [hbm:s0], s1  }
0x94: {  	s0 =	simm.s32 @!p0 $0x3  }
0x95: {  	_ =	swait.ge @!p0 [sflag:s0], s1  }
0x96: {  	s1 =	ssub.s32 @!p0 $0x0, s1;
	[sflag:s0] =	ssyncset.done @!p0 $0x0  }
0x97: {  	[sflag:s0] =	ssyncadd.s32 @!p0 s1  }
0x98: {  	[bflag:$0x3] =	sbarrier.arrive $0xFFFF  }
0x99: {  	_ =	shalt  }

// kernel: sc_agg2.3.cloned.1.call-start
scs
__scs_entry_jumppad:
0x0: {  	(pc) =	sbr.rel $0x88, $3  }
0x1: {  	(tag) =	ssettag $0x0;
	lr =	simm.s32 $0x1  }
0x2: {  	[smem:$0x3F97] =	sst lr;
	_ =	strace $0xD0000000  }
0x3: {  	_ = 	snop  }
0x4: {  	_ = 	snop  }
0x5: {  	_ = 	snop  }
0x6: {  	_ = 	snop  }
0x7: {  	_ = 	snop  }
__scs_overlays_trampoline_lowered:
0x8: {  	[smem:$0x3FA6] =	sst s0  }
0x9: {  	[smem:$0x3FA7] =	sst s1  }
0xa: {  	[smem:$0x3FA8] =	sst s2  }
0xb: {  	[smem:$0x3FA9] =	sst s3  }
0xc: {  	[smem:$0x3FAA] =	sst s4  }
0xd: {  	[smem:$0x3FAB] =	sst s5  }
0xe: {  	[smem:$0x3FAC] =	sst s6  }
0xf: {  	[smem:$0x3FAD] =	sst s7  }
0x10: {  	[smem:$0x3FAE] =	sst s8  }
0x11: {  	[smem:$0x3FAF] =	sst s9;
	s0 =	simm.s32 @!p0 $0x0  }
0x12: {  	s1 =	sld [smem:$0x3F95];
	s0 =	simm.s32 @p0 $0x1  }
0x13: {  	[smem:$0x3FB0] =	sst s0;
	s0 =	simm.s32 @!p1 $0x0  }
0x14: {  	s2 =	sld [smem:$0x3F94];
	s0 =	simm.s32 @p1 $0x1  }
0x15: {  	[smem:$0x3FB1] =	sst s0;
	s0 =	simm.s32 @!p2 $0x0  }
0x16: {  	s3 =	sld [smem:$0x3FDB];
	s0 =	simm.s32 @p2 $0x1  }
0x17: {  	s4 =	simm.s32 $0x1BF5;
	[smem:$0x3FB3] =	sst s0  }
0x18: {  	s0 =	sld [smem:$0x3F96];
	_ =	swait.ge [sflag:s4], $0x0  }
0x19: {  	s7 =	sld [smem:$0x3F97]  }
0x1a: {  	s8 =	sadd.s32 $0xFFFFE003, lr  }
0x1b: {  	s9 =	sadd.s32 $0xFFFFFEF7, lr;
	s5 =	simm.s32 $0xFFFFFFFF;
	p2 =	slt.u32 s8, $0xFFFFF086  }
0x1c: {  	p1 =	slt.u32 s9, $0xF7A;
	s5 =	simm.s32 @!p2 $0x0  }
0x1d: {  	s5 =	simm.s32 @p1 $0x1;
	p0 =	seq.s32 s7, s2  }
0x1e: {  	s7 =	smul.u32 @!p0 $0xF7A, s2;
	p2 =	seq.s32 @!p0 s5, $0x0  }
0x1f: {  	s9 =	smul.u32 $0xF7A, s1;
	s8 =	simm.s32 @!p0 $0x1BF5;
	p2 =	por !p2, p0  }
0x20: {  	[sflag:s8] =	ssyncset.s32 @!p0 $0xFFFFF086;
	s6 =	sadd.s32 @!p0 s3, s7;
	s7 =	simm.s32 @!p0 $0x108  }
0x21: {  	s3 =	sadd.s32 s3, s9;
	s6 =	sadd.s32 @!p0 $0x88, s6;
	s7 =	simm.s32 @p2 $0x1082  }
0x22: {  	[simem:s7], [sflag:s8] =	dma.local @!p0 [hbm:s6], $0xF7A  }
0x23: {  	s9 =	sor.u32 $0xD0000000, s2;
	s6 =	simm.s32 $0x108;
	_ =	swait.ge @!p0 [sflag:s8], $0x0  }
0x24: {  	s3 =	sadd.s32 $0x88, s3;
	s6 =	simm.s32 @!p1 $0x1082;
	[sflag:s4] =	ssyncset.s32 $0xFFFFF086  }
0x25: {  	[simem:s6], [sflag:s4] =	dma.local [hbm:s3], $0xF7A  }
0x26: {  	[smem:$0x3F97] =	sst s1;
	(tag) =	ssettag s2;
	_ =	strace s9  }
0x27: {  	s1 =	sld [smem:$0x3FA7]  }
0x28: {  	s2 =	sld [smem:$0x3FA8]  }
0x29: {  	s4 =	sld [smem:$0x3FAA]  }
0x2a: {  	p0 =	seq.s32 s5, $0x0;
	s5 =	sld [smem:$0x3FAB]  }
0x2b: {  	s6 =	sld [smem:$0x3FAC]  }
0x2c: {  	s7 =	sld [smem:$0x3FAD]  }
0x2d: {  	s3 =	simm.s32 $0x108;
	s8 =	sld [smem:$0x3FAE]  }
0x2e: {  	s3 =	simm.s32 @!p0 $0x1082;
	s9 =	sld [smem:$0x3FAF]  }
0x2f: {  	lr =	sadd.s32 s0, s3;
	s0 =	sld [smem:$0x3FA6]  }
0x30: {  	s3 =	sld [smem:$0x3FA9]  }
0x31: {  	[smem:$0x3FB2] =	sst s10  }
0x32: {  	s10 =	sld [smem:$0x3FB0];
	_ =	sdelay $0x3  }
0x33: {  	p0 =	seq.s32 s10, $0x1;
	s10 =	sld [smem:$0x3FB2];
	_ =	sdelay $0x3  }
0x34: {  	[smem:$0x3FB2] =	sst s10  }
0x35: {  	s10 =	sld [smem:$0x3FB1];
	_ =	sdelay $0x3  }
0x36: {  	p1 =	seq.s32 s10, $0x1;
	s10 =	sld [smem:$0x3FB2];
	_ =	sdelay $0x3  }
0x37: {  	[smem:$0x3FB2] =	sst s10  }
0x38: {  	s10 =	sld [smem:$0x3FB3]  }
0x39: {  	_ = 	snop;
	(pc) =	sbr.ind lr, $3  }
0x3a: {  	_ = 	snop  }
0x3b: {  	_ = 	snop  }
0x3c: {  	p2 =	seq.s32 s10, $0x1;
	s10 =	sld [smem:$0x3FB2]  }
0x3d: {  	_ =	shalt  }
0x3e: {  	_ =	shalt  }
0x3f: {  	_ =	shalt  }
0x40: {  	_ =	shalt  }
0x41: {  	_ =	shalt  }
0x42: {  	_ =	shalt  }
0x43: {  	_ =	shalt  }
0x44: {  	_ =	shalt  }
0x45: {  	_ =	shalt  }
0x46: {  	_ =	shalt  }
0x47: {  	_ =	shalt  }
0x48: {  	_ =	shalt  }
0x49: {  	_ =	shalt  }
0x4a: {  	_ =	shalt  }
0x4b: {  	_ =	shalt  }
0x4c: {  	_ =	shalt  }
0x4d: {  	_ =	shalt  }
0x4e: {  	_ =	shalt  }
0x4f: {  	_ =	shalt  }
0x50: {  	_ =	shalt  }
0x51: {  	_ =	shalt  }
0x52: {  	_ =	shalt  }
0x53: {  	_ =	shalt  }
0x54: {  	_ =	shalt  }
0x55: {  	_ =	shalt  }
0x56: {  	_ =	shalt  }
0x57: {  	_ =	shalt  }
0x58: {  	_ =	shalt  }
0x59: {  	_ =	shalt  }
0x5a: {  	_ =	shalt  }
0x5b: {  	_ =	shalt  }
0x5c: {  	_ =	shalt  }
0x5d: {  	_ =	shalt  }
0x5e: {  	_ =	shalt  }
0x5f: {  	_ =	shalt  }
0x60: {  	_ =	shalt  }
0x61: {  	_ =	shalt  }
0x62: {  	_ =	shalt  }
0x63: {  	_ =	shalt  }
0x64: {  	_ =	shalt  }
0x65: {  	_ =	shalt  }
0x66: {  	_ =	shalt  }
0x67: {  	_ =	shalt  }
0x68: {  	_ =	shalt  }
0x69: {  	_ =	shalt  }
0x6a: {  	_ =	shalt  }
0x6b: {  	_ =	shalt  }
0x6c: {  	_ =	shalt  }
0x6d: {  	_ =	shalt  }
0x6e: {  	_ =	shalt  }
0x6f: {  	_ =	shalt  }
0x70: {  	_ =	shalt  }
0x71: {  	_ =	shalt  }
0x72: {  	_ =	shalt  }
0x73: {  	_ =	shalt  }
0x74: {  	_ =	shalt  }
0x75: {  	_ =	shalt  }
0x76: {  	_ =	shalt  }
0x77: {  	_ =	shalt  }
0x78: {  	_ =	shalt  }
0x79: {  	_ =	shalt  }
0x7a: {  	_ =	shalt  }
0x7b: {  	_ =	shalt  }
0x7c: {  	_ =	shalt  }
0x7d: {  	_ =	shalt  }
0x7e: {  	_ =	shalt  }
0x7f: {  	_ =	shalt  }
0x80: {  	_ =	shalt  }
0x81: {  	_ =	shalt  }
0x82: {  	_ =	shalt  }
0x83: {  	_ =	shalt  }
0x84: {  	_ =	shalt  }
0x85: {  	_ =	shalt  }
0x86: {  	_ =	shalt  }
0x87: {  	_ =	shalt  }
.Lfunc_end0:
.L_simem_size_0:
called_computation.1_lowered:
.L_overlay_start_0:
0x88: {  	s2 =	sld [smem:$0x3FD9]  }
0x89: {  	s3 =	sld [smem:$0x3FFE];
	_ =	sdelay $0x1  }
0x8a: {  	s1 =	srdreg.scid  }
0x8b: {  	s0 =	sand.u32 $0x1, s1  }
0x8c: {  	s16 =	sshll.u32 s0, $0xA;
	s2 =	sadd.s32 s3, s2  }
0x8d: {  	s2 =	sadd.s32 s2, s16  }
0x8e: {  	[smem:$0x3FBE] =	sst s2  }
0x8f: {  	_ = 	snop  }
0x90: {  	(tm) =	ssettm $0x1  }
0x91: {  	s17 =	sld [smem:$0x3FFB];
	_ =	sdelay $0x3  }
0x92: {  	_ =	strace s17  }
0x93: {  	s2 =	sld [smem:$0x3FFC];
	_ =	sdelay $0x3  }
0x94: {  	_ =	strace s2  }
0x95: {  	s2 =	sld [smem:$0x3FFD];
	_ =	sdelay $0x3  }
0x96: {  	_ =	strace s2  }
0x97: {  	_ =	strace $0x8FFFFFFF  }
0x98: {  	s18 =	sld [smem:$0x3FDB];
	_ =	sdelay $0x1  }
0x99: {  	s19 =	simm.s32 $_scs_section_size  }
0x9a: {  	s4 =	simm.s32 $_size__tile_overlayer_lowered;
	s5 =	simm.s32 $_tile_overlayer_lowered  }
0x9b: {  	s22 =	simm.s32 $0x1BFF;
	s21 =	sshll.u32 s5, $0x1;
	s2 =	sadd.s32 s19, s18  }
0x9c: {  	s6 =	simm.s32 $0x0;
	s20 =	sshll.u32 s4, $0x1;
	s4 =	sadd.s32 s21, s2  }
0x9d: {  	[timem:s6], [sflag:s22] =	dma.local [hbm:s4], s20  }
0x9e: {  	_ =	swait.ge [sflag:s22], s20  }
0x9f: {  	s3 =	ssub.s32 $0x0, s20;
	[sflag:s22] =	ssyncset.done $0x0  }
0xa0: {  	[sflag:s22] =	ssyncadd.s32 s3;
	_ =	sdelay $0x1  }
0xa1: {  	s23 =	simm.s32 $0x1B8B  }
0xa2: {  	_ =	swait.ge [sflag:s23], $0x1  }
0xa3: {  	[sflag:s23] =	ssyncset.done $0x0  }
0xa4: {  	s25 =	simm.s32 $0x1B8E;
	s24 =	sld [smem:$0x3FFE];
	[sflag:s23] =	ssyncadd.s32 $0xFFFFFFFF  }
0xa5: {  	s26 =	simm.s32 $execute0_lowered;
	[smem:$0x3FD2] =	sst s25  }
0xa6: {  	s4 =	sshll.u32 s26, $0x1;
	_ =	strace $0x80000049;
	[dreg:$0x1] =	wrdreg $0xFFFFFFFF  }
0xa7: {  	s28 =	simm.s32 $_size_execute0_lowered;
	s2 =	sadd.s32 s2, s4;
	[dreg:$0x0] =	wrdreg $0x0  }
0xa8: {  	s4 =	sshll.u32 s28, $0x1;
	[dreg:$0x2] =	wrdreg s2  }
0xa9: {  	[dreg:$0x3] =	wrdreg s4  }
0xaa: {  	[dreg:$0x4] =	wrdreg $0xC0  }
0xab: {  	_ =	task [dreg:s6], $0x5FFFF  }
0xac: {  	[dreg:$0x1] =	wrdreg $0xFFFFFFFF  }
0xad: {  	[dreg:$0x0] =	wrdreg $0x60  }
0xae: {  	[dreg:$0x2] =	wrdreg s24  }
0xaf: {  	[dreg:$0x3] =	wrdreg $0xC0000  }
0xb0: {  	[dreg:$0x4] =	wrdreg $0x9  }
0xb1: {  	_ =	task.clear_ibuf [dreg:s6], $0x5FFFF;
	_ =	strace $0x90000049  }
0xb2: {  	s29 =	simm.s32 $0x9;
	_ =	strace $0x8000004B  }
0xb3: {  	_ =	swait.ge [sflag:s29], $0x1  }
0xb4: {  	[sflag:s29] =	ssyncadd.s32 $0xFFFFFFFF  }
0xb5: {  	_ =	strace $0x9000004B  }
0xb6: {  	_ =	sfence  }
0xb7: {  	s30 =	sld [smem:$0x0];
	_ =	sdelay $0x2  }
0xb8: {  	s31 =	sshll.u32 s1, $0xD;
	s1 =	sshrl.u32 s1, $0x2  }
0xb9: {  	s3 =	sand.u32 $0x4000, s31;
	s1 =	sadd.s32 s1, s30  }
0xba: {  	s0 =	sor.u32 s3, s0;
	s1 =	sshll.u32 s1, $0x11  }
0xbb: {  	s0 =	sor.u32 s1, s0  }
0xbc: {  	s0 =	sadd.s32 $0x8F2B, s0  }
0xbd: {  	[sflag:s0] =	ssyncadd.remote.s32 $0x1  }
0xbe: {  	_ =	sfence.sel $0xFFFF  }
0xbf: {  	[dreg:$0x0] =	wrdreg $0xFFFFFFFF;
	(pc) =	sbr.abs _section_cstart, $3  }
0xc0: {  	[dreg:$0x1] =	wrdreg $0xFFFFFFFF  }
0xc1: {  	_ =	task.clear_ibuf [dreg:s6], $0x2FFFF;
	_ =	strace $0x9FFFFFFF  }
0xc2: {  	(tm) =	ssettm $0x7FFFFFFF  }
0xc3: {  	_ =	shalt  }
tec
execute0_lowered:
.L_overlay_start_1:
0x0: {  	(tag) =	ssettag $0x1  }
0x1: {  	s0 =	rddreg [dreg:$0x0]  }
0x2: {  	s1 =	rddreg [dreg:$0x1];
	s2 =	srdreg.scid;
	s3 =	simm.s32 $0x0  }
0x3: {  	s12 =	stileid.u32;
	s20 =	simm.s32 $0x9800;
	s21 =	simm.s32 $0x3  }
0x4: {  	s28 =	simm.s32 $0x2;
	s29 =	simm.s32 $0x0;
	s9 =	smul.u32 $0x13C00, s12  }
0x5: {  	s2 =	sand.u32 $0x1, s2;
	[smem:$0x7FF] =	sst s3;
	s10 =	smul.u32 $0xFFFFFFB0, s12  }
0x6: {  	s6 =	sadd.s32 $0x1200, s0;
	s7 =	sadd.s32 $0xB400, s0;
	s8 =	smul.u32 $0x13C000, s2  }
0x7: {  	s4 =	sshll.u32 s2, $0x4;
	s22 =	ssub.s32 $0x2, s2;
	s2 =	smul.u32 $0xFFFFFB00, s2  }
0x8: {  	_ =	strace $0x8000004A;
	s5 =	sor.u32 s12, s4;
	s12 =	smul.u32 $0x4F000, s12  }
0x9: {  	s4 =	sadd.s32 $0x15600, s0;
	s11 =	sshrl.u32 s22, $0x1;
	s5 =	smul.u32 $0x50, s5  }
0xa: {  	s8 =	sadd.s32 s9, s8;
	s11 =	ssub.s32 s22, s11;
	s2 =	sadd.s32 s2, s10  }
0xb: {  	s22 =	simm.s32 $0xC00;
	s8 =	sshrl.u32 s8, $0x3;
	s24 =	sshrl.u32 s12, $0x2  }
0xc: {  	s2 =	sadd.s32 $0x9C4, s2;
	s19 =	smax.u32 s11, $0x1;
	s0 =	sadd.s32 s8, s0  }
0xd: {  	s23 =	ssub.s32 $0x9C4, s5;
	s9 =	sadd.s32 s24, s1;
	s2 =	smin.u32 s2, $0x50  }
0xe: {  	s24 =	simm.s32 $0x1800;
	s8 =	smin.u32 s23, $0x50;
	s25 =	sadd.s32 $0x2780, s9  }
0xf: {  	s26 =	sadd.s32 $0x4F00, s9;
	s2 =	smul.u32 $0x2B, s2;
	s30 =	sadd.s32 $0x7680, s9  }
.Ltmp0:
0x10: {  	s31 =	sadd.s32 $0x9E00, s9;
	[dreg:$0x3] =	wrdreg s25;
	(pc) =	sbr.rel .LBB2_1-.Ltmp0, $4  }
0x11: {  	s14 =	sadd.s32 $0xC580, s9;
	s15 =	sadd.s32 $0xED00, s9;
	[dreg:$0x4] =	wrdreg s26  }
0x12: {  	s16 =	sadd.s32 $0x11480, s9;
	s17 =	sadd.s32 $0x3C800, s0;
	[dreg:$0x5] =	wrdreg s30  }
0x13: {  	s23 =	simm.s32 $0x80;
	[dreg:$0x6] =	wrdreg s31;
	s2 =	sadd.s32 $0x35C, s2  }
0x14: {  	v0 =	vimm.f32 $0.0e+00;
	s25 =	simm.s32 $0x5800;
	s26 =	simm.s32 $0x1;
	s18 =	sshrl.u32 s2, $0xA  }
.LBB2_9:
0x15: {  	s0 =	stileid.u32;
	s29 =	sadd.s32 $0x1, s29  }
0x16: {  	[bflag:$0x0] =	sbarrier.arrive $0xFFFF;
	s0 =	sshll.u32 s0, $0x6;
	p0 =	sne.s32 s29, s19  }
.Ltmp1:
0x17: {  	s2 =	sshrl.u32 s9, $0x3;
	s0 =	sor.u32 $0x1C03, s0;
	(pc) =	sbr.rel @!p0 .LBB2_10-.Ltmp1, $4  }
0x18: {  	[hbm:s17], [sflag:s0] =	dma.local [spmem:s2], $0x2780  }
0x19: {  	_ =	swait.ge [sflag:s21], $0x2780  }
0x1a: {  	[sflag:s21] =	ssyncset.done $0x0  }
0x1b: {  	[sflag:s21] =	ssyncadd.s32 $0xFFFFD880  }
.LBB2_1:
0x1c: {  	s0 =	simm.s32 $0x10;
	s2 =	sand.u32 $0x3FF0, s3  }
.LBB2_2:
0x1d: {  	p0 =	sne.s32 s0, $0x2770;
	[tilespmem:s2+$0x9800] =	vst v0;
	s2 =	smov.u32 s0;
	s0 =	sadd.s32 $0x10, s0  }
.Ltmp2:
0x1e: {  	(pc) =	sbr.rel @p0 .LBB2_2-.Ltmp2, $2  }
0x1f: {  	_ =	sdelay $0x2  }
0x20: {  	s2 =	sand.u32 $0x3FF0, s2  }
0x21: {  	[tilespmem:s2+$0x9800] =	vst v0  }
0x22: {  	[spmem:s9] =	stream.linear.scatter [tilespmem:s20], [sflag:$0x3], $0x2780, $0x38;
	[tilespmem:$0x1FC00] =	vst v63  }
0x23: {  	_ =	swait.ge [sflag:s21], $0x2780  }
0x24: {  	[sflag:s21] =	ssyncset.done $0x0  }
0x25: {  	s0 =	rddreg [dreg:$0x3];
	[sflag:s21] =	ssyncadd.s32 $0xFFFFD880  }
0x26: {  	[spmem:s0] =	stream.linear.scatter [tilespmem:s20], [sflag:$0x3], $0x2780, $0x38;
	[tilespmem:$0x1FC00] =	vst v63  }
0x27: {  	_ =	swait.ge [sflag:s21], $0x2780  }
0x28: {  	[sflag:s21] =	ssyncset.done $0x0  }
0x29: {  	s12 =	rddreg [dreg:$0x4];
	[sflag:s21] =	ssyncadd.s32 $0xFFFFD880  }
0x2a: {  	[spmem:s12] =	stream.linear.scatter [tilespmem:s20], [sflag:$0x3], $0x2780, $0x38;
	[tilespmem:$0x1FC00] =	vst v63  }
0x2b: {  	_ =	swait.ge [sflag:s21], $0x2780  }
0x2c: {  	[sflag:s21] =	ssyncset.done $0x0  }
0x2d: {  	s13 =	rddreg [dreg:$0x5];
	[sflag:s21] =	ssyncadd.s32 $0xFFFFD880  }
0x2e: {  	[spmem:s13] =	stream.linear.scatter [tilespmem:s20], [sflag:$0x3], $0x2780, $0x38;
	[tilespmem:$0x1FC00] =	vst v63  }
0x2f: {  	_ =	swait.ge [sflag:s21], $0x2780  }
0x30: {  	[sflag:s21] =	ssyncset.done $0x0  }
0x31: {  	s31 =	rddreg [dreg:$0x6];
	[sflag:s21] =	ssyncadd.s32 $0xFFFFD880  }
0x32: {  	[spmem:s31] =	stream.linear.scatter [tilespmem:s20], [sflag:$0x3], $0x2780, $0x38;
	[tilespmem:$0x1FC00] =	vst v63  }
0x33: {  	_ =	swait.ge [sflag:s21], $0x2780  }
0x34: {  	[sflag:s21] =	ssyncset.done $0x0  }
0x35: {  	[sflag:s21] =	ssyncadd.s32 $0xFFFFD880  }
0x36: {  	[spmem:s14] =	stream.linear.scatter [tilespmem:s20], [sflag:$0x3], $0x2780, $0x38;
	[tilespmem:$0x1FC00] =	vst v63  }
0x37: {  	_ =	swait.ge [sflag:s21], $0x2780  }
0x38: {  	[sflag:s21] =	ssyncset.done $0x0  }
0x39: {  	[sflag:s21] =	ssyncadd.s32 $0xFFFFD880  }
0x3a: {  	[spmem:s15] =	stream.linear.scatter [tilespmem:s20], [sflag:$0x3], $0x2780, $0x38;
	[tilespmem:$0x1FC00] =	vst v63  }
0x3b: {  	_ =	swait.ge [sflag:s21], $0x2780  }
0x3c: {  	[sflag:s21] =	ssyncset.done $0x0  }
0x3d: {  	[sflag:s21] =	ssyncadd.s32 $0xFFFFD880  }
0x3e: {  	[spmem:s16] =	stream.linear.scatter [tilespmem:s20], [sflag:$0x3], $0x2780, $0x38;
	[tilespmem:$0x1FC00] =	vst v63  }
.Ltmp3:
0x3f: {  	_ =	swait.ge [sflag:s21], $0x2780;
	(pc) =	sbr.rel .LBB2_4-.Ltmp3, $4  }
0x40: {  	[sflag:s21] =	ssyncset.done $0x0  }
0x41: {  	[sflag:s21] =	ssyncadd.s32 $0xFFFFD880  }
0x42: {  	[bflag:$0x0] =	sbarrier.arrive $0xFFFF  }
0x43: {  	s30 =	simm.s32 $0x0  }
.LBB2_7:
0x44: {  	[tilespmem:s25], [sflag:$0x2] =	stream.indirect.gather [hbm4b:s4+s23], $0x80, s10, s23, $0xb8;
	[tilespmem:$0x1FC00] =	vst v63  }
.LBB2_8:
0x45: {  	_ =	swait.ge [sflag:s26], $0x4000;
	s0 =	sshll.u32 s0, $0x9  }
0x46: {  	[sflag:s26] =	ssyncset.done $0x0;
	s0 =	sshra.s32 s0, $0x2  }
0x47: {  	[sflag:s26] =	ssyncadd.s32 $0xFFFFC000;
	s0 =	sadd.s32 $0xC00, s0  }
0x48: {  	[spmem:s1] =	stream.indirect.scatter.add.f32 [tilespmem:s24], [sflag:$0x3], $0x80, s0, s23, $0xb8;
	[tilespmem:$0x1FC00] =	vst v63  }
0x49: {  	_ =	swait.ge [sflag:s21], $0x4000  }
0x4a: {  	[sflag:s21] =	ssyncset.done $0x0  }
0x4b: {  	[sflag:s21] =	ssyncadd.s32 $0xFFFFC000  }
0x4c: {  	s30 =	sadd.s32 $0x1, s30;
	_ =	swait.ge [sflag:s28], $0x4000  }
0x4d: {  	s31 =	sshll.u32 s31, $0x7;
	p0 =	sne.s32 s30, s18;
	[sflag:s28] =	ssyncset.done $0x0  }
.Ltmp4:
0x4e: {  	s0 =	sadd.s32 $0xB80, s31;
	[sflag:s28] =	ssyncadd.s32 $0xFFFFC000;
	(pc) =	sbr.rel @!p0 .LBB2_9-.Ltmp4, $4  }
0x4f: {  	[spmem:s1] =	stream.indirect.scatter.add.f32 [tilespmem:s25], [sflag:$0x3], $0x80, s0, s23, $0xb8;
	[tilespmem:$0x1FC00] =	vst v63  }
0x50: {  	_ =	swait.ge [sflag:s21], $0x4000  }
0x51: {  	[sflag:s21] =	ssyncset.done $0x0  }
0x52: {  	[sflag:s21] =	ssyncadd.s32 $0xFFFFC000  }
.LBB2_4:
0x53: {  	s0 =	smul.u32 $0x18, s30;
	_ =	sdelay $0x1  }
0x54: {  	s2 =	sadd.s32 s5, s0;
	s0 =	ssub.s32 s8, s0  }
0x55: {  	s2 =	sshll.u32 s2, $0x4;
	p0 =	sgt.s32 s0, $0x0  }
0x56: {  	p1 =	slt.s32 s0, $0x1;
	s10 =	sadd.s32 s6, s2;
	s0 =	simm.s32 @!p0 $0x0  }
0x57: {  	[tilespmem:s3], [sflag:$0x3] =	stream.linear.gather [hbm4b:s10+s3], $0xC00, $0x38;
	[tilespmem:$0x1FC00] =	vst v63  }
0x58: {  	s31 =	smin.u32 s0, $0x18;
	_ =	swait.ge [sflag:s21], $0xC00  }
0x59: {  	s2 =	sadd.s32 s7, s2;
	s0 =	sadd.s32 $0xFFFFFFFE, s31;
	[sflag:s21] =	ssyncset.done $0x0  }
0x5a: {  	s13 =	sand.u32 $0x1, s31;
	s12 =	sand.u32 $0x80, s0;
	[sflag:s21] =	ssyncadd.s32 $0xFFFFF400  }
0x5b: {  	[tilespmem:s22], [sflag:$0x3] =	stream.linear.gather [hbm4b:s2+s3], $0xC00, $0x38;
	[tilespmem:$0x1FC00] =	vst v63  }
0x5c: {  	p6 =	seq.s32 s13, $0x1;
	s2 =	sshrl.u32 s12, $0x7  }
0x5d: {  	p0 =	por !p1, !p6;
	s2 =	sadd.s32 s2, s0  }
0x5e: {  	s10 =	simm.s32 $0x1;
	p0 =	por !p0, !p0;
	s2 =	sshll.u32 s2, $0x18  }
0x5f: {  	s10 =	simm.s32 @!p0 $0x0;
	s2 =	sshra.s32 s2, $0x19  }
0x60: {  	s10 =	ssub.s32 s2, s10  }
0x61: {  	_ =	swait.ge [sflag:s21], $0xC00;
	p0 =	slt.s32 s10, $0x1  }
.Ltmp5:
0x62: {  	[sflag:s21] =	ssyncset.done $0x0;
	(pc) =	sbr.rel @p0 .LBB2_8-.Ltmp5, $4  }
0x63: {  	[sflag:s21] =	ssyncadd.s32 $0xFFFFF400  }
0x64: {  	[tilespmem:s24], [sflag:$0x1] =	stream.indirect.gather [hbm4b:s4+s23], $0x80, s3, s23, $0xb8;
	[tilespmem:$0x1FC00] =	vst v63  }
0x65: {  	_ = 	snop  }
0x66: {  	[tilespmem:s25], [sflag:$0x2] =	stream.indirect.gather [hbm4b:s4+s23], $0x80, s23, s23, $0xb8;
	[tilespmem:$0x1FC00] =	vst v63  }
0x67: {  	_ =	swait.ge [sflag:s26], $0x4000  }
0x68: {  	[sflag:s26] =	ssyncset.done $0x0  }
0x69: {  	s10 =	simm.s32 $0xC00;
	[sflag:s26] =	ssyncadd.s32 $0xFFFFC000  }
0x6a: {  	[spmem:s1] =	stream.indirect.scatter.add.f32 [tilespmem:s24], [sflag:$0x3], $0x80, s10, s23, $0xb8;
	[tilespmem:$0x1FC00] =	vst v63  }
0x6b: {  	_ =	swait.ge [sflag:s21], $0x4000  }
0x6c: {  	[sflag:s21] =	ssyncset.done $0x0  }
0x6d: {  	s12 =	simm.s32 $0x100;
	[sflag:s21] =	ssyncadd.s32 $0xFFFFC000  }
0x6e: {  	[tilespmem:s24], [sflag:$0x1] =	stream.indirect.gather [hbm4b:s4+s23], $0x80, s12, s23, $0xb8;
	[tilespmem:$0x1FC00] =	vst v63  }
0x6f: {  	_ =	swait.ge [sflag:s28], $0x4000  }
0x70: {  	p0 =	sne.s32 s2, $0x1;
	[sflag:s28] =	ssyncset.done $0x0  }
.Ltmp6:
0x71: {  	s13 =	simm.s32 $0xC80;
	[sflag:s28] =	ssyncadd.s32 $0xFFFFC000;
	(pc) =	sbr.rel @!p0 .LBB2_7-.Ltmp6, $4  }
0x72: {  	[spmem:s1] =	stream.indirect.scatter.add.f32 [tilespmem:s25], [sflag:$0x3], $0x80, s13, s23, $0xb8;
	[tilespmem:$0x1FC00] =	vst v63  }
0x73: {  	_ =	swait.ge [sflag:s21], $0x4000  }
0x74: {  	s2 =	sadd.s32 $0xFFFFFFFF, s2;
	s11 =	simm.s32 $0x280;
	[sflag:s21] =	ssyncset.done $0x0  }
0x75: {  	s10 =	simm.s32 $0x180;
	s12 =	simm.s32 $0xD80;
	[sflag:s21] =	ssyncadd.s32 $0xFFFFC000  }
.LBB2_6:
0x76: {  	[tilespmem:s25], [sflag:$0x2] =	stream.indirect.gather [hbm4b:s4+s23], $0x80, s10, s23, $0xb8;
	[tilespmem:$0x1FC00] =	vst v63  }
0x77: {  	p0 =	sne.s32 s2, $0x1;
	s2 =	sadd.s32 $0xFFFFFFFF, s2;
	_ =	swait.ge [sflag:s26], $0x4000  }
0x78: {  	s10 =	smov.u32 s11;
	[sflag:s26] =	ssyncset.done $0x0  }
0x79: {  	s13 =	sadd.s32 $0xFFFFFF80, s12;
	[sflag:s26] =	ssyncadd.s32 $0xFFFFC000  }
0x7a: {  	[spmem:s1] =	stream.indirect.scatter.add.f32 [tilespmem:s24], [sflag:$0x3], $0x80, s13, s23, $0xb8;
	[tilespmem:$0x1FC00] =	vst v63  }
0x7b: {  	_ =	swait.ge [sflag:s21], $0x4000  }
0x7c: {  	[sflag:s21] =	ssyncset.done $0x0  }
0x7d: {  	s13 =	sadd.s32 $0xFFFFFF80, s11;
	[sflag:s21] =	ssyncadd.s32 $0xFFFFC000  }
0x7e: {  	[tilespmem:s24], [sflag:$0x1] =	stream.indirect.gather [hbm4b:s4+s23], $0x80, s13, s23, $0xb8;
	[tilespmem:$0x1FC00] =	vst v63  }
0x7f: {  	_ =	swait.ge [sflag:s28], $0x4000  }
0x80: {  	[sflag:s28] =	ssyncset.done $0x0  }
.Ltmp7:
0x81: {  	[sflag:s28] =	ssyncadd.s32 $0xFFFFC000;
	(pc) =	sbr.rel @p0 .LBB2_6-.Ltmp7, $4  }
0x82: {  	[spmem:s1] =	stream.indirect.scatter.add.f32 [tilespmem:s25], [sflag:$0x3], $0x80, s12, s23, $0xb8;
	[tilespmem:$0x1FC00] =	vst v63  }
0x83: {  	_ =	swait.ge [sflag:s21], $0x4000  }
0x84: {  	[sflag:s21] =	ssyncset.done $0x0  }
0x85: {  	s11 =	sadd.s32 $0x100, s11;
	s12 =	sadd.s32 $0x100, s12;
	[sflag:s21] =	ssyncadd.s32 $0xFFFFC000  }
.Ltmp8:
0x86: {  	_ = 	snop;
	(pc) =	sbr.rel .LBB2_7-.Ltmp8, $1  }
0x87: {  	_ =	sdelay $0x3  }
.LBB2_10:
0x88: {  	_ =	sfence.sel $0x180000  }
0x89: {  	[bflag:$0x0] =	sbarrier.arrive $0xFFFF  }
0x8a: {  	_ =	strace $0x9000004A  }
0x8b: {  	s0 =	stileid.u32;
	[bflag:$0x2] =	sbarrier.arrive $0xFFFF  }
0x8c: {  	p0 =	sne.s32 s0, $0x0;
	s0 =	rddreg [dreg:$0x2]  }
0x8d: {  	s0 =	sadd.s32 @!p0 $0x100000, s0  }
0x8e: {  	[sflag:s0] =	ssyncadd.tile.s32 @!p0 $0x1;
	_ =	shalt  }
.Lfunc_end2:
_tile_overlayer_lowered:
.L_overlay_start_2:
0x8f: {  	(tag) =	ssettag $0x2  }
0x90: {  	s0 =	rddreg [dreg:$0x0];
	s2 =	stileid.u32  }
0x91: {  	s1 =	rddreg [dreg:$0x1];
	p0 =	sne.s32 s2, $0x0  }
0x92: {  	s3 =	rddreg [dreg:$0x2];
	[bflag:$0x3] =	sbarrier.arrive $0xFFFF;
	s2 =	simm.s32 @!p0 $0x1C03  }
0x93: {  	[timem:s3], [sflag:s2] =	dma.local @!p0 [hbm:s0], s1  }
0x94: {  	s0 =	simm.s32 @!p0 $0x3  }
0x95: {  	_ =	swait.ge @!p0 [sflag:s0], s1  }
0x96: {  	s1 =	ssub.s32 @!p0 $0x0, s1;
	[sflag:s0] =	ssyncset.done @!p0 $0x0  }
0x97: {  	[sflag:s0] =	ssyncadd.s32 @!p0 s1  }
0x98: {  	[bflag:$0x3] =	sbarrier.arrive $0xFFFF  }
0x99: {  	_ =	shalt  }

</sc_bundles>
